<compile_context>
chip_gen: v7x
topology: tpu7x:2x2x1
jax: 0.10.2.dev20260603
libtpu: 0.0.44.dev20260713+nightly
codegen_flags: <defaults>
</compile_context>

<pallas_src>
import jax
import jax.numpy as jnp
from jax import lax
from jax.experimental import pallas as pl
from jax.experimental.pallas import tpu as pltpu
from jax.experimental.pallas import tpu_sc as plsc

N = 10000
E = 320000
D = 128
D_OUT = 64
NC = 2
NS = 16
NW = NC * NS
EPW = E // NW
CHUNK = 80
NCHUNK = EPW // CHUNK
RPT = 624
TAIL0 = NS * RPT
TAILN = N - TAIL0

_mesh = plsc.VectorSubcoreMesh(
    core_axis_name="c", subcore_axis_name="s", num_cores=NC, num_subcores=NS)


def _fill(ref, rows, cols, vec):
    def row(i, _):
        def col(j, __):
            ref[i, pl.ds(j * 16, 16)] = vec
            return __
        return lax.fori_loop(0, cols // 16, col, _)
    lax.fori_loop(0, rows, row, 0)


def _zero_spmem_rows(acc, zbuf, s):
    r0 = s * RPT
    def z(k, _):
        pltpu.sync_copy(zbuf, acc.at[pl.ds(r0 + k * 16, 16)])
        return _
    lax.fori_loop(0, RPT // 16, z, 0)

    @pl.when(s == 0)
    def _tail():
        pltpu.sync_copy(zbuf, acc.at[pl.ds(TAIL0, TAILN)])


def _copy_out(acc, out, c, s):
    r0 = s * RPT
    pltpu.sync_copy(acc.at[pl.ds(r0, RPT)], out.at[pl.ds(c * N + r0, RPT)])

    @pl.when(s == 0)
    def _tail_out():
        pltpu.sync_copy(acc.at[pl.ds(TAIL0, TAILN)],
                        out.at[pl.ds(c * N + TAIL0, TAILN)])


_NIB = 4
_NRB = 2
NQUAD = NCHUNK // _NIB


@pl.kernel(out_type=[jax.ShapeDtypeStruct((NC * N, D), jnp.float32),
                     jax.ShapeDtypeStruct((NC * N, D), jnp.float32)],
           mesh=_mesh,
           scratch_types=(
               [pltpu.VMEM((CHUNK,), jnp.int32) for _ in range(2 * _NIB)] +
               [pltpu.VMEM((CHUNK, D), jnp.float32) for _ in range(_NRB)] +
               [pltpu.VMEM((16, D), jnp.float32)] +
               [pltpu.VMEM_SHARED((N, D), jnp.float32)] +
               [pltpu.SemaphoreType.DMA for _ in range(_NIB + _NRB)]))
def _sc_deg_sum(table, src, dst, out_deg, out_sum, *bufs):
    SRC = bufs[0:_NIB]
    DST = bufs[_NIB:2 * _NIB]
    ROW = bufs[2 * _NIB:2 * _NIB + _NRB]
    zbuf = bufs[2 * _NIB + _NRB]
    acc = bufs[2 * _NIB + _NRB + 1]
    SI = bufs[2 * _NIB + _NRB + 2:2 * _NIB + _NRB + 2 + _NIB]
    SG = bufs[2 * _NIB + _NRB + 2 + _NIB:]
    c = lax.axis_index("c")
    s = lax.axis_index("s")
    g = c * NS + s
    ebase = g * EPW

    def iad(t, j):
        pltpu.async_copy(dst.at[pl.ds(ebase + t * CHUNK, CHUNK)], DST[j], SI[j])

    def iad_wait(t, j):
        pltpu.make_async_copy(
            dst.at[pl.ds(ebase + t * CHUNK, CHUNK)], DST[j], SI[j]).wait()

    for j in range(_NIB):
        iad(j, j)
    _fill(zbuf, 16, D, jnp.zeros((16,), jnp.float32))
    _fill(ROW[0], CHUNK, D, jnp.ones((16,), jnp.float32))
    _zero_spmem_rows(acc, zbuf, s)
    plsc.subcore_barrier()

    def _dprocess(k, j):
        iad_wait(k, j)
        pltpu.sync_copy(ROW[0], acc.at[DST[j]], add=True)

        @pl.when(k + _NIB < NCHUNK)
        def _pf():
            iad(k + _NIB, j)

    def dstep(t, _):
        for j in range(_NIB):
            _dprocess(_NIB * t + j, j)
        return _
    lax.fori_loop(0, NQUAD, dstep, 0)
    _dprocess(NCHUNK - 1, (NCHUNK - 1) % _NIB)
    plsc.subcore_barrier()
    _copy_out(acc, out_deg, c, s)

    def ia(t, j):
        base = ebase + t * CHUNK
        pltpu.async_copy(src.at[pl.ds(base, CHUNK)], SRC[j], SI[j])
        pltpu.async_copy(dst.at[pl.ds(base, CHUNK)], DST[j], SI[j])

    def ia_wait(t, j):
        base = ebase + t * CHUNK
        pltpu.make_async_copy(src.at[pl.ds(base, CHUNK)], SRC[j], SI[j]).wait()
        pltpu.make_async_copy(dst.at[pl.ds(base, CHUNK)], DST[j], SI[j]).wait()

    def ga(j, p):
        pltpu.async_copy(table.at[SRC[j]], ROW[p], SG[p])

    def ga_wait(j, p):
        pltpu.make_async_copy(table.at[SRC[j]], ROW[p], SG[p]).wait()

    for j in range(_NIB):
        ia(j, j)
    ia_wait(0, 0)
    ga(0, 0)
    ia_wait(1, 1)
    ga(1, 1)
    _zero_spmem_rows(acc, zbuf, s)
    plsc.subcore_barrier()

    def _process(k, j, p):
        ga_wait(j, p)
        pltpu.sync_copy(ROW[p], acc.at[DST[j]], add=True)
        jn = (j + 2) % _NIB

        @pl.when(k + 2 < NCHUNK)
        def _g():
            ia_wait(k + 2, jn)
            ga(jn, p)

        @pl.when(k + 4 < NCHUNK)
        def _pf():
            ia(k + 4, j)

    def step(t, _):
        for j in range(_NIB):
            _process(_NIB * t + j, j, j % _NRB)
        return _
    lax.fori_loop(0, NQUAD, step, 0)
    _process(NCHUNK - 1, (NCHUNK - 1) % _NIB, (NCHUNK - 1) % _NRB)
    plsc.subcore_barrier()
    _copy_out(acc, out_sum, c, s)


@pl.kernel(out_type=jax.ShapeDtypeStruct((NC * N, D), jnp.float32), mesh=_mesh,
           scratch_types=(
               [pltpu.VMEM((CHUNK,), jnp.int32) for _ in range(2 * _NIB)] +
               [pltpu.VMEM((CHUNK, D), jnp.float32) for _ in range(_NRB)] +
               [pltpu.VMEM((16, D), jnp.float32)] +
               [pltpu.VMEM_SHARED((N, D), jnp.float32)] +
               [pltpu.SemaphoreType.DMA for _ in range(_NIB + _NRB)]))
def _sc_sum(table, src, dst, out_sum, *bufs):
    SRC = bufs[0:_NIB]
    DST = bufs[_NIB:2 * _NIB]
    ROW = bufs[2 * _NIB:2 * _NIB + _NRB]
    zbuf = bufs[2 * _NIB + _NRB]
    acc = bufs[2 * _NIB + _NRB + 1]
    SI = bufs[2 * _NIB + _NRB + 2:2 * _NIB + _NRB + 2 + _NIB]
    SG = bufs[2 * _NIB + _NRB + 2 + _NIB:]
    c = lax.axis_index("c")
    s = lax.axis_index("s")
    g = c * NS + s
    ebase = g * EPW

    def ia(t, j):
        base = ebase + t * CHUNK
        pltpu.async_copy(src.at[pl.ds(base, CHUNK)], SRC[j], SI[j])
        pltpu.async_copy(dst.at[pl.ds(base, CHUNK)], DST[j], SI[j])

    def ia_wait(t, j):
        base = ebase + t * CHUNK
        pltpu.make_async_copy(src.at[pl.ds(base, CHUNK)], SRC[j], SI[j]).wait()
        pltpu.make_async_copy(dst.at[pl.ds(base, CHUNK)], DST[j], SI[j]).wait()

    def ga(j, p):
        pltpu.async_copy(table.at[SRC[j]], ROW[p], SG[p])

    def ga_wait(j, p):
        pltpu.make_async_copy(table.at[SRC[j]], ROW[p], SG[p]).wait()

    for j in range(_NIB):
        ia(j, j)
    ia_wait(0, 0)
    ga(0, 0)
    ia_wait(1, 1)
    ga(1, 1)
    _fill(zbuf, 16, D, jnp.zeros((16,), jnp.float32))
    _zero_spmem_rows(acc, zbuf, s)
    plsc.subcore_barrier()

    def _process(k, j, p):
        ga_wait(j, p)
        pltpu.sync_copy(ROW[p], acc.at[DST[j]], add=True)
        jn = (j + 2) % _NIB

        @pl.when(k + 2 < NCHUNK)
        def _g():
            ia_wait(k + 2, jn)
            ga(jn, p)

        @pl.when(k + 4 < NCHUNK)
        def _pf():
            ia(k + 4, j)

    def step(t, _):
        for j in range(_NIB):
            _process(_NIB * t + j, j, j % _NRB)
        return _
    lax.fori_loop(0, NQUAD, step, 0)
    _process(NCHUNK - 1, (NCHUNK - 1) % _NIB, (NCHUNK - 1) % _NRB)
    plsc.subcore_barrier()
    _copy_out(acc, out_sum, c, s)


R = 1000


def _tc1_body(p0, p1, d0, d1, w1, h1):
    deg = jnp.maximum((d0[...] + d1[...])[:, :1], 1.0)
    agg = (p0[...] + p1[...]) / deg
    h = lax.dot_general(agg, w1[...], (((1,), (1,)), ((), ())),
                        preferred_element_type=jnp.float32)
    h1[...] = jnp.maximum(h, 0.0)


def _tc2_body(q0, q1, d0, d1, w2, wo, bo, out, hid):
    deg = jnp.maximum((d0[...] + d1[...])[:, :1], 1.0)
    agg = (q0[...] + q1[...]) / deg
    h = lax.dot_general(agg, w2[...], (((1,), (1,)), ((), ())),
                        preferred_element_type=jnp.float32)
    hid[...] = h
    logits = lax.dot_general(h, wo[...], (((1,), (1,)), ((), ())),
                             preferred_element_type=jnp.float32) + bo[...]
    m = jnp.max(logits, axis=1, keepdims=True)
    ex = jnp.exp(logits - m)
    lse = jnp.log(jnp.sum(ex, axis=1, keepdims=True)) + m
    out[...] = logits - lse


def _tc1(ps, pd, W1):
    nb = N // R
    return pl.pallas_call(
        _tc1_body,
        grid=(nb,),
        in_specs=[
            pl.BlockSpec((R, D), lambda i: (i, 0)),
            pl.BlockSpec((R, D), lambda i: (i + nb, 0)),
            pl.BlockSpec((R, D), lambda i: (i, 0)),
            pl.BlockSpec((R, D), lambda i: (i + nb, 0)),
            pl.BlockSpec((D, D), lambda i: (0, 0)),
        ],
        out_specs=pl.BlockSpec((R, D), lambda i: (i, 0)),
        out_shape=jax.ShapeDtypeStruct((N, D), jnp.float32),
    )(ps, ps, pd, pd, W1)


def _tc2(qs, pd, W2, Wo, bo2):
    nb = N // R
    return pl.pallas_call(
        _tc2_body,
        grid=(nb,),
        in_specs=[
            pl.BlockSpec((R, D), lambda i: (i, 0)),
            pl.BlockSpec((R, D), lambda i: (i + nb, 0)),
            pl.BlockSpec((R, D), lambda i: (i, 0)),
            pl.BlockSpec((R, D), lambda i: (i + nb, 0)),
            pl.BlockSpec((D, D), lambda i: (0, 0)),
            pl.BlockSpec((D_OUT, D), lambda i: (0, 0)),
            pl.BlockSpec((1, D_OUT), lambda i: (0, 0)),
        ],
        out_specs=[
            pl.BlockSpec((R, D_OUT), lambda i: (i, 0)),
            pl.BlockSpec((R, D), lambda i: (i, 0)),
        ],
        out_shape=[
            jax.ShapeDtypeStruct((N, D_OUT), jnp.float32),
            jax.ShapeDtypeStruct((N, D), jnp.float32),
        ],
    )(qs, qs, pd, pd, W2, Wo, bo2)


def kernel(x, edge_index, W1, W2, Wo, bo):
    src = edge_index[0]
    dst = edge_index[1]
    pd, ps = _sc_deg_sum(x, src, dst)
    h1 = _tc1(ps, pd, W1)
    qs = _sc_sum(h1, src, dst)
    outputs, hidden = _tc2(qs, pd, W2, Wo, bo.reshape(1, D_OUT))
    return (outputs, hidden)

# --- scband reference (transcript-rebuilt; emitter-appended) ---
"""Pipeline reference for scband-noisy-gnn-12068858102169 (READ-ONLY COPY).

The authoritative reference and input builder live on the scoring server;
editing this copy changes nothing except your own understanding.
"""

import jax, jax.numpy as jnp
import numpy as np

N = 10000
E = 320000
D_IN = 128
D_H = 128
D_OUT = 64


def setup_inputs(seed: int = 0) -> dict:
    key = jax.random.key(seed)
    k1, k2, k3, k4, k5, k6 = jax.random.split(key, 6)
    x = jax.random.normal(k1, (N, D_IN), dtype=jnp.float32)
    edge_index = jax.random.randint(k2, (2, E), 0, N, dtype=jnp.int32)
    # SimpleMeanPool layer weights (Linear, bias=False): weight shape [out, in]
    W1 = jax.random.normal(k3, (D_H, D_IN), dtype=jnp.float32) * 0.05
    W2 = jax.random.normal(k4, (D_H, D_H), dtype=jnp.float32) * 0.05
    # out_proj Linear with bias
    Wo = jax.random.normal(k5, (D_OUT, D_H), dtype=jnp.float32) * 0.05
    bo = jax.random.normal(k6, (D_OUT,), dtype=jnp.float32) * 0.05
    return {"x": x, "edge_index": edge_index, "W1": W1, "W2": W2, "Wo": Wo, "bo": bo}


def _mean_agg(h, src, dst):
    # SimpleConv(aggr='mean'): out[dst] = mean over incoming edges of h[src]
    summed = jax.ops.segment_sum(h[src], dst, num_segments=N)
    deg = jax.ops.segment_sum(jnp.ones((src.shape[0],), dtype=h.dtype), dst, num_segments=N)
    return summed / jnp.clip(deg, 1.0)[:, None]


def reference(x, edge_index, W1, W2, Wo, bo):
    src = edge_index[0]
    dst = edge_index[1]
    # layer 1: mean-pool conv + linear (no bias), then relu (act between layers)
    h = _mean_agg(x, src, dst) @ W1.T
    h = jax.nn.relu(h)
    # layer 2: mean-pool conv + linear (no bias), no act after last layer
    h = _mean_agg(h, src, dst) @ W2.T
    hidden_emb = h
    logits = h @ Wo.T + bo
    outputs = jax.nn.log_softmax(logits, axis=1)
    return (outputs, hidden_emb)

if __name__ == "__main__":
    import jax
    _d = setup_inputs()
    print(jax.jit(kernel)(*tuple(_d.values())))

</pallas_src>

<mosaic_0001>
#map = affine_map<(d0, d1) -> (0, 0)>
#map1 = affine_map<(d0, d1) -> (0)>
module attributes {stable_mosaic.version = 14 : i64} {
  func.func @_sc_sum(%arg0: i32, %arg1: i32, %arg2: memref<10000x128xf32, #tpu.memory_space<hbm>>, %arg3: memref<320000xi32, #tpu.memory_space<hbm>>, %arg4: memref<320000xi32, #tpu.memory_space<hbm>>, %arg5: memref<20000x128xf32, #tpu.memory_space<hbm>>, %arg6: memref<80xi32, #tpu.memory_space<vmem>>, %arg7: memref<80xi32, #tpu.memory_space<vmem>>, %arg8: memref<80xi32, #tpu.memory_space<vmem>>, %arg9: memref<80xi32, #tpu.memory_space<vmem>>, %arg10: memref<80xi32, #tpu.memory_space<vmem>>, %arg11: memref<80xi32, #tpu.memory_space<vmem>>, %arg12: memref<80xi32, #tpu.memory_space<vmem>>, %arg13: memref<80xi32, #tpu.memory_space<vmem>>, %arg14: memref<80x128xf32, #tpu.memory_space<vmem>>, %arg15: memref<80x128xf32, #tpu.memory_space<vmem>>, %arg16: memref<16x128xf32, #tpu.memory_space<vmem>>, %arg17: memref<10000x128xf32, #tpu.memory_space<vmem_shared>>, %arg18: memref<!tpu.dma_semaphore, #tpu.memory_space<semaphore_mem>>, %arg19: memref<!tpu.dma_semaphore, #tpu.memory_space<semaphore_mem>>, %arg20: memref<!tpu.dma_semaphore, #tpu.memory_space<semaphore_mem>>, %arg21: memref<!tpu.dma_semaphore, #tpu.memory_space<semaphore_mem>>, %arg22: memref<!tpu.dma_semaphore, #tpu.memory_space<semaphore_mem>>, %arg23: memref<!tpu.dma_semaphore, #tpu.memory_space<semaphore_mem>>) attributes {dimension_semantics = [#tpu.dimension_semantics<core_parallel>, #tpu.dimension_semantics<subcore_parallel>], iteration_bounds = array<i64: 2, 16>, scalar_prefetch = 0 : i64, scratch_operands = 18 : i64, tpu.core_type = #tpu.core_type<sc_vector_subcore>, window_params = [{transform_indices = #map}, {transform_indices = #map1}, {transform_indices = #map1}, {transform_indices = #map}]} {
    %mul3A = arith.constant 16 : i32
    %mul3A_0 = arith.muli %arg0, %mul3A : i32
    %add3A = arith.addi %mul3A_0, %arg1 : i32
    %mul3A_1 = arith.constant 10000 : i32
    %mul3A_2 = arith.muli %add3A, %mul3A_1 : i32
    %add3A_3 = arith.constant 0 : i32
    %add3A_4 = arith.addi %mul3A_2, %add3A_3 : i32
    %dma_start3A = tpu.memref_slice %arg3[%add3A_4] : memref<320000xi32, #tpu.memory_space<hbm>> -> memref<80xi32, #tpu.memory_space<hbm>>
    %dma_start3A_5 = tpu.memref_slice %arg3[%add3A_4] : memref<320000xi32, #tpu.memory_space<hbm>> -> memref<80xi32, #tpu.memory_space<hbm>>
    tpu.enqueue_dma source(%dma_start3A_5 : memref<80xi32, #tpu.memory_space<hbm>>) target(%arg6 : memref<80xi32, #tpu.memory_space<vmem>>) target_semaphore(%arg18 : memref<!tpu.dma_semaphore, #tpu.memory_space<semaphore_mem>>)
    %dma_start3A_6 = tpu.memref_slice %arg4[%add3A_4] : memref<320000xi32, #tpu.memory_space<hbm>> -> memref<80xi32, #tpu.memory_space<hbm>>
    %dma_start3A_7 = tpu.memref_slice %arg4[%add3A_4] : memref<320000xi32, #tpu.memory_space<hbm>> -> memref<80xi32, #tpu.memory_space<hbm>>
    tpu.enqueue_dma source(%dma_start3A_7 : memref<80xi32, #tpu.memory_space<hbm>>) target(%arg10 : memref<80xi32, #tpu.memory_space<vmem>>) target_semaphore(%arg18 : memref<!tpu.dma_semaphore, #tpu.memory_space<semaphore_mem>>)
    %add3A_8 = arith.constant 80 : i32
    %add3A_9 = arith.addi %mul3A_2, %add3A_8 : i32
    %dma_start3A_10 = tpu.memref_slice %arg3[%add3A_9] : memref<320000xi32, #tpu.memory_space<hbm>> -> memref<80xi32, #tpu.memory_space<hbm>>
    %dma_start3A_11 = tpu.memref_slice %arg3[%add3A_9] : memref<320000xi32, #tpu.memory_space<hbm>> -> memref<80xi32, #tpu.memory_space<hbm>>
    tpu.enqueue_dma source(%dma_start3A_11 : memref<80xi32, #tpu.memory_space<hbm>>) target(%arg7 : memref<80xi32, #tpu.memory_space<vmem>>) target_semaphore(%arg19 : memref<!tpu.dma_semaphore, #tpu.memory_space<semaphore_mem>>)
    %dma_start3A_12 = tpu.memref_slice %arg4[%add3A_9] : memref<320000xi32, #tpu.memory_space<hbm>> -> memref<80xi32, #tpu.memory_space<hbm>>
    %dma_start3A_13 = tpu.memref_slice %arg4[%add3A_9] : memref<320000xi32, #tpu.memory_space<hbm>> -> memref<80xi32, #tpu.memory_space<hbm>>
    tpu.enqueue_dma source(%dma_start3A_13 : memref<80xi32, #tpu.memory_space<hbm>>) target(%arg11 : memref<80xi32, #tpu.memory_space<vmem>>) target_semaphore(%arg19 : memref<!tpu.dma_semaphore, #tpu.memory_space<semaphore_mem>>)
    %add3A_14 = arith.constant 160 : i32
    %add3A_15 = arith.addi %mul3A_2, %add3A_14 : i32
    %dma_start3A_16 = tpu.memref_slice %arg3[%add3A_15] : memref<320000xi32, #tpu.memory_space<hbm>> -> memref<80xi32, #tpu.memory_space<hbm>>
    %dma_start3A_17 = tpu.memref_slice %arg3[%add3A_15] : memref<320000xi32, #tpu.memory_space<hbm>> -> memref<80xi32, #tpu.memory_space<hbm>>
    tpu.enqueue_dma source(%dma_start3A_17 : memref<80xi32, #tpu.memory_space<hbm>>) target(%arg8 : memref<80xi32, #tpu.memory_space<vmem>>) target_semaphore(%arg20 : memref<!tpu.dma_semaphore, #tpu.memory_space<semaphore_mem>>)
    %dma_start3A_18 = tpu.memref_slice %arg4[%add3A_15] : memref<320000xi32, #tpu.memory_space<hbm>> -> memref<80xi32, #tpu.memory_space<hbm>>
    %dma_start3A_19 = tpu.memref_slice %arg4[%add3A_15] : memref<320000xi32, #tpu.memory_space<hbm>> -> memref<80xi32, #tpu.memory_space<hbm>>
    tpu.enqueue_dma source(%dma_start3A_19 : memref<80xi32, #tpu.memory_space<hbm>>) target(%arg12 : memref<80xi32, #tpu.memory_space<vmem>>) target_semaphore(%arg20 : memref<!tpu.dma_semaphore, #tpu.memory_space<semaphore_mem>>)
    %add3A_20 = arith.constant 240 : i32
    %add3A_21 = arith.addi %mul3A_2, %add3A_20 : i32
    %dma_start3A_22 = tpu.memref_slice %arg3[%add3A_21] : memref<320000xi32, #tpu.memory_space<hbm>> -> memref<80xi32, #tpu.memory_space<hbm>>
    %dma_start3A_23 = tpu.memref_slice %arg3[%add3A_21] : memref<320000xi32, #tpu.memory_space<hbm>> -> memref<80xi32, #tpu.memory_space<hbm>>
    tpu.enqueue_dma source(%dma_start3A_23 : memref<80xi32, #tpu.memory_space<hbm>>) target(%arg9 : memref<80xi32, #tpu.memory_space<vmem>>) target_semaphore(%arg21 : memref<!tpu.dma_semaphore, #tpu.memory_space<semaphore_mem>>)
    %dma_start3A_24 = tpu.memref_slice %arg4[%add3A_21] : memref<320000xi32, #tpu.memory_space<hbm>> -> memref<80xi32, #tpu.memory_space<hbm>>
    %dma_start3A_25 = tpu.memref_slice %arg4[%add3A_21] : memref<320000xi32, #tpu.memory_space<hbm>> -> memref<80xi32, #tpu.memory_space<hbm>>
    tpu.enqueue_dma source(%dma_start3A_25 : memref<80xi32, #tpu.memory_space<hbm>>) target(%arg13 : memref<80xi32, #tpu.memory_space<vmem>>) target_semaphore(%arg21 : memref<!tpu.dma_semaphore, #tpu.memory_space<semaphore_mem>>)
    %add3A_26 = arith.constant 0 : i32
    %add3A_27 = arith.addi %mul3A_2, %add3A_26 : i32
    %dma_wait3A = tpu.memref_slice %arg3[%add3A_27] : memref<320000xi32, #tpu.memory_space<hbm>> -> memref<80xi32, #tpu.memory_space<hbm>>
    %dma_wait3A_28 = tpu.memref_slice %arg3[%add3A_27] : memref<320000xi32, #tpu.memory_space<hbm>> -> memref<80xi32, #tpu.memory_space<hbm>>
    tpu.wait_dma2 semaphore(%arg18 : memref<!tpu.dma_semaphore, #tpu.memory_space<semaphore_mem>>) src(%dma_wait3A_28 : memref<80xi32, #tpu.memory_space<hbm>>) dst(%arg6 : memref<80xi32, #tpu.memory_space<vmem>>)
    %dma_wait3A_29 = tpu.memref_slice %arg4[%add3A_27] : memref<320000xi32, #tpu.memory_space<hbm>> -> memref<80xi32, #tpu.memory_space<hbm>>
    %dma_wait3A_30 = tpu.memref_slice %arg4[%add3A_27] : memref<320000xi32, #tpu.memory_space<hbm>> -> memref<80xi32, #tpu.memory_space<hbm>>
    tpu.wait_dma2 semaphore(%arg18 : memref<!tpu.dma_semaphore, #tpu.memory_space<semaphore_mem>>) src(%dma_wait3A_30 : memref<80xi32, #tpu.memory_space<hbm>>) dst(%arg10 : memref<80xi32, #tpu.memory_space<vmem>>)
    %dma_start3A_31 = arith.constant 0 : i32
    %dma_start3A_32 = arith.constant 0 : i32
    %dma_start3A_33 = tpu.memref_slice %arg2[%dma_start3A_31, %dma_start3A_32] : memref<10000x128xf32, #tpu.memory_space<hbm>> -> memref<10000x128xf32, #tpu.memory_space<hbm>>
    tpu.enqueue_indirect_dma source(%dma_start3A_33 : memref<10000x128xf32, #tpu.memory_space<hbm>>) target(%arg14 : memref<80x128xf32, #tpu.memory_space<vmem>>) offsets(%arg6 : memref<80xi32, #tpu.memory_space<vmem>>) semaphore(%arg22 : memref<!tpu.dma_semaphore, #tpu.memory_space<semaphore_mem>>)
    %add3A_34 = arith.constant 80 : i32
    %add3A_35 = arith.addi %mul3A_2, %add3A_34 : i32
    %dma_wait3A_36 = tpu.memref_slice %arg3[%add3A_35] : memref<320000xi32, #tpu.memory_space<hbm>> -> memref<80xi32, #tpu.memory_space<hbm>>
    %dma_wait3A_37 = tpu.memref_slice %arg3[%add3A_35] : memref<320000xi32, #tpu.memory_space<hbm>> -> memref<80xi32, #tpu.memory_space<hbm>>
    tpu.wait_dma2 semaphore(%arg19 : memref<!tpu.dma_semaphore, #tpu.memory_space<semaphore_mem>>) src(%dma_wait3A_37 : memref<80xi32, #tpu.memory_space<hbm>>) dst(%arg7 : memref<80xi32, #tpu.memory_space<vmem>>)
    %dma_wait3A_38 = tpu.memref_slice %arg4[%add3A_35] : memref<320000xi32, #tpu.memory_space<hbm>> -> memref<80xi32, #tpu.memory_space<hbm>>
    %dma_wait3A_39 = tpu.memref_slice %arg4[%add3A_35] : memref<320000xi32, #tpu.memory_space<hbm>> -> memref<80xi32, #tpu.memory_space<hbm>>
    tpu.wait_dma2 semaphore(%arg19 : memref<!tpu.dma_semaphore, #tpu.memory_space<semaphore_mem>>) src(%dma_wait3A_39 : memref<80xi32, #tpu.memory_space<hbm>>) dst(%arg11 : memref<80xi32, #tpu.memory_space<vmem>>)
    %dma_start3A_40 = arith.constant 0 : i32
    %dma_start3A_41 = arith.constant 0 : i32
    %dma_start3A_42 = tpu.memref_slice %arg2[%dma_start3A_40, %dma_start3A_41] : memref<10000x128xf32, #tpu.memory_space<hbm>> -> memref<10000x128xf32, #tpu.memory_space<hbm>>
    tpu.enqueue_indirect_dma source(%dma_start3A_42 : memref<10000x128xf32, #tpu.memory_space<hbm>>) target(%arg15 : memref<80x128xf32, #tpu.memory_space<vmem>>) offsets(%arg7 : memref<80xi32, #tpu.memory_space<vmem>>) semaphore(%arg23 : memref<!tpu.dma_semaphore, #tpu.memory_space<semaphore_mem>>)
    %broadcast_in_dim3A = arith.constant 0.000000e+00 : f32
    %broadcast_in_dim3A_43 = vector.broadcast %broadcast_in_dim3A : f32 to vector<16xf32>
    %scan3A = arith.constant 0 : i32
    %scan3A_44 = arith.constant 0 : i32
    %scan3A_45 = arith.constant 16 : i32
    %scan3A_46 = arith.addi %scan3A_44, %scan3A_45 : i32
    %scan3A_47 = arith.constant 1 : i32
    scf.for %scan3A_79 = %scan3A_44 to %scan3A_46 step %scan3A_47  : i32 {
      %scan3A_80 = arith.constant 0 : i32
      %scan3A_81 = arith.constant 8 : i32
      %scan3A_82 = arith.addi %scan3A_80, %scan3A_81 : i32
      %scan3A_83 = arith.constant 1 : i32
      scf.for %scan3A_85 = %scan3A_80 to %scan3A_82 step %scan3A_83  : i32 {
        %mul3A_86 = arith.constant 16 : i32
        %mul3A_87 = arith.muli %scan3A_85, %mul3A_86 : i32
        %swap3A = arith.index_cast %scan3A_79 : i32 to index
        %swap3A_88 = arith.index_cast %mul3A_87 : i32 to index
        %swap3A_89 = tpu.vector_load %arg16[%swap3A, %swap3A_88] {strides = array<i32>} : memref<16x128xf32, #tpu.memory_space<vmem>>, vector<1x16xf32>,
        %swap3A_90 = vector.shape_cast %swap3A_89 : vector<1x16xf32> to vector<16xf32>
        %swap3A_91 = vector.shape_cast %broadcast_in_dim3A_43 : vector<16xf32> to vector<1x16xf32>
        tpu.vector_store %arg16[%swap3A, %swap3A_88], %swap3A_91 {strides = array<i32>} : memref<16x128xf32, #tpu.memory_space<vmem>>, vector<1x16xf32>,
      }
      %scan3A_84 = arith.constant 8 : i32
    }
    %scan3A_48 = arith.constant 16 : i32
    %mul3A_49 = arith.constant 624 : i32
    %mul3A_50 = arith.muli %arg1, %mul3A_49 : i32
    %scan3A_51 = arith.constant 0 : i32
    %scan3A_52 = arith.constant 0 : i32
    %scan3A_53 = arith.constant 39 : i32
    %scan3A_54 = arith.addi %scan3A_52, %scan3A_53 : i32
    %scan3A_55 = arith.constant 1 : i32
    scf.for %scan3A_79 = %scan3A_52 to %scan3A_54 step %scan3A_55  : i32 {
      %mul3A_80 = arith.constant 16 : i32
      %mul3A_81 = arith.muli %scan3A_79, %mul3A_80 : i32
      %add3A_82 = arith.addi %mul3A_50, %mul3A_81 : i32
      "tpu.region"() ({
        %run_scoped3A = tpu.sem_alloc : memref<!tpu.dma_semaphore, #tpu.memory_space<semaphore_mem>>
        %dma_start3A_83 = arith.constant 0 : i32
        %dma_start3A_84 = tpu.memref_slice %arg17[%add3A_82, %dma_start3A_83] : memref<10000x128xf32, #tpu.memory_space<vmem_shared>> -> memref<16x128xf32, #tpu.memory_space<vmem_shared>>
        %dma_start3A_85 = arith.constant 0 : i32
        %dma_start3A_86 = tpu.memref_slice %arg17[%add3A_82, %dma_start3A_85] : memref<10000x128xf32, #tpu.memory_space<vmem_shared>> -> memref<16x128xf32, #tpu.memory_space<vmem_shared>>
        tpu.enqueue_dma source(%arg16 : memref<16x128xf32, #tpu.memory_space<vmem>>) target(%dma_start3A_86 : memref<16x128xf32, #tpu.memory_space<vmem_shared>>) target_semaphore(%run_scoped3A : memref<!tpu.dma_semaphore, #tpu.memory_space<semaphore_mem>>)
        %dma_wait3A_87 = arith.constant 0 : i32
        %dma_wait3A_88 = tpu.memref_slice %arg17[%add3A_82, %dma_wait3A_87] : memref<10000x128xf32, #tpu.memory_space<vmem_shared>> -> memref<16x128xf32, #tpu.memory_space<vmem_shared>>
        %dma_wait3A_89 = arith.constant 0 : i32
        %dma_wait3A_90 = tpu.memref_slice %arg17[%add3A_82, %dma_wait3A_89] : memref<10000x128xf32, #tpu.memory_space<vmem_shared>> -> memref<16x128xf32, #tpu.memory_space<vmem_shared>>
        tpu.wait_dma2 semaphore(%run_scoped3A : memref<!tpu.dma_semaphore, #tpu.memory_space<semaphore_mem>>) src(%arg16 : memref<16x128xf32, #tpu.memory_space<vmem>>) dst(%dma_wait3A_90 : memref<16x128xf32, #tpu.memory_space<vmem_shared>>)
        tpu.yield
      }) : () -> ()
    }
    %scan3A_56 = arith.constant 39 : i32
    %eq3A = arith.constant 0 : i32
    %eq3A_57 = arith.cmpi eq, %arg1, %eq3A : i32
    %convert_element_type3A = arith.extui %eq3A_57 : i1 to i32
    %cond3A = arith.constant 0 : i32
    %cond3A_58 = arith.cmpi ne, %convert_element_type3A, %cond3A : i32
    scf.if %cond3A_58 {
      "tpu.region"() ({
        %run_scoped3A = tpu.sem_alloc : memref<!tpu.dma_semaphore, #tpu.memory_space<semaphore_mem>>
        %dma_start3A_79 = arith.constant 9984 : i32
        %dma_start3A_80 = arith.constant 0 : i32
        %dma_start3A_81 = tpu.memref_slice %arg17[%dma_start3A_79, %dma_start3A_80] : memref<10000x128xf32, #tpu.memory_space<vmem_shared>> -> memref<16x128xf32, #tpu.memory_space<vmem_shared>>
        %dma_start3A_82 = arith.constant 9984 : i32
        %dma_start3A_83 = arith.constant 0 : i32
        %dma_start3A_84 = tpu.memref_slice %arg17[%dma_start3A_82, %dma_start3A_83] : memref<10000x128xf32, #tpu.memory_space<vmem_shared>> -> memref<16x128xf32, #tpu.memory_space<vmem_shared>>
        tpu.enqueue_dma source(%arg16 : memref<16x128xf32, #tpu.memory_space<vmem>>) target(%dma_start3A_84 : memref<16x128xf32, #tpu.memory_space<vmem_shared>>) target_semaphore(%run_scoped3A : memref<!tpu.dma_semaphore, #tpu.memory_space<semaphore_mem>>)
        %dma_wait3A_85 = arith.constant 9984 : i32
        %dma_wait3A_86 = arith.constant 0 : i32
        %dma_wait3A_87 = tpu.memref_slice %arg17[%dma_wait3A_85, %dma_wait3A_86] : memref<10000x128xf32, #tpu.memory_space<vmem_shared>> -> memref<16x128xf32, #tpu.memory_space<vmem_shared>>
        %dma_wait3A_88 = arith.constant 9984 : i32
        %dma_wait3A_89 = arith.constant 0 : i32
        %dma_wait3A_90 = tpu.memref_slice %arg17[%dma_wait3A_88, %dma_wait3A_89] : memref<10000x128xf32, #tpu.memory_space<vmem_shared>> -> memref<16x128xf32, #tpu.memory_space<vmem_shared>>
        tpu.wait_dma2 semaphore(%run_scoped3A : memref<!tpu.dma_semaphore, #tpu.memory_space<semaphore_mem>>) src(%arg16 : memref<16x128xf32, #tpu.memory_space<vmem>>) dst(%dma_wait3A_90 : memref<16x128xf32, #tpu.memory_space<vmem_shared>>)
        tpu.yield
      }) : () -> ()
    } else {
    }
    %barrier3A = arith.constant 0 : index
    tpu.barrier barrier_id(%barrier3A)
    %scan3A_59 = arith.constant 0 : i32
    %scan3A_60 = arith.constant 0 : i32
    %scan3A_61 = arith.constant 31 : i32
    %scan3A_62 = arith.addi %scan3A_60, %scan3A_61 : i32
    %scan3A_63 = arith.constant 1 : i32
    scf.for %scan3A_79 = %scan3A_60 to %scan3A_62 step %scan3A_63  : i32 {
      %mul3A_80 = arith.constant 4 : i32
      %mul3A_81 = arith.muli %mul3A_80, %scan3A_79 : i32
      %add3A_82 = arith.constant 0 : i32
      %add3A_83 = arith.addi %mul3A_81, %add3A_82 : i32
      %dma_wait3A_84 = arith.constant 0 : i32
      %dma_wait3A_85 = arith.constant 0 : i32
      %dma_wait3A_86 = tpu.memref_slice %arg2[%dma_wait3A_84, %dma_wait3A_85] : memref<10000x128xf32, #tpu.memory_space<hbm>> -> memref<10000x128xf32, #tpu.memory_space<hbm>>
      tpu.wait_indirect_dma semaphore(%arg22 : memref<!tpu.dma_semaphore, #tpu.memory_space<semaphore_mem>>) src(%dma_wait3A_86 : memref<10000x128xf32, #tpu.memory_space<hbm>>) dst(%arg14 : memref<80x128xf32, #tpu.memory_space<vmem>>)
      "tpu.region"() ({
        %run_scoped3A = tpu.sem_alloc : memref<!tpu.dma_semaphore, #tpu.memory_space<semaphore_mem>>
        %dma_start3A_163 = arith.constant 0 : i32
        %dma_start3A_164 = arith.constant 0 : i32
        %dma_start3A_165 = tpu.memref_slice %arg17[%dma_start3A_163, %dma_start3A_164] : memref<10000x128xf32, #tpu.memory_space<vmem_shared>> -> memref<10000x128xf32, #tpu.memory_space<vmem_shared>>
        tpu.enqueue_indirect_dma source(%arg14 : memref<80x128xf32, #tpu.memory_space<vmem>>) target(%dma_start3A_165 : memref<10000x128xf32, #tpu.memory_space<vmem_shared>>) offsets(%arg10 : memref<80xi32, #tpu.memory_space<vmem>>) semaphore(%run_scoped3A : memref<!tpu.dma_semaphore, #tpu.memory_space<semaphore_mem>>) {add = true}
        %dma_wait3A_166 = arith.constant 0 : i32
        %dma_wait3A_167 = arith.constant 0 : i32
        %dma_wait3A_168 = tpu.memref_slice %arg17[%dma_wait3A_166, %dma_wait3A_167] : memref<10000x128xf32, #tpu.memory_space<vmem_shared>> -> memref<10000x128xf32, #tpu.memory_space<vmem_shared>>
        tpu.wait_indirect_dma semaphore(%run_scoped3A : memref<!tpu.dma_semaphore, #tpu.memory_space<semaphore_mem>>) src(%arg14 : memref<80x128xf32, #tpu.memory_space<vmem>>) dst(%dma_wait3A_168 : memref<10000x128xf32, #tpu.memory_space<vmem_shared>>)
        tpu.yield
      }) : () -> ()
      %add3A_87 = arith.constant 2 : i32
      %add3A_88 = arith.addi %add3A_83, %add3A_87 : i32
      %lt3A = arith.constant 125 : i32
      %lt3A_89 = arith.cmpi slt, %add3A_88, %lt3A : i32
      %convert_element_type3A_90 = arith.extui %lt3A_89 : i1 to i32
      %cond3A_91 = arith.constant 0 : i32
      %cond3A_92 = arith.cmpi ne, %convert_element_type3A_90, %cond3A_91 : i32
      scf.if %cond3A_92 {
        %add3A_163 = arith.constant 2 : i32
        %add3A_164 = arith.addi %add3A_83, %add3A_163 : i32
        %mul3A_165 = arith.constant 80 : i32
        %mul3A_166 = arith.muli %add3A_164, %mul3A_165 : i32
        %add3A_167 = arith.addi %mul3A_2, %mul3A_166 : i32
        %dma_wait3A_168 = tpu.memref_slice %arg3[%add3A_167] : memref<320000xi32, #tpu.memory_space<hbm>> -> memref<80xi32, #tpu.memory_space<hbm>>
        %dma_wait3A_169 = tpu.memref_slice %arg3[%add3A_167] : memref<320000xi32, #tpu.memory_space<hbm>> -> memref<80xi32, #tpu.memory_space<hbm>>
        tpu.wait_dma2 semaphore(%arg20 : memref<!tpu.dma_semaphore, #tpu.memory_space<semaphore_mem>>) src(%dma_wait3A_169 : memref<80xi32, #tpu.memory_space<hbm>>) dst(%arg8 : memref<80xi32, #tpu.memory_space<vmem>>)
        %dma_wait3A_170 = tpu.memref_slice %arg4[%add3A_167] : memref<320000xi32, #tpu.memory_space<hbm>> -> memref<80xi32, #tpu.memory_space<hbm>>
        %dma_wait3A_171 = tpu.memref_slice %arg4[%add3A_167] : memref<320000xi32, #tpu.memory_space<hbm>> -> memref<80xi32, #tpu.memory_space<hbm>>
        tpu.wait_dma2 semaphore(%arg20 : memref<!tpu.dma_semaphore, #tpu.memory_space<semaphore_mem>>) src(%dma_wait3A_171 : memref<80xi32, #tpu.memory_space<hbm>>) dst(%arg12 : memref<80xi32, #tpu.memory_space<vmem>>)
        %dma_start3A_172 = arith.constant 0 : i32
        %dma_start3A_173 = arith.constant 0 : i32
        %dma_start3A_174 = tpu.memref_slice %arg2[%dma_start3A_172, %dma_start3A_173] : memref<10000x128xf32, #tpu.memory_space<hbm>> -> memref<10000x128xf32, #tpu.memory_space<hbm>>
        tpu.enqueue_indirect_dma source(%dma_start3A_174 : memref<10000x128xf32, #tpu.memory_space<hbm>>) target(%arg14 : memref<80x128xf32, #tpu.memory_space<vmem>>) offsets(%arg8 : memref<80xi32, #tpu.memory_space<vmem>>) semaphore(%arg22 : memref<!tpu.dma_semaphore, #tpu.memory_space<semaphore_mem>>)
      } else {
      }
      %add3A_93 = arith.constant 4 : i32
      %add3A_94 = arith.addi %add3A_83, %add3A_93 : i32
      %lt3A_95 = arith.constant 125 : i32
      %lt3A_96 = arith.cmpi slt, %add3A_94, %lt3A_95 : i32
      %convert_element_type3A_97 = arith.extui %lt3A_96 : i1 to i32
      %cond3A_98 = arith.constant 0 : i32
      %cond3A_99 = arith.cmpi ne, %convert_element_type3A_97, %cond3A_98 : i32
      scf.if %cond3A_99 {
        %add3A_163 = arith.constant 4 : i32
        %add3A_164 = arith.addi %add3A_83, %add3A_163 : i32
        %mul3A_165 = arith.constant 80 : i32
        %mul3A_166 = arith.muli %add3A_164, %mul3A_165 : i32
        %add3A_167 = arith.addi %mul3A_2, %mul3A_166 : i32
        %dma_start3A_168 = tpu.memref_slice %arg3[%add3A_167] : memref<320000xi32, #tpu.memory_space<hbm>> -> memref<80xi32, #tpu.memory_space<hbm>>
        %dma_start3A_169 = tpu.memref_slice %arg3[%add3A_167] : memref<320000xi32, #tpu.memory_space<hbm>> -> memref<80xi32, #tpu.memory_space<hbm>>
        tpu.enqueue_dma source(%dma_start3A_169 : memref<80xi32, #tpu.memory_space<hbm>>) target(%arg6 : memref<80xi32, #tpu.memory_space<vmem>>) target_semaphore(%arg18 : memref<!tpu.dma_semaphore, #tpu.memory_space<semaphore_mem>>)
        %dma_start3A_170 = tpu.memref_slice %arg4[%add3A_167] : memref<320000xi32, #tpu.memory_space<hbm>> -> memref<80xi32, #tpu.memory_space<hbm>>
        %dma_start3A_171 = tpu.memref_slice %arg4[%add3A_167] : memref<320000xi32, #tpu.memory_space<hbm>> -> memref<80xi32, #tpu.memory_space<hbm>>
        tpu.enqueue_dma source(%dma_start3A_171 : memref<80xi32, #tpu.memory_space<hbm>>) target(%arg10 : memref<80xi32, #tpu.memory_space<vmem>>) target_semaphore(%arg18 : memref<!tpu.dma_semaphore, #tpu.memory_space<semaphore_mem>>)
      } else {
      }
      %mul3A_100 = arith.constant 4 : i32
      %mul3A_101 = arith.muli %mul3A_100, %scan3A_79 : i32
      %add3A_102 = arith.constant 1 : i32
      %add3A_103 = arith.addi %mul3A_101, %add3A_102 : i32
      %dma_wait3A_104 = arith.constant 0 : i32
      %dma_wait3A_105 = arith.constant 0 : i32
      %dma_wait3A_106 = tpu.memref_slice %arg2[%dma_wait3A_104, %dma_wait3A_105] : memref<10000x128xf32, #tpu.memory_space<hbm>> -> memref<10000x128xf32, #tpu.memory_space<hbm>>
      tpu.wait_indirect_dma semaphore(%arg23 : memref<!tpu.dma_semaphore, #tpu.memory_space<semaphore_mem>>) src(%dma_wait3A_106 : memref<10000x128xf32, #tpu.memory_space<hbm>>) dst(%arg15 : memref<80x128xf32, #tpu.memory_space<vmem>>)
      "tpu.region"() ({
        %run_scoped3A = tpu.sem_alloc : memref<!tpu.dma_semaphore, #tpu.memory_space<semaphore_mem>>
        %dma_start3A_163 = arith.constant 0 : i32
        %dma_start3A_164 = arith.constant 0 : i32
        %dma_start3A_165 = tpu.memref_slice %arg17[%dma_start3A_163, %dma_start3A_164] : memref<10000x128xf32, #tpu.memory_space<vmem_shared>> -> memref<10000x128xf32, #tpu.memory_space<vmem_shared>>
        tpu.enqueue_indirect_dma source(%arg15 : memref<80x128xf32, #tpu.memory_space<vmem>>) target(%dma_start3A_165 : memref<10000x128xf32, #tpu.memory_space<vmem_shared>>) offsets(%arg11 : memref<80xi32, #tpu.memory_space<vmem>>) semaphore(%run_scoped3A : memref<!tpu.dma_semaphore, #tpu.memory_space<semaphore_mem>>) {add = true}
        %dma_wait3A_166 = arith.constant 0 : i32
        %dma_wait3A_167 = arith.constant 0 : i32
        %dma_wait3A_168 = tpu.memref_slice %arg17[%dma_wait3A_166, %dma_wait3A_167] : memref<10000x128xf32, #tpu.memory_space<vmem_shared>> -> memref<10000x128xf32, #tpu.memory_space<vmem_shared>>
        tpu.wait_indirect_dma semaphore(%run_scoped3A : memref<!tpu.dma_semaphore, #tpu.memory_space<semaphore_mem>>) src(%arg15 : memref<80x128xf32, #tpu.memory_space<vmem>>) dst(%dma_wait3A_168 : memref<10000x128xf32, #tpu.memory_space<vmem_shared>>)
        tpu.yield
      }) : () -> ()
      %add3A_107 = arith.constant 2 : i32
      %add3A_108 = arith.addi %add3A_103, %add3A_107 : i32
      %lt3A_109 = arith.constant 125 : i32
      %lt3A_110 = arith.cmpi slt, %add3A_108, %lt3A_109 : i32
      %convert_element_type3A_111 = arith.extui %lt3A_110 : i1 to i32
      %cond3A_112 = arith.constant 0 : i32
      %cond3A_113 = arith.cmpi ne, %convert_element_type3A_111, %cond3A_112 : i32
      scf.if %cond3A_113 {
        %add3A_163 = arith.constant 2 : i32
        %add3A_164 = arith.addi %add3A_103, %add3A_163 : i32
        %mul3A_165 = arith.constant 80 : i32
        %mul3A_166 = arith.muli %add3A_164, %mul3A_165 : i32
        %add3A_167 = arith.addi %mul3A_2, %mul3A_166 : i32
        %dma_wait3A_168 = tpu.memref_slice %arg3[%add3A_167] : memref<320000xi32, #tpu.memory_space<hbm>> -> memref<80xi32, #tpu.memory_space<hbm>>
        %dma_wait3A_169 = tpu.memref_slice %arg3[%add3A_167] : memref<320000xi32, #tpu.memory_space<hbm>> -> memref<80xi32, #tpu.memory_space<hbm>>
        tpu.wait_dma2 semaphore(%arg21 : memref<!tpu.dma_semaphore, #tpu.memory_space<semaphore_mem>>) src(%dma_wait3A_169 : memref<80xi32, #tpu.memory_space<hbm>>) dst(%arg9 : memref<80xi32, #tpu.memory_space<vmem>>)
        %dma_wait3A_170 = tpu.memref_slice %arg4[%add3A_167] : memref<320000xi32, #tpu.memory_space<hbm>> -> memref<80xi32, #tpu.memory_space<hbm>>
        %dma_wait3A_171 = tpu.memref_slice %arg4[%add3A_167] : memref<320000xi32, #tpu.memory_space<hbm>> -> memref<80xi32, #tpu.memory_space<hbm>>
        tpu.wait_dma2 semaphore(%arg21 : memref<!tpu.dma_semaphore, #tpu.memory_space<semaphore_mem>>) src(%dma_wait3A_171 : memref<80xi32, #tpu.memory_space<hbm>>) dst(%arg13 : memref<80xi32, #tpu.memory_space<vmem>>)
        %dma_start3A_172 = arith.constant 0 : i32
        %dma_start3A_173 = arith.constant 0 : i32
        %dma_start3A_174 = tpu.memref_slice %arg2[%dma_start3A_172, %dma_start3A_173] : memref<10000x128xf32, #tpu.memory_space<hbm>> -> memref<10000x128xf32, #tpu.memory_space<hbm>>
        tpu.enqueue_indirect_dma source(%dma_start3A_174 : memref<10000x128xf32, #tpu.memory_space<hbm>>) target(%arg15 : memref<80x128xf32, #tpu.memory_space<vmem>>) offsets(%arg9 : memref<80xi32, #tpu.memory_space<vmem>>) semaphore(%arg23 : memref<!tpu.dma_semaphore, #tpu.memory_space<semaphore_mem>>)
      } else {
      }
      %add3A_114 = arith.constant 4 : i32
      %add3A_115 = arith.addi %add3A_103, %add3A_114 : i32
      %lt3A_116 = arith.constant 125 : i32
      %lt3A_117 = arith.cmpi slt, %add3A_115, %lt3A_116 : i32
      %convert_element_type3A_118 = arith.extui %lt3A_117 : i1 to i32
      %cond3A_119 = arith.constant 0 : i32
      %cond3A_120 = arith.cmpi ne, %convert_element_type3A_118, %cond3A_119 : i32
      scf.if %cond3A_120 {
        %add3A_163 = arith.constant 4 : i32
        %add3A_164 = arith.addi %add3A_103, %add3A_163 : i32
        %mul3A_165 = arith.constant 80 : i32
        %mul3A_166 = arith.muli %add3A_164, %mul3A_165 : i32
        %add3A_167 = arith.addi %mul3A_2, %mul3A_166 : i32
        %dma_start3A_168 = tpu.memref_slice %arg3[%add3A_167] : memref<320000xi32, #tpu.memory_space<hbm>> -> memref<80xi32, #tpu.memory_space<hbm>>
        %dma_start3A_169 = tpu.memref_slice %arg3[%add3A_167] : memref<320000xi32, #tpu.memory_space<hbm>> -> memref<80xi32, #tpu.memory_space<hbm>>
        tpu.enqueue_dma source(%dma_start3A_169 : memref<80xi32, #tpu.memory_space<hbm>>) target(%arg7 : memref<80xi32, #tpu.memory_space<vmem>>) target_semaphore(%arg19 : memref<!tpu.dma_semaphore, #tpu.memory_space<semaphore_mem>>)
        %dma_start3A_170 = tpu.memref_slice %arg4[%add3A_167] : memref<320000xi32, #tpu.memory_space<hbm>> -> memref<80xi32, #tpu.memory_space<hbm>>
        %dma_start3A_171 = tpu.memref_slice %arg4[%add3A_167] : memref<320000xi32, #tpu.memory_space<hbm>> -> memref<80xi32, #tpu.memory_space<hbm>>
        tpu.enqueue_dma source(%dma_start3A_171 : memref<80xi32, #tpu.memory_space<hbm>>) target(%arg11 : memref<80xi32, #tpu.memory_space<vmem>>) target_semaphore(%arg19 : memref<!tpu.dma_semaphore, #tpu.memory_space<semaphore_mem>>)
      } else {
      }
      %mul3A_121 = arith.constant 4 : i32
      %mul3A_122 = arith.muli %mul3A_121, %scan3A_79 : i32
      %add3A_123 = arith.constant 2 : i32
      %add3A_124 = arith.addi %mul3A_122, %add3A_123 : i32
      %dma_wait3A_125 = arith.constant 0 : i32
      %dma_wait3A_126 = arith.constant 0 : i32
      %dma_wait3A_127 = tpu.memref_slice %arg2[%dma_wait3A_125, %dma_wait3A_126] : memref<10000x128xf32, #tpu.memory_space<hbm>> -> memref<10000x128xf32, #tpu.memory_space<hbm>>
      tpu.wait_indirect_dma semaphore(%arg22 : memref<!tpu.dma_semaphore, #tpu.memory_space<semaphore_mem>>) src(%dma_wait3A_127 : memref<10000x128xf32, #tpu.memory_space<hbm>>) dst(%arg14 : memref<80x128xf32, #tpu.memory_space<vmem>>)
      "tpu.region"() ({
        %run_scoped3A = tpu.sem_alloc : memref<!tpu.dma_semaphore, #tpu.memory_space<semaphore_mem>>
        %dma_start3A_163 = arith.constant 0 : i32
        %dma_start3A_164 = arith.constant 0 : i32
        %dma_start3A_165 = tpu.memref_slice %arg17[%dma_start3A_163, %dma_start3A_164] : memref<10000x128xf32, #tpu.memory_space<vmem_shared>> -> memref<10000x128xf32, #tpu.memory_space<vmem_shared>>
        tpu.enqueue_indirect_dma source(%arg14 : memref<80x128xf32, #tpu.memory_space<vmem>>) target(%dma_start3A_165 : memref<10000x128xf32, #tpu.memory_space<vmem_shared>>) offsets(%arg12 : memref<80xi32, #tpu.memory_space<vmem>>) semaphore(%run_scoped3A : memref<!tpu.dma_semaphore, #tpu.memory_space<semaphore_mem>>) {add = true}
        %dma_wait3A_166 = arith.constant 0 : i32
        %dma_wait3A_167 = arith.constant 0 : i32
        %dma_wait3A_168 = tpu.memref_slice %arg17[%dma_wait3A_166, %dma_wait3A_167] : memref<10000x128xf32, #tpu.memory_space<vmem_shared>> -> memref<10000x128xf32, #tpu.memory_space<vmem_shared>>
        tpu.wait_indirect_dma semaphore(%run_scoped3A : memref<!tpu.dma_semaphore, #tpu.memory_space<semaphore_mem>>) src(%arg14 : memref<80x128xf32, #tpu.memory_space<vmem>>) dst(%dma_wait3A_168 : memref<10000x128xf32, #tpu.memory_space<vmem_shared>>)
        tpu.yield
      }) : () -> ()
      %add3A_128 = arith.constant 2 : i32
      %add3A_129 = arith.addi %add3A_124, %add3A_128 : i32
      %lt3A_130 = arith.constant 125 : i32
      %lt3A_131 = arith.cmpi slt, %add3A_129, %lt3A_130 : i32
      %convert_element_type3A_132 = arith.extui %lt3A_131 : i1 to i32
      %cond3A_133 = arith.constant 0 : i32
      %cond3A_134 = arith.cmpi ne, %convert_element_type3A_132, %cond3A_133 : i32
      scf.if %cond3A_134 {
        %add3A_163 = arith.constant 2 : i32
        %add3A_164 = arith.addi %add3A_124, %add3A_163 : i32
        %mul3A_165 = arith.constant 80 : i32
        %mul3A_166 = arith.muli %add3A_164, %mul3A_165 : i32
        %add3A_167 = arith.addi %mul3A_2, %mul3A_166 : i32
        %dma_wait3A_168 = tpu.memref_slice %arg3[%add3A_167] : memref<320000xi32, #tpu.memory_space<hbm>> -> memref<80xi32, #tpu.memory_space<hbm>>
        %dma_wait3A_169 = tpu.memref_slice %arg3[%add3A_167] : memref<320000xi32, #tpu.memory_space<hbm>> -> memref<80xi32, #tpu.memory_space<hbm>>
        tpu.wait_dma2 semaphore(%arg18 : memref<!tpu.dma_semaphore, #tpu.memory_space<semaphore_mem>>) src(%dma_wait3A_169 : memref<80xi32, #tpu.memory_space<hbm>>) dst(%arg6 : memref<80xi32, #tpu.memory_space<vmem>>)
        %dma_wait3A_170 = tpu.memref_slice %arg4[%add3A_167] : memref<320000xi32, #tpu.memory_space<hbm>> -> memref<80xi32, #tpu.memory_space<hbm>>
        %dma_wait3A_171 = tpu.memref_slice %arg4[%add3A_167] : memref<320000xi32, #tpu.memory_space<hbm>> -> memref<80xi32, #tpu.memory_space<hbm>>
        tpu.wait_dma2 semaphore(%arg18 : memref<!tpu.dma_semaphore, #tpu.memory_space<semaphore_mem>>) src(%dma_wait3A_171 : memref<80xi32, #tpu.memory_space<hbm>>) dst(%arg10 : memref<80xi32, #tpu.memory_space<vmem>>)
        %dma_start3A_172 = arith.constant 0 : i32
        %dma_start3A_173 = arith.constant 0 : i32
        %dma_start3A_174 = tpu.memref_slice %arg2[%dma_start3A_172, %dma_start3A_173] : memref<10000x128xf32, #tpu.memory_space<hbm>> -> memref<10000x128xf32, #tpu.memory_space<hbm>>
        tpu.enqueue_indirect_dma source(%dma_start3A_174 : memref<10000x128xf32, #tpu.memory_space<hbm>>) target(%arg14 : memref<80x128xf32, #tpu.memory_space<vmem>>) offsets(%arg6 : memref<80xi32, #tpu.memory_space<vmem>>) semaphore(%arg22 : memref<!tpu.dma_semaphore, #tpu.memory_space<semaphore_mem>>)
      } else {
      }
      %add3A_135 = arith.constant 4 : i32
      %add3A_136 = arith.addi %add3A_124, %add3A_135 : i32
      %lt3A_137 = arith.constant 125 : i32
      %lt3A_138 = arith.cmpi slt, %add3A_136, %lt3A_137 : i32
      %convert_element_type3A_139 = arith.extui %lt3A_138 : i1 to i32
      %cond3A_140 = arith.constant 0 : i32
      %cond3A_141 = arith.cmpi ne, %convert_element_type3A_139, %cond3A_140 : i32
      scf.if %cond3A_141 {
        %add3A_163 = arith.constant 4 : i32
        %add3A_164 = arith.addi %add3A_124, %add3A_163 : i32
        %mul3A_165 = arith.constant 80 : i32
        %mul3A_166 = arith.muli %add3A_164, %mul3A_165 : i32
        %add3A_167 = arith.addi %mul3A_2, %mul3A_166 : i32
        %dma_start3A_168 = tpu.memref_slice %arg3[%add3A_167] : memref<320000xi32, #tpu.memory_space<hbm>> -> memref<80xi32, #tpu.memory_space<hbm>>
        %dma_start3A_169 = tpu.memref_slice %arg3[%add3A_167] : memref<320000xi32, #tpu.memory_space<hbm>> -> memref<80xi32, #tpu.memory_space<hbm>>
        tpu.enqueue_dma source(%dma_start3A_169 : memref<80xi32, #tpu.memory_space<hbm>>) target(%arg8 : memref<80xi32, #tpu.memory_space<vmem>>) target_semaphore(%arg20 : memref<!tpu.dma_semaphore, #tpu.memory_space<semaphore_mem>>)
        %dma_start3A_170 = tpu.memref_slice %arg4[%add3A_167] : memref<320000xi32, #tpu.memory_space<hbm>> -> memref<80xi32, #tpu.memory_space<hbm>>
        %dma_start3A_171 = tpu.memref_slice %arg4[%add3A_167] : memref<320000xi32, #tpu.memory_space<hbm>> -> memref<80xi32, #tpu.memory_space<hbm>>
        tpu.enqueue_dma source(%dma_start3A_171 : memref<80xi32, #tpu.memory_space<hbm>>) target(%arg12 : memref<80xi32, #tpu.memory_space<vmem>>) target_semaphore(%arg20 : memref<!tpu.dma_semaphore, #tpu.memory_space<semaphore_mem>>)
      } else {
      }
      %mul3A_142 = arith.constant 4 : i32
      %mul3A_143 = arith.muli %mul3A_142, %scan3A_79 : i32
      %add3A_144 = arith.constant 3 : i32
      %add3A_145 = arith.addi %mul3A_143, %add3A_144 : i32
      %dma_wait3A_146 = arith.constant 0 : i32
      %dma_wait3A_147 = arith.constant 0 : i32
      %dma_wait3A_148 = tpu.memref_slice %arg2[%dma_wait3A_146, %dma_wait3A_147] : memref<10000x128xf32, #tpu.memory_space<hbm>> -> memref<10000x128xf32, #tpu.memory_space<hbm>>
      tpu.wait_indirect_dma semaphore(%arg23 : memref<!tpu.dma_semaphore, #tpu.memory_space<semaphore_mem>>) src(%dma_wait3A_148 : memref<10000x128xf32, #tpu.memory_space<hbm>>) dst(%arg15 : memref<80x128xf32, #tpu.memory_space<vmem>>)
      "tpu.region"() ({
        %run_scoped3A = tpu.sem_alloc : memref<!tpu.dma_semaphore, #tpu.memory_space<semaphore_mem>>
        %dma_start3A_163 = arith.constant 0 : i32
        %dma_start3A_164 = arith.constant 0 : i32
        %dma_start3A_165 = tpu.memref_slice %arg17[%dma_start3A_163, %dma_start3A_164] : memref<10000x128xf32, #tpu.memory_space<vmem_shared>> -> memref<10000x128xf32, #tpu.memory_space<vmem_shared>>
        tpu.enqueue_indirect_dma source(%arg15 : memref<80x128xf32, #tpu.memory_space<vmem>>) target(%dma_start3A_165 : memref<10000x128xf32, #tpu.memory_space<vmem_shared>>) offsets(%arg13 : memref<80xi32, #tpu.memory_space<vmem>>) semaphore(%run_scoped3A : memref<!tpu.dma_semaphore, #tpu.memory_space<semaphore_mem>>) {add = true}
        %dma_wait3A_166 = arith.constant 0 : i32
        %dma_wait3A_167 = arith.constant 0 : i32
        %dma_wait3A_168 = tpu.memref_slice %arg17[%dma_wait3A_166, %dma_wait3A_167] : memref<10000x128xf32, #tpu.memory_space<vmem_shared>> -> memref<10000x128xf32, #tpu.memory_space<vmem_shared>>
        tpu.wait_indirect_dma semaphore(%run_scoped3A : memref<!tpu.dma_semaphore, #tpu.memory_space<semaphore_mem>>) src(%arg15 : memref<80x128xf32, #tpu.memory_space<vmem>>) dst(%dma_wait3A_168 : memref<10000x128xf32, #tpu.memory_space<vmem_shared>>)
        tpu.yield
      }) : () -> ()
      %add3A_149 = arith.constant 2 : i32
      %add3A_150 = arith.addi %add3A_145, %add3A_149 : i32
      %lt3A_151 = arith.constant 125 : i32
      %lt3A_152 = arith.cmpi slt, %add3A_150, %lt3A_151 : i32
      %convert_element_type3A_153 = arith.extui %lt3A_152 : i1 to i32
      %cond3A_154 = arith.constant 0 : i32
      %cond3A_155 = arith.cmpi ne, %convert_element_type3A_153, %cond3A_154 : i32
      scf.if %cond3A_155 {
        %add3A_163 = arith.constant 2 : i32
        %add3A_164 = arith.addi %add3A_145, %add3A_163 : i32
        %mul3A_165 = arith.constant 80 : i32
        %mul3A_166 = arith.muli %add3A_164, %mul3A_165 : i32
        %add3A_167 = arith.addi %mul3A_2, %mul3A_166 : i32
        %dma_wait3A_168 = tpu.memref_slice %arg3[%add3A_167] : memref<320000xi32, #tpu.memory_space<hbm>> -> memref<80xi32, #tpu.memory_space<hbm>>
        %dma_wait3A_169 = tpu.memref_slice %arg3[%add3A_167] : memref<320000xi32, #tpu.memory_space<hbm>> -> memref<80xi32, #tpu.memory_space<hbm>>
        tpu.wait_dma2 semaphore(%arg19 : memref<!tpu.dma_semaphore, #tpu.memory_space<semaphore_mem>>) src(%dma_wait3A_169 : memref<80xi32, #tpu.memory_space<hbm>>) dst(%arg7 : memref<80xi32, #tpu.memory_space<vmem>>)
        %dma_wait3A_170 = tpu.memref_slice %arg4[%add3A_167] : memref<320000xi32, #tpu.memory_space<hbm>> -> memref<80xi32, #tpu.memory_space<hbm>>
        %dma_wait3A_171 = tpu.memref_slice %arg4[%add3A_167] : memref<320000xi32, #tpu.memory_space<hbm>> -> memref<80xi32, #tpu.memory_space<hbm>>
        tpu.wait_dma2 semaphore(%arg19 : memref<!tpu.dma_semaphore, #tpu.memory_space<semaphore_mem>>) src(%dma_wait3A_171 : memref<80xi32, #tpu.memory_space<hbm>>) dst(%arg11 : memref<80xi32, #tpu.memory_space<vmem>>)
        %dma_start3A_172 = arith.constant 0 : i32
        %dma_start3A_173 = arith.constant 0 : i32
        %dma_start3A_174 = tpu.memref_slice %arg2[%dma_start3A_172, %dma_start3A_173] : memref<10000x128xf32, #tpu.memory_space<hbm>> -> memref<10000x128xf32, #tpu.memory_space<hbm>>
        tpu.enqueue_indirect_dma source(%dma_start3A_174 : memref<10000x128xf32, #tpu.memory_space<hbm>>) target(%arg15 : memref<80x128xf32, #tpu.memory_space<vmem>>) offsets(%arg7 : memref<80xi32, #tpu.memory_space<vmem>>) semaphore(%arg23 : memref<!tpu.dma_semaphore, #tpu.memory_space<semaphore_mem>>)
      } else {
      }
      %add3A_156 = arith.constant 4 : i32
      %add3A_157 = arith.addi %add3A_145, %add3A_156 : i32
      %lt3A_158 = arith.constant 125 : i32
      %lt3A_159 = arith.cmpi slt, %add3A_157, %lt3A_158 : i32
      %convert_element_type3A_160 = arith.extui %lt3A_159 : i1 to i32
      %cond3A_161 = arith.constant 0 : i32
      %cond3A_162 = arith.cmpi ne, %convert_element_type3A_160, %cond3A_161 : i32
      scf.if %cond3A_162 {
        %add3A_163 = arith.constant 4 : i32
        %add3A_164 = arith.addi %add3A_145, %add3A_163 : i32
        %mul3A_165 = arith.constant 80 : i32
        %mul3A_166 = arith.muli %add3A_164, %mul3A_165 : i32
        %add3A_167 = arith.addi %mul3A_2, %mul3A_166 : i32
        %dma_start3A_168 = tpu.memref_slice %arg3[%add3A_167] : memref<320000xi32, #tpu.memory_space<hbm>> -> memref<80xi32, #tpu.memory_space<hbm>>
        %dma_start3A_169 = tpu.memref_slice %arg3[%add3A_167] : memref<320000xi32, #tpu.memory_space<hbm>> -> memref<80xi32, #tpu.memory_space<hbm>>
        tpu.enqueue_dma source(%dma_start3A_169 : memref<80xi32, #tpu.memory_space<hbm>>) target(%arg9 : memref<80xi32, #tpu.memory_space<vmem>>) target_semaphore(%arg21 : memref<!tpu.dma_semaphore, #tpu.memory_space<semaphore_mem>>)
        %dma_start3A_170 = tpu.memref_slice %arg4[%add3A_167] : memref<320000xi32, #tpu.memory_space<hbm>> -> memref<80xi32, #tpu.memory_space<hbm>>
        %dma_start3A_171 = tpu.memref_slice %arg4[%add3A_167] : memref<320000xi32, #tpu.memory_space<hbm>> -> memref<80xi32, #tpu.memory_space<hbm>>
        tpu.enqueue_dma source(%dma_start3A_171 : memref<80xi32, #tpu.memory_space<hbm>>) target(%arg13 : memref<80xi32, #tpu.memory_space<vmem>>) target_semaphore(%arg21 : memref<!tpu.dma_semaphore, #tpu.memory_space<semaphore_mem>>)
      } else {
      }
    }
    %scan3A_64 = arith.constant 31 : i32
    %dma_wait3A_65 = arith.constant 0 : i32
    %dma_wait3A_66 = arith.constant 0 : i32
    %dma_wait3A_67 = tpu.memref_slice %arg2[%dma_wait3A_65, %dma_wait3A_66] : memref<10000x128xf32, #tpu.memory_space<hbm>> -> memref<10000x128xf32, #tpu.memory_space<hbm>>
    tpu.wait_indirect_dma semaphore(%arg22 : memref<!tpu.dma_semaphore, #tpu.memory_space<semaphore_mem>>) src(%dma_wait3A_67 : memref<10000x128xf32, #tpu.memory_space<hbm>>) dst(%arg14 : memref<80x128xf32, #tpu.memory_space<vmem>>)
    "tpu.region"() ({
      %run_scoped3A = tpu.sem_alloc : memref<!tpu.dma_semaphore, #tpu.memory_space<semaphore_mem>>
      %dma_start3A_79 = arith.constant 0 : i32
      %dma_start3A_80 = arith.constant 0 : i32
      %dma_start3A_81 = tpu.memref_slice %arg17[%dma_start3A_79, %dma_start3A_80] : memref<10000x128xf32, #tpu.memory_space<vmem_shared>> -> memref<10000x128xf32, #tpu.memory_space<vmem_shared>>
      tpu.enqueue_indirect_dma source(%arg14 : memref<80x128xf32, #tpu.memory_space<vmem>>) target(%dma_start3A_81 : memref<10000x128xf32, #tpu.memory_space<vmem_shared>>) offsets(%arg10 : memref<80xi32, #tpu.memory_space<vmem>>) semaphore(%run_scoped3A : memref<!tpu.dma_semaphore, #tpu.memory_space<semaphore_mem>>) {add = true}
      %dma_wait3A_82 = arith.constant 0 : i32
      %dma_wait3A_83 = arith.constant 0 : i32
      %dma_wait3A_84 = tpu.memref_slice %arg17[%dma_wait3A_82, %dma_wait3A_83] : memref<10000x128xf32, #tpu.memory_space<vmem_shared>> -> memref<10000x128xf32, #tpu.memory_space<vmem_shared>>
      tpu.wait_indirect_dma semaphore(%run_scoped3A : memref<!tpu.dma_semaphore, #tpu.memory_space<semaphore_mem>>) src(%arg14 : memref<80x128xf32, #tpu.memory_space<vmem>>) dst(%dma_wait3A_84 : memref<10000x128xf32, #tpu.memory_space<vmem_shared>>)
      tpu.yield
    }) : () -> ()
    %barrier3A_68 = arith.constant 0 : index
    tpu.barrier barrier_id(%barrier3A_68)
    %mul3A_69 = arith.constant 624 : i32
    %mul3A_70 = arith.muli %arg1, %mul3A_69 : i32
    %mul3A_71 = arith.constant 10000 : i32
    %mul3A_72 = arith.muli %arg0, %mul3A_71 : i32
    %add3A_73 = arith.addi %mul3A_72, %mul3A_70 : i32
    "tpu.region"() ({
      %run_scoped3A = tpu.sem_alloc : memref<!tpu.dma_semaphore, #tpu.memory_space<semaphore_mem>>
      %dma_start3A_79 = arith.constant 0 : i32
      %dma_start3A_80 = tpu.memref_slice %arg5[%add3A_73, %dma_start3A_79] : memref<20000x128xf32, #tpu.memory_space<hbm>> -> memref<624x128xf32, #tpu.memory_space<hbm>>
      %dma_start3A_81 = arith.constant 0 : i32
      %dma_start3A_82 = tpu.memref_slice %arg17[%mul3A_70, %dma_start3A_81] : memref<10000x128xf32, #tpu.memory_space<vmem_shared>> -> memref<624x128xf32, #tpu.memory_space<vmem_shared>>
      tpu.enqueue_dma source(%dma_start3A_82 : memref<624x128xf32, #tpu.memory_space<vmem_shared>>) target(%dma_start3A_80 : memref<624x128xf32, #tpu.memory_space<hbm>>) target_semaphore(%run_scoped3A : memref<!tpu.dma_semaphore, #tpu.memory_space<semaphore_mem>>)
      %dma_wait3A_83 = arith.constant 0 : i32
      %dma_wait3A_84 = tpu.memref_slice %arg5[%add3A_73, %dma_wait3A_83] : memref<20000x128xf32, #tpu.memory_space<hbm>> -> memref<624x128xf32, #tpu.memory_space<hbm>>
      %dma_wait3A_85 = arith.constant 0 : i32
      %dma_wait3A_86 = tpu.memref_slice %arg17[%mul3A_70, %dma_wait3A_85] : memref<10000x128xf32, #tpu.memory_space<vmem_shared>> -> memref<624x128xf32, #tpu.memory_space<vmem_shared>>
      tpu.wait_dma2 semaphore(%run_scoped3A : memref<!tpu.dma_semaphore, #tpu.memory_space<semaphore_mem>>) src(%dma_wait3A_86 : memref<624x128xf32, #tpu.memory_space<vmem_shared>>) dst(%dma_wait3A_84 : memref<624x128xf32, #tpu.memory_space<hbm>>)
      tpu.yield
    }) : () -> ()
    %eq3A_74 = arith.constant 0 : i32
    %eq3A_75 = arith.cmpi eq, %arg1, %eq3A_74 : i32
    %convert_element_type3A_76 = arith.extui %eq3A_75 : i1 to i32
    %cond3A_77 = arith.constant 0 : i32
    %cond3A_78 = arith.cmpi ne, %convert_element_type3A_76, %cond3A_77 : i32
    scf.if %cond3A_78 {
      %mul3A_79 = arith.constant 10000 : i32
      %mul3A_80 = arith.muli %arg0, %mul3A_79 : i32
      %add3A_81 = arith.constant 9984 : i32
      %add3A_82 = arith.addi %mul3A_80, %add3A_81 : i32
      "tpu.region"() ({
        %run_scoped3A = tpu.sem_alloc : memref<!tpu.dma_semaphore, #tpu.memory_space<semaphore_mem>>
        %dma_start3A_83 = arith.constant 0 : i32
        %dma_start3A_84 = tpu.memref_slice %arg5[%add3A_82, %dma_start3A_83] : memref<20000x128xf32, #tpu.memory_space<hbm>> -> memref<16x128xf32, #tpu.memory_space<hbm>>
        %dma_start3A_85 = arith.constant 9984 : i32
        %dma_start3A_86 = arith.constant 0 : i32
        %dma_start3A_87 = tpu.memref_slice %arg17[%dma_start3A_85, %dma_start3A_86] : memref<10000x128xf32, #tpu.memory_space<vmem_shared>> -> memref<16x128xf32, #tpu.memory_space<vmem_shared>>
        tpu.enqueue_dma source(%dma_start3A_87 : memref<16x128xf32, #tpu.memory_space<vmem_shared>>) target(%dma_start3A_84 : memref<16x128xf32, #tpu.memory_space<hbm>>) target_semaphore(%run_scoped3A : memref<!tpu.dma_semaphore, #tpu.memory_space<semaphore_mem>>)
        %dma_wait3A_88 = arith.constant 0 : i32
        %dma_wait3A_89 = tpu.memref_slice %arg5[%add3A_82, %dma_wait3A_88] : memref<20000x128xf32, #tpu.memory_space<hbm>> -> memref<16x128xf32, #tpu.memory_space<hbm>>
        %dma_wait3A_90 = arith.constant 9984 : i32
        %dma_wait3A_91 = arith.constant 0 : i32
        %dma_wait3A_92 = tpu.memref_slice %arg17[%dma_wait3A_90, %dma_wait3A_91] : memref<10000x128xf32, #tpu.memory_space<vmem_shared>> -> memref<16x128xf32, #tpu.memory_space<vmem_shared>>
        tpu.wait_dma2 semaphore(%run_scoped3A : memref<!tpu.dma_semaphore, #tpu.memory_space<semaphore_mem>>) src(%dma_wait3A_92 : memref<16x128xf32, #tpu.memory_space<vmem_shared>>) dst(%dma_wait3A_89 : memref<16x128xf32, #tpu.memory_space<hbm>>)
        tpu.yield
      }) : () -> ()
    } else {
    }
    return
  }
}

#map = affine_map<(d0, d1) -> (0, 0)>
#map1 = affine_map<(d0, d1) -> (0)>
module attributes {stable_mosaic.version = 14 : i64} {
  func.func @_sc_deg_sum(%arg0: i32, %arg1: i32, %arg2: memref<10000x128xf32, #tpu.memory_space<hbm>>, %arg3: memref<320000xi32, #tpu.memory_space<hbm>>, %arg4: memref<320000xi32, #tpu.memory_space<hbm>>, %arg5: memref<20000x128xf32, #tpu.memory_space<hbm>>, %arg6: memref<20000x128xf32, #tpu.memory_space<hbm>>, %arg7: memref<80xi32, #tpu.memory_space<vmem>>, %arg8: memref<80xi32, #tpu.memory_space<vmem>>, %arg9: memref<80xi32, #tpu.memory_space<vmem>>, %arg10: memref<80xi32, #tpu.memory_space<vmem>>, %arg11: memref<80xi32, #tpu.memory_space<vmem>>, %arg12: memref<80xi32, #tpu.memory_space<vmem>>, %arg13: memref<80xi32, #tpu.memory_space<vmem>>, %arg14: memref<80xi32, #tpu.memory_space<vmem>>, %arg15: memref<80x128xf32, #tpu.memory_space<vmem>>, %arg16: memref<80x128xf32, #tpu.memory_space<vmem>>, %arg17: memref<16x128xf32, #tpu.memory_space<vmem>>, %arg18: memref<10000x128xf32, #tpu.memory_space<vmem_shared>>, %arg19: memref<!tpu.dma_semaphore, #tpu.memory_space<semaphore_mem>>, %arg20: memref<!tpu.dma_semaphore, #tpu.memory_space<semaphore_mem>>, %arg21: memref<!tpu.dma_semaphore, #tpu.memory_space<semaphore_mem>>, %arg22: memref<!tpu.dma_semaphore, #tpu.memory_space<semaphore_mem>>, %arg23: memref<!tpu.dma_semaphore, #tpu.memory_space<semaphore_mem>>, %arg24: memref<!tpu.dma_semaphore, #tpu.memory_space<semaphore_mem>>) attributes {dimension_semantics = [#tpu.dimension_semantics<core_parallel>, #tpu.dimension_semantics<subcore_parallel>], iteration_bounds = array<i64: 2, 16>, scalar_prefetch = 0 : i64, scratch_operands = 18 : i64, tpu.core_type = #tpu.core_type<sc_vector_subcore>, window_params = [{transform_indices = #map}, {transform_indices = #map1}, {transform_indices = #map1}, {transform_indices = #map}, {transform_indices = #map}]} {
    %mul3A = arith.constant 16 : i32
    %mul3A_0 = arith.muli %arg0, %mul3A : i32
    %add3A = arith.addi %mul3A_0, %arg1 : i32
    %mul3A_1 = arith.constant 10000 : i32
    %mul3A_2 = arith.muli %add3A, %mul3A_1 : i32
    %add3A_3 = arith.constant 0 : i32
    %add3A_4 = arith.addi %mul3A_2, %add3A_3 : i32
    %dma_start3A = tpu.memref_slice %arg4[%add3A_4] : memref<320000xi32, #tpu.memory_space<hbm>> -> memref<80xi32, #tpu.memory_space<hbm>>
    %dma_start3A_5 = tpu.memref_slice %arg4[%add3A_4] : memref<320000xi32, #tpu.memory_space<hbm>> -> memref<80xi32, #tpu.memory_space<hbm>>
    tpu.enqueue_dma source(%dma_start3A_5 : memref<80xi32, #tpu.memory_space<hbm>>) target(%arg11 : memref<80xi32, #tpu.memory_space<vmem>>) target_semaphore(%arg19 : memref<!tpu.dma_semaphore, #tpu.memory_space<semaphore_mem>>)
    %add3A_6 = arith.constant 80 : i32
    %add3A_7 = arith.addi %mul3A_2, %add3A_6 : i32
    %dma_start3A_8 = tpu.memref_slice %arg4[%add3A_7] : memref<320000xi32, #tpu.memory_space<hbm>> -> memref<80xi32, #tpu.memory_space<hbm>>
    %dma_start3A_9 = tpu.memref_slice %arg4[%add3A_7] : memref<320000xi32, #tpu.memory_space<hbm>> -> memref<80xi32, #tpu.memory_space<hbm>>
    tpu.enqueue_dma source(%dma_start3A_9 : memref<80xi32, #tpu.memory_space<hbm>>) target(%arg12 : memref<80xi32, #tpu.memory_space<vmem>>) target_semaphore(%arg20 : memref<!tpu.dma_semaphore, #tpu.memory_space<semaphore_mem>>)
    %add3A_10 = arith.constant 160 : i32
    %add3A_11 = arith.addi %mul3A_2, %add3A_10 : i32
    %dma_start3A_12 = tpu.memref_slice %arg4[%add3A_11] : memref<320000xi32, #tpu.memory_space<hbm>> -> memref<80xi32, #tpu.memory_space<hbm>>
    %dma_start3A_13 = tpu.memref_slice %arg4[%add3A_11] : memref<320000xi32, #tpu.memory_space<hbm>> -> memref<80xi32, #tpu.memory_space<hbm>>
    tpu.enqueue_dma source(%dma_start3A_13 : memref<80xi32, #tpu.memory_space<hbm>>) target(%arg13 : memref<80xi32, #tpu.memory_space<vmem>>) target_semaphore(%arg21 : memref<!tpu.dma_semaphore, #tpu.memory_space<semaphore_mem>>)
    %add3A_14 = arith.constant 240 : i32
    %add3A_15 = arith.addi %mul3A_2, %add3A_14 : i32
    %dma_start3A_16 = tpu.memref_slice %arg4[%add3A_15] : memref<320000xi32, #tpu.memory_space<hbm>> -> memref<80xi32, #tpu.memory_space<hbm>>
    %dma_start3A_17 = tpu.memref_slice %arg4[%add3A_15] : memref<320000xi32, #tpu.memory_space<hbm>> -> memref<80xi32, #tpu.memory_space<hbm>>
    tpu.enqueue_dma source(%dma_start3A_17 : memref<80xi32, #tpu.memory_space<hbm>>) target(%arg14 : memref<80xi32, #tpu.memory_space<vmem>>) target_semaphore(%arg22 : memref<!tpu.dma_semaphore, #tpu.memory_space<semaphore_mem>>)
    %broadcast_in_dim3A = arith.constant 0.000000e+00 : f32
    %broadcast_in_dim3A_18 = vector.broadcast %broadcast_in_dim3A : f32 to vector<16xf32>
    %scan3A = arith.constant 0 : i32
    %scan3A_19 = arith.constant 0 : i32
    %scan3A_20 = arith.constant 16 : i32
    %scan3A_21 = arith.addi %scan3A_19, %scan3A_20 : i32
    %scan3A_22 = arith.constant 1 : i32
    scf.for %scan3A_138 = %scan3A_19 to %scan3A_21 step %scan3A_22  : i32 {
      %scan3A_139 = arith.constant 0 : i32
      %scan3A_140 = arith.constant 8 : i32
      %scan3A_141 = arith.addi %scan3A_139, %scan3A_140 : i32
      %scan3A_142 = arith.constant 1 : i32
      scf.for %scan3A_144 = %scan3A_139 to %scan3A_141 step %scan3A_142  : i32 {
        %mul3A_145 = arith.constant 16 : i32
        %mul3A_146 = arith.muli %scan3A_144, %mul3A_145 : i32
        %swap3A = arith.index_cast %scan3A_138 : i32 to index
        %swap3A_147 = arith.index_cast %mul3A_146 : i32 to index
        %swap3A_148 = tpu.vector_load %arg17[%swap3A, %swap3A_147] {strides = array<i32>} : memref<16x128xf32, #tpu.memory_space<vmem>>, vector<1x16xf32>,
        %swap3A_149 = vector.shape_cast %swap3A_148 : vector<1x16xf32> to vector<16xf32>
        %swap3A_150 = vector.shape_cast %broadcast_in_dim3A_18 : vector<16xf32> to vector<1x16xf32>
        tpu.vector_store %arg17[%swap3A, %swap3A_147], %swap3A_150 {strides = array<i32>} : memref<16x128xf32, #tpu.memory_space<vmem>>, vector<1x16xf32>,
      }
      %scan3A_143 = arith.constant 8 : i32
    }
    %scan3A_23 = arith.constant 16 : i32
    %broadcast_in_dim3A_24 = arith.constant 1.000000e+00 : f32
    %broadcast_in_dim3A_25 = vector.broadcast %broadcast_in_dim3A_24 : f32 to vector<16xf32>
    %scan3A_26 = arith.constant 0 : i32
    %scan3A_27 = arith.constant 0 : i32
    %scan3A_28 = arith.constant 80 : i32
    %scan3A_29 = arith.addi %scan3A_27, %scan3A_28 : i32
    %scan3A_30 = arith.constant 1 : i32
    scf.for %scan3A_138 = %scan3A_27 to %scan3A_29 step %scan3A_30  : i32 {
      %scan3A_139 = arith.constant 0 : i32
      %scan3A_140 = arith.constant 8 : i32
      %scan3A_141 = arith.addi %scan3A_139, %scan3A_140 : i32
      %scan3A_142 = arith.constant 1 : i32
      scf.for %scan3A_144 = %scan3A_139 to %scan3A_141 step %scan3A_142  : i32 {
        %mul3A_145 = arith.constant 16 : i32
        %mul3A_146 = arith.muli %scan3A_144, %mul3A_145 : i32
        %swap3A = arith.index_cast %scan3A_138 : i32 to index
        %swap3A_147 = arith.index_cast %mul3A_146 : i32 to index
        %swap3A_148 = tpu.vector_load %arg15[%swap3A, %swap3A_147] {strides = array<i32>} : memref<80x128xf32, #tpu.memory_space<vmem>>, vector<1x16xf32>,
        %swap3A_149 = vector.shape_cast %swap3A_148 : vector<1x16xf32> to vector<16xf32>
        %swap3A_150 = vector.shape_cast %broadcast_in_dim3A_25 : vector<16xf32> to vector<1x16xf32>
        tpu.vector_store %arg15[%swap3A, %swap3A_147], %swap3A_150 {strides = array<i32>} : memref<80x128xf32, #tpu.memory_space<vmem>>, vector<1x16xf32>,
      }
      %scan3A_143 = arith.constant 8 : i32
    }
    %scan3A_31 = arith.constant 80 : i32
    %mul3A_32 = arith.constant 624 : i32
    %mul3A_33 = arith.muli %arg1, %mul3A_32 : i32
    %scan3A_34 = arith.constant 0 : i32
    %scan3A_35 = arith.constant 0 : i32
    %scan3A_36 = arith.constant 39 : i32
    %scan3A_37 = arith.addi %scan3A_35, %scan3A_36 : i32
    %scan3A_38 = arith.constant 1 : i32
    scf.for %scan3A_138 = %scan3A_35 to %scan3A_37 step %scan3A_38  : i32 {
      %mul3A_139 = arith.constant 16 : i32
      %mul3A_140 = arith.muli %scan3A_138, %mul3A_139 : i32
      %add3A_141 = arith.addi %mul3A_33, %mul3A_140 : i32
      "tpu.region"() ({
        %run_scoped3A = tpu.sem_alloc : memref<!tpu.dma_semaphore, #tpu.memory_space<semaphore_mem>>
        %dma_start3A_142 = arith.constant 0 : i32
        %dma_start3A_143 = tpu.memref_slice %arg18[%add3A_141, %dma_start3A_142] : memref<10000x128xf32, #tpu.memory_space<vmem_shared>> -> memref<16x128xf32, #tpu.memory_space<vmem_shared>>
        %dma_start3A_144 = arith.constant 0 : i32
        %dma_start3A_145 = tpu.memref_slice %arg18[%add3A_141, %dma_start3A_144] : memref<10000x128xf32, #tpu.memory_space<vmem_shared>> -> memref<16x128xf32, #tpu.memory_space<vmem_shared>>
        tpu.enqueue_dma source(%arg17 : memref<16x128xf32, #tpu.memory_space<vmem>>) target(%dma_start3A_145 : memref<16x128xf32, #tpu.memory_space<vmem_shared>>) target_semaphore(%run_scoped3A : memref<!tpu.dma_semaphore, #tpu.memory_space<semaphore_mem>>)
        %dma_wait3A_146 = arith.constant 0 : i32
        %dma_wait3A_147 = tpu.memref_slice %arg18[%add3A_141, %dma_wait3A_146] : memref<10000x128xf32, #tpu.memory_space<vmem_shared>> -> memref<16x128xf32, #tpu.memory_space<vmem_shared>>
        %dma_wait3A_148 = arith.constant 0 : i32
        %dma_wait3A_149 = tpu.memref_slice %arg18[%add3A_141, %dma_wait3A_148] : memref<10000x128xf32, #tpu.memory_space<vmem_shared>> -> memref<16x128xf32, #tpu.memory_space<vmem_shared>>
        tpu.wait_dma2 semaphore(%run_scoped3A : memref<!tpu.dma_semaphore, #tpu.memory_space<semaphore_mem>>) src(%arg17 : memref<16x128xf32, #tpu.memory_space<vmem>>) dst(%dma_wait3A_149 : memref<16x128xf32, #tpu.memory_space<vmem_shared>>)
        tpu.yield
      }) : () -> ()
    }
    %scan3A_39 = arith.constant 39 : i32
    %eq3A = arith.constant 0 : i32
    %eq3A_40 = arith.cmpi eq, %arg1, %eq3A : i32
    %convert_element_type3A = arith.extui %eq3A_40 : i1 to i32
    %cond3A = arith.constant 0 : i32
    %cond3A_41 = arith.cmpi ne, %convert_element_type3A, %cond3A : i32
    scf.if %cond3A_41 {
      "tpu.region"() ({
        %run_scoped3A = tpu.sem_alloc : memref<!tpu.dma_semaphore, #tpu.memory_space<semaphore_mem>>
        %dma_start3A_138 = arith.constant 9984 : i32
        %dma_start3A_139 = arith.constant 0 : i32
        %dma_start3A_140 = tpu.memref_slice %arg18[%dma_start3A_138, %dma_start3A_139] : memref<10000x128xf32, #tpu.memory_space<vmem_shared>> -> memref<16x128xf32, #tpu.memory_space<vmem_shared>>
        %dma_start3A_141 = arith.constant 9984 : i32
        %dma_start3A_142 = arith.constant 0 : i32
        %dma_start3A_143 = tpu.memref_slice %arg18[%dma_start3A_141, %dma_start3A_142] : memref<10000x128xf32, #tpu.memory_space<vmem_shared>> -> memref<16x128xf32, #tpu.memory_space<vmem_shared>>
        tpu.enqueue_dma source(%arg17 : memref<16x128xf32, #tpu.memory_space<vmem>>) target(%dma_start3A_143 : memref<16x128xf32, #tpu.memory_space<vmem_shared>>) target_semaphore(%run_scoped3A : memref<!tpu.dma_semaphore, #tpu.memory_space<semaphore_mem>>)
        %dma_wait3A_144 = arith.constant 9984 : i32
        %dma_wait3A_145 = arith.constant 0 : i32
        %dma_wait3A_146 = tpu.memref_slice %arg18[%dma_wait3A_144, %dma_wait3A_145] : memref<10000x128xf32, #tpu.memory_space<vmem_shared>> -> memref<16x128xf32, #tpu.memory_space<vmem_shared>>
        %dma_wait3A_147 = arith.constant 9984 : i32
        %dma_wait3A_148 = arith.constant 0 : i32
        %dma_wait3A_149 = tpu.memref_slice %arg18[%dma_wait3A_147, %dma_wait3A_148] : memref<10000x128xf32, #tpu.memory_space<vmem_shared>> -> memref<16x128xf32, #tpu.memory_space<vmem_shared>>
        tpu.wait_dma2 semaphore(%run_scoped3A : memref<!tpu.dma_semaphore, #tpu.memory_space<semaphore_mem>>) src(%arg17 : memref<16x128xf32, #tpu.memory_space<vmem>>) dst(%dma_wait3A_149 : memref<16x128xf32, #tpu.memory_space<vmem_shared>>)
        tpu.yield
      }) : () -> ()
    } else {
    }
    %barrier3A = arith.constant 0 : index
    tpu.barrier barrier_id(%barrier3A)
    %scan3A_42 = arith.constant 0 : i32
    %scan3A_43 = arith.constant 0 : i32
    %scan3A_44 = arith.constant 31 : i32
    %scan3A_45 = arith.addi %scan3A_43, %scan3A_44 : i32
    %scan3A_46 = arith.constant 1 : i32
    scf.for %scan3A_138 = %scan3A_43 to %scan3A_45 step %scan3A_46  : i32 {
      %mul3A_139 = arith.constant 4 : i32
      %mul3A_140 = arith.muli %mul3A_139, %scan3A_138 : i32
      %add3A_141 = arith.constant 0 : i32
      %add3A_142 = arith.addi %mul3A_140, %add3A_141 : i32
      %mul3A_143 = arith.constant 80 : i32
      %mul3A_144 = arith.muli %add3A_142, %mul3A_143 : i32
      %add3A_145 = arith.addi %mul3A_2, %mul3A_144 : i32
      %dma_wait3A_146 = tpu.memref_slice %arg4[%add3A_145] : memref<320000xi32, #tpu.memory_space<hbm>> -> memref<80xi32, #tpu.memory_space<hbm>>
      %dma_wait3A_147 = tpu.memref_slice %arg4[%add3A_145] : memref<320000xi32, #tpu.memory_space<hbm>> -> memref<80xi32, #tpu.memory_space<hbm>>
      tpu.wait_dma2 semaphore(%arg19 : memref<!tpu.dma_semaphore, #tpu.memory_space<semaphore_mem>>) src(%dma_wait3A_147 : memref<80xi32, #tpu.memory_space<hbm>>) dst(%arg11 : memref<80xi32, #tpu.memory_space<vmem>>)
      "tpu.region"() ({
        %run_scoped3A = tpu.sem_alloc : memref<!tpu.dma_semaphore, #tpu.memory_space<semaphore_mem>>
        %dma_start3A_202 = arith.constant 0 : i32
        %dma_start3A_203 = arith.constant 0 : i32
        %dma_start3A_204 = tpu.memref_slice %arg18[%dma_start3A_202, %dma_start3A_203] : memref<10000x128xf32, #tpu.memory_space<vmem_shared>> -> memref<10000x128xf32, #tpu.memory_space<vmem_shared>>
        tpu.enqueue_indirect_dma source(%arg15 : memref<80x128xf32, #tpu.memory_space<vmem>>) target(%dma_start3A_204 : memref<10000x128xf32, #tpu.memory_space<vmem_shared>>) offsets(%arg11 : memref<80xi32, #tpu.memory_space<vmem>>) semaphore(%run_scoped3A : memref<!tpu.dma_semaphore, #tpu.memory_space<semaphore_mem>>) {add = true}
        %dma_wait3A_205 = arith.constant 0 : i32
        %dma_wait3A_206 = arith.constant 0 : i32
        %dma_wait3A_207 = tpu.memref_slice %arg18[%dma_wait3A_205, %dma_wait3A_206] : memref<10000x128xf32, #tpu.memory_space<vmem_shared>> -> memref<10000x128xf32, #tpu.memory_space<vmem_shared>>
        tpu.wait_indirect_dma semaphore(%run_scoped3A : memref<!tpu.dma_semaphore, #tpu.memory_space<semaphore_mem>>) src(%arg15 : memref<80x128xf32, #tpu.memory_space<vmem>>) dst(%dma_wait3A_207 : memref<10000x128xf32, #tpu.memory_space<vmem_shared>>)
        tpu.yield
      }) : () -> ()
      %add3A_148 = arith.constant 4 : i32
      %add3A_149 = arith.addi %add3A_142, %add3A_148 : i32
      %lt3A = arith.constant 125 : i32
      %lt3A_150 = arith.cmpi slt, %add3A_149, %lt3A : i32
      %convert_element_type3A_151 = arith.extui %lt3A_150 : i1 to i32
      %cond3A_152 = arith.constant 0 : i32
      %cond3A_153 = arith.cmpi ne, %convert_element_type3A_151, %cond3A_152 : i32
      scf.if %cond3A_153 {
        %add3A_202 = arith.constant 4 : i32
        %add3A_203 = arith.addi %add3A_142, %add3A_202 : i32
        %mul3A_204 = arith.constant 80 : i32
        %mul3A_205 = arith.muli %add3A_203, %mul3A_204 : i32
        %add3A_206 = arith.addi %mul3A_2, %mul3A_205 : i32
        %dma_start3A_207 = tpu.memref_slice %arg4[%add3A_206] : memref<320000xi32, #tpu.memory_space<hbm>> -> memref<80xi32, #tpu.memory_space<hbm>>
        %dma_start3A_208 = tpu.memref_slice %arg4[%add3A_206] : memref<320000xi32, #tpu.memory_space<hbm>> -> memref<80xi32, #tpu.memory_space<hbm>>
        tpu.enqueue_dma source(%dma_start3A_208 : memref<80xi32, #tpu.memory_space<hbm>>) target(%arg11 : memref<80xi32, #tpu.memory_space<vmem>>) target_semaphore(%arg19 : memref<!tpu.dma_semaphore, #tpu.memory_space<semaphore_mem>>)
      } else {
      }
      %mul3A_154 = arith.constant 4 : i32
      %mul3A_155 = arith.muli %mul3A_154, %scan3A_138 : i32
      %add3A_156 = arith.constant 1 : i32
      %add3A_157 = arith.addi %mul3A_155, %add3A_156 : i32
      %mul3A_158 = arith.constant 80 : i32
      %mul3A_159 = arith.muli %add3A_157, %mul3A_158 : i32
      %add3A_160 = arith.addi %mul3A_2, %mul3A_159 : i32
      %dma_wait3A_161 = tpu.memref_slice %arg4[%add3A_160] : memref<320000xi32, #tpu.memory_space<hbm>> -> memref<80xi32, #tpu.memory_space<hbm>>
      %dma_wait3A_162 = tpu.memref_slice %arg4[%add3A_160] : memref<320000xi32, #tpu.memory_space<hbm>> -> memref<80xi32, #tpu.memory_space<hbm>>
      tpu.wait_dma2 semaphore(%arg20 : memref<!tpu.dma_semaphore, #tpu.memory_space<semaphore_mem>>) src(%dma_wait3A_162 : memref<80xi32, #tpu.memory_space<hbm>>) dst(%arg12 : memref<80xi32, #tpu.memory_space<vmem>>)
      "tpu.region"() ({
        %run_scoped3A = tpu.sem_alloc : memref<!tpu.dma_semaphore, #tpu.memory_space<semaphore_mem>>
        %dma_start3A_202 = arith.constant 0 : i32
        %dma_start3A_203 = arith.constant 0 : i32
        %dma_start3A_204 = tpu.memref_slice %arg18[%dma_start3A_202, %dma_start3A_203] : memref<10000x128xf32, #tpu.memory_space<vmem_shared>> -> memref<10000x128xf32, #tpu.memory_space<vmem_shared>>
        tpu.enqueue_indirect_dma source(%arg15 : memref<80x128xf32, #tpu.memory_space<vmem>>) target(%dma_start3A_204 : memref<10000x128xf32, #tpu.memory_space<vmem_shared>>) offsets(%arg12 : memref<80xi32, #tpu.memory_space<vmem>>) semaphore(%run_scoped3A : memref<!tpu.dma_semaphore, #tpu.memory_space<semaphore_mem>>) {add = true}
        %dma_wait3A_205 = arith.constant 0 : i32
        %dma_wait3A_206 = arith.constant 0 : i32
        %dma_wait3A_207 = tpu.memref_slice %arg18[%dma_wait3A_205, %dma_wait3A_206] : memref<10000x128xf32, #tpu.memory_space<vmem_shared>> -> memref<10000x128xf32, #tpu.memory_space<vmem_shared>>
        tpu.wait_indirect_dma semaphore(%run_scoped3A : memref<!tpu.dma_semaphore, #tpu.memory_space<semaphore_mem>>) src(%arg15 : memref<80x128xf32, #tpu.memory_space<vmem>>) dst(%dma_wait3A_207 : memref<10000x128xf32, #tpu.memory_space<vmem_shared>>)
        tpu.yield
      }) : () -> ()
      %add3A_163 = arith.constant 4 : i32
      %add3A_164 = arith.addi %add3A_157, %add3A_163 : i32
      %lt3A_165 = arith.constant 125 : i32
      %lt3A_166 = arith.cmpi slt, %add3A_164, %lt3A_165 : i32
      %convert_element_type3A_167 = arith.extui %lt3A_166 : i1 to i32
      %cond3A_168 = arith.constant 0 : i32
      %cond3A_169 = arith.cmpi ne, %convert_element_type3A_167, %cond3A_168 : i32
      scf.if %cond3A_169 {
        %add3A_202 = arith.constant 4 : i32
        %add3A_203 = arith.addi %add3A_157, %add3A_202 : i32
        %mul3A_204 = arith.constant 80 : i32
        %mul3A_205 = arith.muli %add3A_203, %mul3A_204 : i32
        %add3A_206 = arith.addi %mul3A_2, %mul3A_205 : i32
        %dma_start3A_207 = tpu.memref_slice %arg4[%add3A_206] : memref<320000xi32, #tpu.memory_space<hbm>> -> memref<80xi32, #tpu.memory_space<hbm>>
        %dma_start3A_208 = tpu.memref_slice %arg4[%add3A_206] : memref<320000xi32, #tpu.memory_space<hbm>> -> memref<80xi32, #tpu.memory_space<hbm>>
        tpu.enqueue_dma source(%dma_start3A_208 : memref<80xi32, #tpu.memory_space<hbm>>) target(%arg12 : memref<80xi32, #tpu.memory_space<vmem>>) target_semaphore(%arg20 : memref<!tpu.dma_semaphore, #tpu.memory_space<semaphore_mem>>)
      } else {
      }
      %mul3A_170 = arith.constant 4 : i32
      %mul3A_171 = arith.muli %mul3A_170, %scan3A_138 : i32
      %add3A_172 = arith.constant 2 : i32
      %add3A_173 = arith.addi %mul3A_171, %add3A_172 : i32
      %mul3A_174 = arith.constant 80 : i32
      %mul3A_175 = arith.muli %add3A_173, %mul3A_174 : i32
      %add3A_176 = arith.addi %mul3A_2, %mul3A_175 : i32
      %dma_wait3A_177 = tpu.memref_slice %arg4[%add3A_176] : memref<320000xi32, #tpu.memory_space<hbm>> -> memref<80xi32, #tpu.memory_space<hbm>>
      %dma_wait3A_178 = tpu.memref_slice %arg4[%add3A_176] : memref<320000xi32, #tpu.memory_space<hbm>> -> memref<80xi32, #tpu.memory_space<hbm>>
      tpu.wait_dma2 semaphore(%arg21 : memref<!tpu.dma_semaphore, #tpu.memory_space<semaphore_mem>>) src(%dma_wait3A_178 : memref<80xi32, #tpu.memory_space<hbm>>) dst(%arg13 : memref<80xi32, #tpu.memory_space<vmem>>)
      "tpu.region"() ({
        %run_scoped3A = tpu.sem_alloc : memref<!tpu.dma_semaphore, #tpu.memory_space<semaphore_mem>>
        %dma_start3A_202 = arith.constant 0 : i32
        %dma_start3A_203 = arith.constant 0 : i32
        %dma_start3A_204 = tpu.memref_slice %arg18[%dma_start3A_202, %dma_start3A_203] : memref<10000x128xf32, #tpu.memory_space<vmem_shared>> -> memref<10000x128xf32, #tpu.memory_space<vmem_shared>>
        tpu.enqueue_indirect_dma source(%arg15 : memref<80x128xf32, #tpu.memory_space<vmem>>) target(%dma_start3A_204 : memref<10000x128xf32, #tpu.memory_space<vmem_shared>>) offsets(%arg13 : memref<80xi32, #tpu.memory_space<vmem>>) semaphore(%run_scoped3A : memref<!tpu.dma_semaphore, #tpu.memory_space<semaphore_mem>>) {add = true}
        %dma_wait3A_205 = arith.constant 0 : i32
        %dma_wait3A_206 = arith.constant 0 : i32
        %dma_wait3A_207 = tpu.memref_slice %arg18[%dma_wait3A_205, %dma_wait3A_206] : memref<10000x128xf32, #tpu.memory_space<vmem_shared>> -> memref<10000x128xf32, #tpu.memory_space<vmem_shared>>
        tpu.wait_indirect_dma semaphore(%run_scoped3A : memref<!tpu.dma_semaphore, #tpu.memory_space<semaphore_mem>>) src(%arg15 : memref<80x128xf32, #tpu.memory_space<vmem>>) dst(%dma_wait3A_207 : memref<10000x128xf32, #tpu.memory_space<vmem_shared>>)
        tpu.yield
      }) : () -> ()
      %add3A_179 = arith.constant 4 : i32
      %add3A_180 = arith.addi %add3A_173, %add3A_179 : i32
      %lt3A_181 = arith.constant 125 : i32
      %lt3A_182 = arith.cmpi slt, %add3A_180, %lt3A_181 : i32
      %convert_element_type3A_183 = arith.extui %lt3A_182 : i1 to i32
      %cond3A_184 = arith.constant 0 : i32
      %cond3A_185 = arith.cmpi ne, %convert_element_type3A_183, %cond3A_184 : i32
      scf.if %cond3A_185 {
        %add3A_202 = arith.constant 4 : i32
        %add3A_203 = arith.addi %add3A_173, %add3A_202 : i32
        %mul3A_204 = arith.constant 80 : i32
        %mul3A_205 = arith.muli %add3A_203, %mul3A_204 : i32
        %add3A_206 = arith.addi %mul3A_2, %mul3A_205 : i32
        %dma_start3A_207 = tpu.memref_slice %arg4[%add3A_206] : memref<320000xi32, #tpu.memory_space<hbm>> -> memref<80xi32, #tpu.memory_space<hbm>>
        %dma_start3A_208 = tpu.memref_slice %arg4[%add3A_206] : memref<320000xi32, #tpu.memory_space<hbm>> -> memref<80xi32, #tpu.memory_space<hbm>>
        tpu.enqueue_dma source(%dma_start3A_208 : memref<80xi32, #tpu.memory_space<hbm>>) target(%arg13 : memref<80xi32, #tpu.memory_space<vmem>>) target_semaphore(%arg21 : memref<!tpu.dma_semaphore, #tpu.memory_space<semaphore_mem>>)
      } else {
      }
      %mul3A_186 = arith.constant 4 : i32
      %mul3A_187 = arith.muli %mul3A_186, %scan3A_138 : i32
      %add3A_188 = arith.constant 3 : i32
      %add3A_189 = arith.addi %mul3A_187, %add3A_188 : i32
      %mul3A_190 = arith.constant 80 : i32
      %mul3A_191 = arith.muli %add3A_189, %mul3A_190 : i32
      %add3A_192 = arith.addi %mul3A_2, %mul3A_191 : i32
      %dma_wait3A_193 = tpu.memref_slice %arg4[%add3A_192] : memref<320000xi32, #tpu.memory_space<hbm>> -> memref<80xi32, #tpu.memory_space<hbm>>
      %dma_wait3A_194 = tpu.memref_slice %arg4[%add3A_192] : memref<320000xi32, #tpu.memory_space<hbm>> -> memref<80xi32, #tpu.memory_space<hbm>>
      tpu.wait_dma2 semaphore(%arg22 : memref<!tpu.dma_semaphore, #tpu.memory_space<semaphore_mem>>) src(%dma_wait3A_194 : memref<80xi32, #tpu.memory_space<hbm>>) dst(%arg14 : memref<80xi32, #tpu.memory_space<vmem>>)
      "tpu.region"() ({
        %run_scoped3A = tpu.sem_alloc : memref<!tpu.dma_semaphore, #tpu.memory_space<semaphore_mem>>
        %dma_start3A_202 = arith.constant 0 : i32
        %dma_start3A_203 = arith.constant 0 : i32
        %dma_start3A_204 = tpu.memref_slice %arg18[%dma_start3A_202, %dma_start3A_203] : memref<10000x128xf32, #tpu.memory_space<vmem_shared>> -> memref<10000x128xf32, #tpu.memory_space<vmem_shared>>
        tpu.enqueue_indirect_dma source(%arg15 : memref<80x128xf32, #tpu.memory_space<vmem>>) target(%dma_start3A_204 : memref<10000x128xf32, #tpu.memory_space<vmem_shared>>) offsets(%arg14 : memref<80xi32, #tpu.memory_space<vmem>>) semaphore(%run_scoped3A : memref<!tpu.dma_semaphore, #tpu.memory_space<semaphore_mem>>) {add = true}
        %dma_wait3A_205 = arith.constant 0 : i32
        %dma_wait3A_206 = arith.constant 0 : i32
        %dma_wait3A_207 = tpu.memref_slice %arg18[%dma_wait3A_205, %dma_wait3A_206] : memref<10000x128xf32, #tpu.memory_space<vmem_shared>> -> memref<10000x128xf32, #tpu.memory_space<vmem_shared>>
        tpu.wait_indirect_dma semaphore(%run_scoped3A : memref<!tpu.dma_semaphore, #tpu.memory_space<semaphore_mem>>) src(%arg15 : memref<80x128xf32, #tpu.memory_space<vmem>>) dst(%dma_wait3A_207 : memref<10000x128xf32, #tpu.memory_space<vmem_shared>>)
        tpu.yield
      }) : () -> ()
      %add3A_195 = arith.constant 4 : i32
      %add3A_196 = arith.addi %add3A_189, %add3A_195 : i32
      %lt3A_197 = arith.constant 125 : i32
      %lt3A_198 = arith.cmpi slt, %add3A_196, %lt3A_197 : i32
      %convert_element_type3A_199 = arith.extui %lt3A_198 : i1 to i32
      %cond3A_200 = arith.constant 0 : i32
      %cond3A_201 = arith.cmpi ne, %convert_element_type3A_199, %cond3A_200 : i32
      scf.if %cond3A_201 {
        %add3A_202 = arith.constant 4 : i32
        %add3A_203 = arith.addi %add3A_189, %add3A_202 : i32
        %mul3A_204 = arith.constant 80 : i32
        %mul3A_205 = arith.muli %add3A_203, %mul3A_204 : i32
        %add3A_206 = arith.addi %mul3A_2, %mul3A_205 : i32
        %dma_start3A_207 = tpu.memref_slice %arg4[%add3A_206] : memref<320000xi32, #tpu.memory_space<hbm>> -> memref<80xi32, #tpu.memory_space<hbm>>
        %dma_start3A_208 = tpu.memref_slice %arg4[%add3A_206] : memref<320000xi32, #tpu.memory_space<hbm>> -> memref<80xi32, #tpu.memory_space<hbm>>
        tpu.enqueue_dma source(%dma_start3A_208 : memref<80xi32, #tpu.memory_space<hbm>>) target(%arg14 : memref<80xi32, #tpu.memory_space<vmem>>) target_semaphore(%arg22 : memref<!tpu.dma_semaphore, #tpu.memory_space<semaphore_mem>>)
      } else {
      }
    }
    %scan3A_47 = arith.constant 31 : i32
    %add3A_48 = arith.constant 9920 : i32
    %add3A_49 = arith.addi %mul3A_2, %add3A_48 : i32
    %dma_wait3A = tpu.memref_slice %arg4[%add3A_49] : memref<320000xi32, #tpu.memory_space<hbm>> -> memref<80xi32, #tpu.memory_space<hbm>>
    %dma_wait3A_50 = tpu.memref_slice %arg4[%add3A_49] : memref<320000xi32, #tpu.memory_space<hbm>> -> memref<80xi32, #tpu.memory_space<hbm>>
    tpu.wait_dma2 semaphore(%arg19 : memref<!tpu.dma_semaphore, #tpu.memory_space<semaphore_mem>>) src(%dma_wait3A_50 : memref<80xi32, #tpu.memory_space<hbm>>) dst(%arg11 : memref<80xi32, #tpu.memory_space<vmem>>)
    "tpu.region"() ({
      %run_scoped3A = tpu.sem_alloc : memref<!tpu.dma_semaphore, #tpu.memory_space<semaphore_mem>>
      %dma_start3A_138 = arith.constant 0 : i32
      %dma_start3A_139 = arith.constant 0 : i32
      %dma_start3A_140 = tpu.memref_slice %arg18[%dma_start3A_138, %dma_start3A_139] : memref<10000x128xf32, #tpu.memory_space<vmem_shared>> -> memref<10000x128xf32, #tpu.memory_space<vmem_shared>>
      tpu.enqueue_indirect_dma source(%arg15 : memref<80x128xf32, #tpu.memory_space<vmem>>) target(%dma_start3A_140 : memref<10000x128xf32, #tpu.memory_space<vmem_shared>>) offsets(%arg11 : memref<80xi32, #tpu.memory_space<vmem>>) semaphore(%run_scoped3A : memref<!tpu.dma_semaphore, #tpu.memory_space<semaphore_mem>>) {add = true}
      %dma_wait3A_141 = arith.constant 0 : i32
      %dma_wait3A_142 = arith.constant 0 : i32
      %dma_wait3A_143 = tpu.memref_slice %arg18[%dma_wait3A_141, %dma_wait3A_142] : memref<10000x128xf32, #tpu.memory_space<vmem_shared>> -> memref<10000x128xf32, #tpu.memory_space<vmem_shared>>
      tpu.wait_indirect_dma semaphore(%run_scoped3A : memref<!tpu.dma_semaphore, #tpu.memory_space<semaphore_mem>>) src(%arg15 : memref<80x128xf32, #tpu.memory_space<vmem>>) dst(%dma_wait3A_143 : memref<10000x128xf32, #tpu.memory_space<vmem_shared>>)
      tpu.yield
    }) : () -> ()
    %barrier3A_51 = arith.constant 0 : index
    tpu.barrier barrier_id(%barrier3A_51)
    %mul3A_52 = arith.constant 624 : i32
    %mul3A_53 = arith.muli %arg1, %mul3A_52 : i32
    %mul3A_54 = arith.constant 10000 : i32
    %mul3A_55 = arith.muli %arg0, %mul3A_54 : i32
    %add3A_56 = arith.addi %mul3A_55, %mul3A_53 : i32
    "tpu.region"() ({
      %run_scoped3A = tpu.sem_alloc : memref<!tpu.dma_semaphore, #tpu.memory_space<semaphore_mem>>
      %dma_start3A_138 = arith.constant 0 : i32
      %dma_start3A_139 = tpu.memref_slice %arg5[%add3A_56, %dma_start3A_138] : memref<20000x128xf32, #tpu.memory_space<hbm>> -> memref<624x128xf32, #tpu.memory_space<hbm>>
      %dma_start3A_140 = arith.constant 0 : i32
      %dma_start3A_141 = tpu.memref_slice %arg18[%mul3A_53, %dma_start3A_140] : memref<10000x128xf32, #tpu.memory_space<vmem_shared>> -> memref<624x128xf32, #tpu.memory_space<vmem_shared>>
      tpu.enqueue_dma source(%dma_start3A_141 : memref<624x128xf32, #tpu.memory_space<vmem_shared>>) target(%dma_start3A_139 : memref<624x128xf32, #tpu.memory_space<hbm>>) target_semaphore(%run_scoped3A : memref<!tpu.dma_semaphore, #tpu.memory_space<semaphore_mem>>)
      %dma_wait3A_142 = arith.constant 0 : i32
      %dma_wait3A_143 = tpu.memref_slice %arg5[%add3A_56, %dma_wait3A_142] : memref<20000x128xf32, #tpu.memory_space<hbm>> -> memref<624x128xf32, #tpu.memory_space<hbm>>
      %dma_wait3A_144 = arith.constant 0 : i32
      %dma_wait3A_145 = tpu.memref_slice %arg18[%mul3A_53, %dma_wait3A_144] : memref<10000x128xf32, #tpu.memory_space<vmem_shared>> -> memref<624x128xf32, #tpu.memory_space<vmem_shared>>
      tpu.wait_dma2 semaphore(%run_scoped3A : memref<!tpu.dma_semaphore, #tpu.memory_space<semaphore_mem>>) src(%dma_wait3A_145 : memref<624x128xf32, #tpu.memory_space<vmem_shared>>) dst(%dma_wait3A_143 : memref<624x128xf32, #tpu.memory_space<hbm>>)
      tpu.yield
    }) : () -> ()
    %eq3A_57 = arith.constant 0 : i32
    %eq3A_58 = arith.cmpi eq, %arg1, %eq3A_57 : i32
    %convert_element_type3A_59 = arith.extui %eq3A_58 : i1 to i32
    %cond3A_60 = arith.constant 0 : i32
    %cond3A_61 = arith.cmpi ne, %convert_element_type3A_59, %cond3A_60 : i32
    scf.if %cond3A_61 {
      %mul3A_138 = arith.constant 10000 : i32
      %mul3A_139 = arith.muli %arg0, %mul3A_138 : i32
      %add3A_140 = arith.constant 9984 : i32
      %add3A_141 = arith.addi %mul3A_139, %add3A_140 : i32
      "tpu.region"() ({
        %run_scoped3A = tpu.sem_alloc : memref<!tpu.dma_semaphore, #tpu.memory_space<semaphore_mem>>
        %dma_start3A_142 = arith.constant 0 : i32
        %dma_start3A_143 = tpu.memref_slice %arg5[%add3A_141, %dma_start3A_142] : memref<20000x128xf32, #tpu.memory_space<hbm>> -> memref<16x128xf32, #tpu.memory_space<hbm>>
        %dma_start3A_144 = arith.constant 9984 : i32
        %dma_start3A_145 = arith.constant 0 : i32
        %dma_start3A_146 = tpu.memref_slice %arg18[%dma_start3A_144, %dma_start3A_145] : memref<10000x128xf32, #tpu.memory_space<vmem_shared>> -> memref<16x128xf32, #tpu.memory_space<vmem_shared>>
        tpu.enqueue_dma source(%dma_start3A_146 : memref<16x128xf32, #tpu.memory_space<vmem_shared>>) target(%dma_start3A_143 : memref<16x128xf32, #tpu.memory_space<hbm>>) target_semaphore(%run_scoped3A : memref<!tpu.dma_semaphore, #tpu.memory_space<semaphore_mem>>)
        %dma_wait3A_147 = arith.constant 0 : i32
        %dma_wait3A_148 = tpu.memref_slice %arg5[%add3A_141, %dma_wait3A_147] : memref<20000x128xf32, #tpu.memory_space<hbm>> -> memref<16x128xf32, #tpu.memory_space<hbm>>
        %dma_wait3A_149 = arith.constant 9984 : i32
        %dma_wait3A_150 = arith.constant 0 : i32
        %dma_wait3A_151 = tpu.memref_slice %arg18[%dma_wait3A_149, %dma_wait3A_150] : memref<10000x128xf32, #tpu.memory_space<vmem_shared>> -> memref<16x128xf32, #tpu.memory_space<vmem_shared>>
        tpu.wait_dma2 semaphore(%run_scoped3A : memref<!tpu.dma_semaphore, #tpu.memory_space<semaphore_mem>>) src(%dma_wait3A_151 : memref<16x128xf32, #tpu.memory_space<vmem_shared>>) dst(%dma_wait3A_148 : memref<16x128xf32, #tpu.memory_space<hbm>>)
        tpu.yield
      }) : () -> ()
    } else {
    }
    %add3A_62 = arith.constant 0 : i32
    %add3A_63 = arith.addi %mul3A_2, %add3A_62 : i32
    %dma_start3A_64 = tpu.memref_slice %arg3[%add3A_63] : memref<320000xi32, #tpu.memory_space<hbm>> -> memref<80xi32, #tpu.memory_space<hbm>>
    %dma_start3A_65 = tpu.memref_slice %arg3[%add3A_63] : memref<320000xi32, #tpu.memory_space<hbm>> -> memref<80xi32, #tpu.memory_space<hbm>>
    tpu.enqueue_dma source(%dma_start3A_65 : memref<80xi32, #tpu.memory_space<hbm>>) target(%arg7 : memref<80xi32, #tpu.memory_space<vmem>>) target_semaphore(%arg19 : memref<!tpu.dma_semaphore, #tpu.memory_space<semaphore_mem>>)
    %dma_start3A_66 = tpu.memref_slice %arg4[%add3A_63] : memref<320000xi32, #tpu.memory_space<hbm>> -> memref<80xi32, #tpu.memory_space<hbm>>
    %dma_start3A_67 = tpu.memref_slice %arg4[%add3A_63] : memref<320000xi32, #tpu.memory_space<hbm>> -> memref<80xi32, #tpu.memory_space<hbm>>
    tpu.enqueue_dma source(%dma_start3A_67 : memref<80xi32, #tpu.memory_space<hbm>>) target(%arg11 : memref<80xi32, #tpu.memory_space<vmem>>) target_semaphore(%arg19 : memref<!tpu.dma_semaphore, #tpu.memory_space<semaphore_mem>>)
    %add3A_68 = arith.constant 80 : i32
    %add3A_69 = arith.addi %mul3A_2, %add3A_68 : i32
    %dma_start3A_70 = tpu.memref_slice %arg3[%add3A_69] : memref<320000xi32, #tpu.memory_space<hbm>> -> memref<80xi32, #tpu.memory_space<hbm>>
    %dma_start3A_71 = tpu.memref_slice %arg3[%add3A_69] : memref<320000xi32, #tpu.memory_space<hbm>> -> memref<80xi32, #tpu.memory_space<hbm>>
    tpu.enqueue_dma source(%dma_start3A_71 : memref<80xi32, #tpu.memory_space<hbm>>) target(%arg8 : memref<80xi32, #tpu.memory_space<vmem>>) target_semaphore(%arg20 : memref<!tpu.dma_semaphore, #tpu.memory_space<semaphore_mem>>)
    %dma_start3A_72 = tpu.memref_slice %arg4[%add3A_69] : memref<320000xi32, #tpu.memory_space<hbm>> -> memref<80xi32, #tpu.memory_space<hbm>>
    %dma_start3A_73 = tpu.memref_slice %arg4[%add3A_69] : memref<320000xi32, #tpu.memory_space<hbm>> -> memref<80xi32, #tpu.memory_space<hbm>>
    tpu.enqueue_dma source(%dma_start3A_73 : memref<80xi32, #tpu.memory_space<hbm>>) target(%arg12 : memref<80xi32, #tpu.memory_space<vmem>>) target_semaphore(%arg20 : memref<!tpu.dma_semaphore, #tpu.memory_space<semaphore_mem>>)
    %add3A_74 = arith.constant 160 : i32
    %add3A_75 = arith.addi %mul3A_2, %add3A_74 : i32
    %dma_start3A_76 = tpu.memref_slice %arg3[%add3A_75] : memref<320000xi32, #tpu.memory_space<hbm>> -> memref<80xi32, #tpu.memory_space<hbm>>
    %dma_start3A_77 = tpu.memref_slice %arg3[%add3A_75] : memref<320000xi32, #tpu.memory_space<hbm>> -> memref<80xi32, #tpu.memory_space<hbm>>
    tpu.enqueue_dma source(%dma_start3A_77 : memref<80xi32, #tpu.memory_space<hbm>>) target(%arg9 : memref<80xi32, #tpu.memory_space<vmem>>) target_semaphore(%arg21 : memref<!tpu.dma_semaphore, #tpu.memory_space<semaphore_mem>>)
    %dma_start3A_78 = tpu.memref_slice %arg4[%add3A_75] : memref<320000xi32, #tpu.memory_space<hbm>> -> memref<80xi32, #tpu.memory_space<hbm>>
    %dma_start3A_79 = tpu.memref_slice %arg4[%add3A_75] : memref<320000xi32, #tpu.memory_space<hbm>> -> memref<80xi32, #tpu.memory_space<hbm>>
    tpu.enqueue_dma source(%dma_start3A_79 : memref<80xi32, #tpu.memory_space<hbm>>) target(%arg13 : memref<80xi32, #tpu.memory_space<vmem>>) target_semaphore(%arg21 : memref<!tpu.dma_semaphore, #tpu.memory_space<semaphore_mem>>)
    %add3A_80 = arith.constant 240 : i32
    %add3A_81 = arith.addi %mul3A_2, %add3A_80 : i32
    %dma_start3A_82 = tpu.memref_slice %arg3[%add3A_81] : memref<320000xi32, #tpu.memory_space<hbm>> -> memref<80xi32, #tpu.memory_space<hbm>>
    %dma_start3A_83 = tpu.memref_slice %arg3[%add3A_81] : memref<320000xi32, #tpu.memory_space<hbm>> -> memref<80xi32, #tpu.memory_space<hbm>>
    tpu.enqueue_dma source(%dma_start3A_83 : memref<80xi32, #tpu.memory_space<hbm>>) target(%arg10 : memref<80xi32, #tpu.memory_space<vmem>>) target_semaphore(%arg22 : memref<!tpu.dma_semaphore, #tpu.memory_space<semaphore_mem>>)
    %dma_start3A_84 = tpu.memref_slice %arg4[%add3A_81] : memref<320000xi32, #tpu.memory_space<hbm>> -> memref<80xi32, #tpu.memory_space<hbm>>
    %dma_start3A_85 = tpu.memref_slice %arg4[%add3A_81] : memref<320000xi32, #tpu.memory_space<hbm>> -> memref<80xi32, #tpu.memory_space<hbm>>
    tpu.enqueue_dma source(%dma_start3A_85 : memref<80xi32, #tpu.memory_space<hbm>>) target(%arg14 : memref<80xi32, #tpu.memory_space<vmem>>) target_semaphore(%arg22 : memref<!tpu.dma_semaphore, #tpu.memory_space<semaphore_mem>>)
    %add3A_86 = arith.constant 0 : i32
    %add3A_87 = arith.addi %mul3A_2, %add3A_86 : i32
    %dma_wait3A_88 = tpu.memref_slice %arg3[%add3A_87] : memref<320000xi32, #tpu.memory_space<hbm>> -> memref<80xi32, #tpu.memory_space<hbm>>
    %dma_wait3A_89 = tpu.memref_slice %arg3[%add3A_87] : memref<320000xi32, #tpu.memory_space<hbm>> -> memref<80xi32, #tpu.memory_space<hbm>>
    tpu.wait_dma2 semaphore(%arg19 : memref<!tpu.dma_semaphore, #tpu.memory_space<semaphore_mem>>) src(%dma_wait3A_89 : memref<80xi32, #tpu.memory_space<hbm>>) dst(%arg7 : memref<80xi32, #tpu.memory_space<vmem>>)
    %dma_wait3A_90 = tpu.memref_slice %arg4[%add3A_87] : memref<320000xi32, #tpu.memory_space<hbm>> -> memref<80xi32, #tpu.memory_space<hbm>>
    %dma_wait3A_91 = tpu.memref_slice %arg4[%add3A_87] : memref<320000xi32, #tpu.memory_space<hbm>> -> memref<80xi32, #tpu.memory_space<hbm>>
    tpu.wait_dma2 semaphore(%arg19 : memref<!tpu.dma_semaphore, #tpu.memory_space<semaphore_mem>>) src(%dma_wait3A_91 : memref<80xi32, #tpu.memory_space<hbm>>) dst(%arg11 : memref<80xi32, #tpu.memory_space<vmem>>)
    %dma_start3A_92 = arith.constant 0 : i32
    %dma_start3A_93 = arith.constant 0 : i32
    %dma_start3A_94 = tpu.memref_slice %arg2[%dma_start3A_92, %dma_start3A_93] : memref<10000x128xf32, #tpu.memory_space<hbm>> -> memref<10000x128xf32, #tpu.memory_space<hbm>>
    tpu.enqueue_indirect_dma source(%dma_start3A_94 : memref<10000x128xf32, #tpu.memory_space<hbm>>) target(%arg15 : memref<80x128xf32, #tpu.memory_space<vmem>>) offsets(%arg7 : memref<80xi32, #tpu.memory_space<vmem>>) semaphore(%arg23 : memref<!tpu.dma_semaphore, #tpu.memory_space<semaphore_mem>>)
    %add3A_95 = arith.constant 80 : i32
    %add3A_96 = arith.addi %mul3A_2, %add3A_95 : i32
    %dma_wait3A_97 = tpu.memref_slice %arg3[%add3A_96] : memref<320000xi32, #tpu.memory_space<hbm>> -> memref<80xi32, #tpu.memory_space<hbm>>
    %dma_wait3A_98 = tpu.memref_slice %arg3[%add3A_96] : memref<320000xi32, #tpu.memory_space<hbm>> -> memref<80xi32, #tpu.memory_space<hbm>>
    tpu.wait_dma2 semaphore(%arg20 : memref<!tpu.dma_semaphore, #tpu.memory_space<semaphore_mem>>) src(%dma_wait3A_98 : memref<80xi32, #tpu.memory_space<hbm>>) dst(%arg8 : memref<80xi32, #tpu.memory_space<vmem>>)
    %dma_wait3A_99 = tpu.memref_slice %arg4[%add3A_96] : memref<320000xi32, #tpu.memory_space<hbm>> -> memref<80xi32, #tpu.memory_space<hbm>>
    %dma_wait3A_100 = tpu.memref_slice %arg4[%add3A_96] : memref<320000xi32, #tpu.memory_space<hbm>> -> memref<80xi32, #tpu.memory_space<hbm>>
    tpu.wait_dma2 semaphore(%arg20 : memref<!tpu.dma_semaphore, #tpu.memory_space<semaphore_mem>>) src(%dma_wait3A_100 : memref<80xi32, #tpu.memory_space<hbm>>) dst(%arg12 : memref<80xi32, #tpu.memory_space<vmem>>)
    %dma_start3A_101 = arith.constant 0 : i32
    %dma_start3A_102 = arith.constant 0 : i32
    %dma_start3A_103 = tpu.memref_slice %arg2[%dma_start3A_101, %dma_start3A_102] : memref<10000x128xf32, #tpu.memory_space<hbm>> -> memref<10000x128xf32, #tpu.memory_space<hbm>>
    tpu.enqueue_indirect_dma source(%dma_start3A_103 : memref<10000x128xf32, #tpu.memory_space<hbm>>) target(%arg16 : memref<80x128xf32, #tpu.memory_space<vmem>>) offsets(%arg8 : memref<80xi32, #tpu.memory_space<vmem>>) semaphore(%arg24 : memref<!tpu.dma_semaphore, #tpu.memory_space<semaphore_mem>>)
    %mul3A_104 = arith.constant 624 : i32
    %mul3A_105 = arith.muli %arg1, %mul3A_104 : i32
    %scan3A_106 = arith.constant 0 : i32
    %scan3A_107 = arith.constant 0 : i32
    %scan3A_108 = arith.constant 39 : i32
    %scan3A_109 = arith.addi %scan3A_107, %scan3A_108 : i32
    %scan3A_110 = arith.constant 1 : i32
    scf.for %scan3A_138 = %scan3A_107 to %scan3A_109 step %scan3A_110  : i32 {
      %mul3A_139 = arith.constant 16 : i32
      %mul3A_140 = arith.muli %scan3A_138, %mul3A_139 : i32
      %add3A_141 = arith.addi %mul3A_105, %mul3A_140 : i32
      "tpu.region"() ({
        %run_scoped3A = tpu.sem_alloc : memref<!tpu.dma_semaphore, #tpu.memory_space<semaphore_mem>>
        %dma_start3A_142 = arith.constant 0 : i32
        %dma_start3A_143 = tpu.memref_slice %arg18[%add3A_141, %dma_start3A_142] : memref<10000x128xf32, #tpu.memory_space<vmem_shared>> -> memref<16x128xf32, #tpu.memory_space<vmem_shared>>
        %dma_start3A_144 = arith.constant 0 : i32
        %dma_start3A_145 = tpu.memref_slice %arg18[%add3A_141, %dma_start3A_144] : memref<10000x128xf32, #tpu.memory_space<vmem_shared>> -> memref<16x128xf32, #tpu.memory_space<vmem_shared>>
        tpu.enqueue_dma source(%arg17 : memref<16x128xf32, #tpu.memory_space<vmem>>) target(%dma_start3A_145 : memref<16x128xf32, #tpu.memory_space<vmem_shared>>) target_semaphore(%run_scoped3A : memref<!tpu.dma_semaphore, #tpu.memory_space<semaphore_mem>>)
        %dma_wait3A_146 = arith.constant 0 : i32
        %dma_wait3A_147 = tpu.memref_slice %arg18[%add3A_141, %dma_wait3A_146] : memref<10000x128xf32, #tpu.memory_space<vmem_shared>> -> memref<16x128xf32, #tpu.memory_space<vmem_shared>>
        %dma_wait3A_148 = arith.constant 0 : i32
        %dma_wait3A_149 = tpu.memref_slice %arg18[%add3A_141, %dma_wait3A_148] : memref<10000x128xf32, #tpu.memory_space<vmem_shared>> -> memref<16x128xf32, #tpu.memory_space<vmem_shared>>
        tpu.wait_dma2 semaphore(%run_scoped3A : memref<!tpu.dma_semaphore, #tpu.memory_space<semaphore_mem>>) src(%arg17 : memref<16x128xf32, #tpu.memory_space<vmem>>) dst(%dma_wait3A_149 : memref<16x128xf32, #tpu.memory_space<vmem_shared>>)
        tpu.yield
      }) : () -> ()
    }
    %scan3A_111 = arith.constant 39 : i32
    %eq3A_112 = arith.constant 0 : i32
    %eq3A_113 = arith.cmpi eq, %arg1, %eq3A_112 : i32
    %convert_element_type3A_114 = arith.extui %eq3A_113 : i1 to i32
    %cond3A_115 = arith.constant 0 : i32
    %cond3A_116 = arith.cmpi ne, %convert_element_type3A_114, %cond3A_115 : i32
    scf.if %cond3A_116 {
      "tpu.region"() ({
        %run_scoped3A = tpu.sem_alloc : memref<!tpu.dma_semaphore, #tpu.memory_space<semaphore_mem>>
        %dma_start3A_138 = arith.constant 9984 : i32
        %dma_start3A_139 = arith.constant 0 : i32
        %dma_start3A_140 = tpu.memref_slice %arg18[%dma_start3A_138, %dma_start3A_139] : memref<10000x128xf32, #tpu.memory_space<vmem_shared>> -> memref<16x128xf32, #tpu.memory_space<vmem_shared>>
        %dma_start3A_141 = arith.constant 9984 : i32
        %dma_start3A_142 = arith.constant 0 : i32
        %dma_start3A_143 = tpu.memref_slice %arg18[%dma_start3A_141, %dma_start3A_142] : memref<10000x128xf32, #tpu.memory_space<vmem_shared>> -> memref<16x128xf32, #tpu.memory_space<vmem_shared>>
        tpu.enqueue_dma source(%arg17 : memref<16x128xf32, #tpu.memory_space<vmem>>) target(%dma_start3A_143 : memref<16x128xf32, #tpu.memory_space<vmem_shared>>) target_semaphore(%run_scoped3A : memref<!tpu.dma_semaphore, #tpu.memory_space<semaphore_mem>>)
        %dma_wait3A_144 = arith.constant 9984 : i32
        %dma_wait3A_145 = arith.constant 0 : i32
        %dma_wait3A_146 = tpu.memref_slice %arg18[%dma_wait3A_144, %dma_wait3A_145] : memref<10000x128xf32, #tpu.memory_space<vmem_shared>> -> memref<16x128xf32, #tpu.memory_space<vmem_shared>>
        %dma_wait3A_147 = arith.constant 9984 : i32
        %dma_wait3A_148 = arith.constant 0 : i32
        %dma_wait3A_149 = tpu.memref_slice %arg18[%dma_wait3A_147, %dma_wait3A_148] : memref<10000x128xf32, #tpu.memory_space<vmem_shared>> -> memref<16x128xf32, #tpu.memory_space<vmem_shared>>
        tpu.wait_dma2 semaphore(%run_scoped3A : memref<!tpu.dma_semaphore, #tpu.memory_space<semaphore_mem>>) src(%arg17 : memref<16x128xf32, #tpu.memory_space<vmem>>) dst(%dma_wait3A_149 : memref<16x128xf32, #tpu.memory_space<vmem_shared>>)
        tpu.yield
      }) : () -> ()
    } else {
    }
    %barrier3A_117 = arith.constant 0 : index
    tpu.barrier barrier_id(%barrier3A_117)
    %scan3A_118 = arith.constant 0 : i32
    %scan3A_119 = arith.constant 0 : i32
    %scan3A_120 = arith.constant 31 : i32
    %scan3A_121 = arith.addi %scan3A_119, %scan3A_120 : i32
    %scan3A_122 = arith.constant 1 : i32
    scf.for %scan3A_138 = %scan3A_119 to %scan3A_121 step %scan3A_122  : i32 {
      %mul3A_139 = arith.constant 4 : i32
      %mul3A_140 = arith.muli %mul3A_139, %scan3A_138 : i32
      %add3A_141 = arith.constant 0 : i32
      %add3A_142 = arith.addi %mul3A_140, %add3A_141 : i32
      %dma_wait3A_143 = arith.constant 0 : i32
      %dma_wait3A_144 = arith.constant 0 : i32
      %dma_wait3A_145 = tpu.memref_slice %arg2[%dma_wait3A_143, %dma_wait3A_144] : memref<10000x128xf32, #tpu.memory_space<hbm>> -> memref<10000x128xf32, #tpu.memory_space<hbm>>
      tpu.wait_indirect_dma semaphore(%arg23 : memref<!tpu.dma_semaphore, #tpu.memory_space<semaphore_mem>>) src(%dma_wait3A_145 : memref<10000x128xf32, #tpu.memory_space<hbm>>) dst(%arg15 : memref<80x128xf32, #tpu.memory_space<vmem>>)
      "tpu.region"() ({
        %run_scoped3A = tpu.sem_alloc : memref<!tpu.dma_semaphore, #tpu.memory_space<semaphore_mem>>
        %dma_start3A_222 = arith.constant 0 : i32
        %dma_start3A_223 = arith.constant 0 : i32
        %dma_start3A_224 = tpu.memref_slice %arg18[%dma_start3A_222, %dma_start3A_223] : memref<10000x128xf32, #tpu.memory_space<vmem_shared>> -> memref<10000x128xf32, #tpu.memory_space<vmem_shared>>
        tpu.enqueue_indirect_dma source(%arg15 : memref<80x128xf32, #tpu.memory_space<vmem>>) target(%dma_start3A_224 : memref<10000x128xf32, #tpu.memory_space<vmem_shared>>) offsets(%arg11 : memref<80xi32, #tpu.memory_space<vmem>>) semaphore(%run_scoped3A : memref<!tpu.dma_semaphore, #tpu.memory_space<semaphore_mem>>) {add = true}
        %dma_wait3A_225 = arith.constant 0 : i32
        %dma_wait3A_226 = arith.constant 0 : i32
        %dma_wait3A_227 = tpu.memref_slice %arg18[%dma_wait3A_225, %dma_wait3A_226] : memref<10000x128xf32, #tpu.memory_space<vmem_shared>> -> memref<10000x128xf32, #tpu.memory_space<vmem_shared>>
        tpu.wait_indirect_dma semaphore(%run_scoped3A : memref<!tpu.dma_semaphore, #tpu.memory_space<semaphore_mem>>) src(%arg15 : memref<80x128xf32, #tpu.memory_space<vmem>>) dst(%dma_wait3A_227 : memref<10000x128xf32, #tpu.memory_space<vmem_shared>>)
        tpu.yield
      }) : () -> ()
      %add3A_146 = arith.constant 2 : i32
      %add3A_147 = arith.addi %add3A_142, %add3A_146 : i32
      %lt3A = arith.constant 125 : i32
      %lt3A_148 = arith.cmpi slt, %add3A_147, %lt3A : i32
      %convert_element_type3A_149 = arith.extui %lt3A_148 : i1 to i32
      %cond3A_150 = arith.constant 0 : i32
      %cond3A_151 = arith.cmpi ne, %convert_element_type3A_149, %cond3A_150 : i32
      scf.if %cond3A_151 {
        %add3A_222 = arith.constant 2 : i32
        %add3A_223 = arith.addi %add3A_142, %add3A_222 : i32
        %mul3A_224 = arith.constant 80 : i32
        %mul3A_225 = arith.muli %add3A_223, %mul3A_224 : i32
        %add3A_226 = arith.addi %mul3A_2, %mul3A_225 : i32
        %dma_wait3A_227 = tpu.memref_slice %arg3[%add3A_226] : memref<320000xi32, #tpu.memory_space<hbm>> -> memref<80xi32, #tpu.memory_space<hbm>>
        %dma_wait3A_228 = tpu.memref_slice %arg3[%add3A_226] : memref<320000xi32, #tpu.memory_space<hbm>> -> memref<80xi32, #tpu.memory_space<hbm>>
        tpu.wait_dma2 semaphore(%arg21 : memref<!tpu.dma_semaphore, #tpu.memory_space<semaphore_mem>>) src(%dma_wait3A_228 : memref<80xi32, #tpu.memory_space<hbm>>) dst(%arg9 : memref<80xi32, #tpu.memory_space<vmem>>)
        %dma_wait3A_229 = tpu.memref_slice %arg4[%add3A_226] : memref<320000xi32, #tpu.memory_space<hbm>> -> memref<80xi32, #tpu.memory_space<hbm>>
        %dma_wait3A_230 = tpu.memref_slice %arg4[%add3A_226] : memref<320000xi32, #tpu.memory_space<hbm>> -> memref<80xi32, #tpu.memory_space<hbm>>
        tpu.wait_dma2 semaphore(%arg21 : memref<!tpu.dma_semaphore, #tpu.memory_space<semaphore_mem>>) src(%dma_wait3A_230 : memref<80xi32, #tpu.memory_space<hbm>>) dst(%arg13 : memref<80xi32, #tpu.memory_space<vmem>>)
        %dma_start3A_231 = arith.constant 0 : i32
        %dma_start3A_232 = arith.constant 0 : i32
        %dma_start3A_233 = tpu.memref_slice %arg2[%dma_start3A_231, %dma_start3A_232] : memref<10000x128xf32, #tpu.memory_space<hbm>> -> memref<10000x128xf32, #tpu.memory_space<hbm>>
        tpu.enqueue_indirect_dma source(%dma_start3A_233 : memref<10000x128xf32, #tpu.memory_space<hbm>>) target(%arg15 : memref<80x128xf32, #tpu.memory_space<vmem>>) offsets(%arg9 : memref<80xi32, #tpu.memory_space<vmem>>) semaphore(%arg23 : memref<!tpu.dma_semaphore, #tpu.memory_space<semaphore_mem>>)
      } else {
      }
      %add3A_152 = arith.constant 4 : i32
      %add3A_153 = arith.addi %add3A_142, %add3A_152 : i32
      %lt3A_154 = arith.constant 125 : i32
      %lt3A_155 = arith.cmpi slt, %add3A_153, %lt3A_154 : i32
      %convert_element_type3A_156 = arith.extui %lt3A_155 : i1 to i32
      %cond3A_157 = arith.constant 0 : i32
      %cond3A_158 = arith.cmpi ne, %convert_element_type3A_156, %cond3A_157 : i32
      scf.if %cond3A_158 {
        %add3A_222 = arith.constant 4 : i32
        %add3A_223 = arith.addi %add3A_142, %add3A_222 : i32
        %mul3A_224 = arith.constant 80 : i32
        %mul3A_225 = arith.muli %add3A_223, %mul3A_224 : i32
        %add3A_226 = arith.addi %mul3A_2, %mul3A_225 : i32
        %dma_start3A_227 = tpu.memref_slice %arg3[%add3A_226] : memref<320000xi32, #tpu.memory_space<hbm>> -> memref<80xi32, #tpu.memory_space<hbm>>
        %dma_start3A_228 = tpu.memref_slice %arg3[%add3A_226] : memref<320000xi32, #tpu.memory_space<hbm>> -> memref<80xi32, #tpu.memory_space<hbm>>
        tpu.enqueue_dma source(%dma_start3A_228 : memref<80xi32, #tpu.memory_space<hbm>>) target(%arg7 : memref<80xi32, #tpu.memory_space<vmem>>) target_semaphore(%arg19 : memref<!tpu.dma_semaphore, #tpu.memory_space<semaphore_mem>>)
        %dma_start3A_229 = tpu.memref_slice %arg4[%add3A_226] : memref<320000xi32, #tpu.memory_space<hbm>> -> memref<80xi32, #tpu.memory_space<hbm>>
        %dma_start3A_230 = tpu.memref_slice %arg4[%add3A_226] : memref<320000xi32, #tpu.memory_space<hbm>> -> memref<80xi32, #tpu.memory_space<hbm>>
        tpu.enqueue_dma source(%dma_start3A_230 : memref<80xi32, #tpu.memory_space<hbm>>) target(%arg11 : memref<80xi32, #tpu.memory_space<vmem>>) target_semaphore(%arg19 : memref<!tpu.dma_semaphore, #tpu.memory_space<semaphore_mem>>)
      } else {
      }
      %mul3A_159 = arith.constant 4 : i32
      %mul3A_160 = arith.muli %mul3A_159, %scan3A_138 : i32
      %add3A_161 = arith.constant 1 : i32
      %add3A_162 = arith.addi %mul3A_160, %add3A_161 : i32
      %dma_wait3A_163 = arith.constant 0 : i32
      %dma_wait3A_164 = arith.constant 0 : i32
      %dma_wait3A_165 = tpu.memref_slice %arg2[%dma_wait3A_163, %dma_wait3A_164] : memref<10000x128xf32, #tpu.memory_space<hbm>> -> memref<10000x128xf32, #tpu.memory_space<hbm>>
      tpu.wait_indirect_dma semaphore(%arg24 : memref<!tpu.dma_semaphore, #tpu.memory_space<semaphore_mem>>) src(%dma_wait3A_165 : memref<10000x128xf32, #tpu.memory_space<hbm>>) dst(%arg16 : memref<80x128xf32, #tpu.memory_space<vmem>>)
      "tpu.region"() ({
        %run_scoped3A = tpu.sem_alloc : memref<!tpu.dma_semaphore, #tpu.memory_space<semaphore_mem>>
        %dma_start3A_222 = arith.constant 0 : i32
        %dma_start3A_223 = arith.constant 0 : i32
        %dma_start3A_224 = tpu.memref_slice %arg18[%dma_start3A_222, %dma_start3A_223] : memref<10000x128xf32, #tpu.memory_space<vmem_shared>> -> memref<10000x128xf32, #tpu.memory_space<vmem_shared>>
        tpu.enqueue_indirect_dma source(%arg16 : memref<80x128xf32, #tpu.memory_space<vmem>>) target(%dma_start3A_224 : memref<10000x128xf32, #tpu.memory_space<vmem_shared>>) offsets(%arg12 : memref<80xi32, #tpu.memory_space<vmem>>) semaphore(%run_scoped3A : memref<!tpu.dma_semaphore, #tpu.memory_space<semaphore_mem>>) {add = true}
        %dma_wait3A_225 = arith.constant 0 : i32
        %dma_wait3A_226 = arith.constant 0 : i32
        %dma_wait3A_227 = tpu.memref_slice %arg18[%dma_wait3A_225, %dma_wait3A_226] : memref<10000x128xf32, #tpu.memory_space<vmem_shared>> -> memref<10000x128xf32, #tpu.memory_space<vmem_shared>>
        tpu.wait_indirect_dma semaphore(%run_scoped3A : memref<!tpu.dma_semaphore, #tpu.memory_space<semaphore_mem>>) src(%arg16 : memref<80x128xf32, #tpu.memory_space<vmem>>) dst(%dma_wait3A_227 : memref<10000x128xf32, #tpu.memory_space<vmem_shared>>)
        tpu.yield
      }) : () -> ()
      %add3A_166 = arith.constant 2 : i32
      %add3A_167 = arith.addi %add3A_162, %add3A_166 : i32
      %lt3A_168 = arith.constant 125 : i32
      %lt3A_169 = arith.cmpi slt, %add3A_167, %lt3A_168 : i32
      %convert_element_type3A_170 = arith.extui %lt3A_169 : i1 to i32
      %cond3A_171 = arith.constant 0 : i32
      %cond3A_172 = arith.cmpi ne, %convert_element_type3A_170, %cond3A_171 : i32
      scf.if %cond3A_172 {
        %add3A_222 = arith.constant 2 : i32
        %add3A_223 = arith.addi %add3A_162, %add3A_222 : i32
        %mul3A_224 = arith.constant 80 : i32
        %mul3A_225 = arith.muli %add3A_223, %mul3A_224 : i32
        %add3A_226 = arith.addi %mul3A_2, %mul3A_225 : i32
        %dma_wait3A_227 = tpu.memref_slice %arg3[%add3A_226] : memref<320000xi32, #tpu.memory_space<hbm>> -> memref<80xi32, #tpu.memory_space<hbm>>
        %dma_wait3A_228 = tpu.memref_slice %arg3[%add3A_226] : memref<320000xi32, #tpu.memory_space<hbm>> -> memref<80xi32, #tpu.memory_space<hbm>>
        tpu.wait_dma2 semaphore(%arg22 : memref<!tpu.dma_semaphore, #tpu.memory_space<semaphore_mem>>) src(%dma_wait3A_228 : memref<80xi32, #tpu.memory_space<hbm>>) dst(%arg10 : memref<80xi32, #tpu.memory_space<vmem>>)
        %dma_wait3A_229 = tpu.memref_slice %arg4[%add3A_226] : memref<320000xi32, #tpu.memory_space<hbm>> -> memref<80xi32, #tpu.memory_space<hbm>>
        %dma_wait3A_230 = tpu.memref_slice %arg4[%add3A_226] : memref<320000xi32, #tpu.memory_space<hbm>> -> memref<80xi32, #tpu.memory_space<hbm>>
        tpu.wait_dma2 semaphore(%arg22 : memref<!tpu.dma_semaphore, #tpu.memory_space<semaphore_mem>>) src(%dma_wait3A_230 : memref<80xi32, #tpu.memory_space<hbm>>) dst(%arg14 : memref<80xi32, #tpu.memory_space<vmem>>)
        %dma_start3A_231 = arith.constant 0 : i32
        %dma_start3A_232 = arith.constant 0 : i32
        %dma_start3A_233 = tpu.memref_slice %arg2[%dma_start3A_231, %dma_start3A_232] : memref<10000x128xf32, #tpu.memory_space<hbm>> -> memref<10000x128xf32, #tpu.memory_space<hbm>>
        tpu.enqueue_indirect_dma source(%dma_start3A_233 : memref<10000x128xf32, #tpu.memory_space<hbm>>) target(%arg16 : memref<80x128xf32, #tpu.memory_space<vmem>>) offsets(%arg10 : memref<80xi32, #tpu.memory_space<vmem>>) semaphore(%arg24 : memref<!tpu.dma_semaphore, #tpu.memory_space<semaphore_mem>>)
      } else {
      }
      %add3A_173 = arith.constant 4 : i32
      %add3A_174 = arith.addi %add3A_162, %add3A_173 : i32
      %lt3A_175 = arith.constant 125 : i32
      %lt3A_176 = arith.cmpi slt, %add3A_174, %lt3A_175 : i32
      %convert_element_type3A_177 = arith.extui %lt3A_176 : i1 to i32
      %cond3A_178 = arith.constant 0 : i32
      %cond3A_179 = arith.cmpi ne, %convert_element_type3A_177, %cond3A_178 : i32
      scf.if %cond3A_179 {
        %add3A_222 = arith.constant 4 : i32
        %add3A_223 = arith.addi %add3A_162, %add3A_222 : i32
        %mul3A_224 = arith.constant 80 : i32
        %mul3A_225 = arith.muli %add3A_223, %mul3A_224 : i32
        %add3A_226 = arith.addi %mul3A_2, %mul3A_225 : i32
        %dma_start3A_227 = tpu.memref_slice %arg3[%add3A_226] : memref<320000xi32, #tpu.memory_space<hbm>> -> memref<80xi32, #tpu.memory_space<hbm>>
        %dma_start3A_228 = tpu.memref_slice %arg3[%add3A_226] : memref<320000xi32, #tpu.memory_space<hbm>> -> memref<80xi32, #tpu.memory_space<hbm>>
        tpu.enqueue_dma source(%dma_start3A_228 : memref<80xi32, #tpu.memory_space<hbm>>) target(%arg8 : memref<80xi32, #tpu.memory_space<vmem>>) target_semaphore(%arg20 : memref<!tpu.dma_semaphore, #tpu.memory_space<semaphore_mem>>)
        %dma_start3A_229 = tpu.memref_slice %arg4[%add3A_226] : memref<320000xi32, #tpu.memory_space<hbm>> -> memref<80xi32, #tpu.memory_space<hbm>>
        %dma_start3A_230 = tpu.memref_slice %arg4[%add3A_226] : memref<320000xi32, #tpu.memory_space<hbm>> -> memref<80xi32, #tpu.memory_space<hbm>>
        tpu.enqueue_dma source(%dma_start3A_230 : memref<80xi32, #tpu.memory_space<hbm>>) target(%arg12 : memref<80xi32, #tpu.memory_space<vmem>>) target_semaphore(%arg20 : memref<!tpu.dma_semaphore, #tpu.memory_space<semaphore_mem>>)
      } else {
      }
      %mul3A_180 = arith.constant 4 : i32
      %mul3A_181 = arith.muli %mul3A_180, %scan3A_138 : i32
      %add3A_182 = arith.constant 2 : i32
      %add3A_183 = arith.addi %mul3A_181, %add3A_182 : i32
      %dma_wait3A_184 = arith.constant 0 : i32
      %dma_wait3A_185 = arith.constant 0 : i32
      %dma_wait3A_186 = tpu.memref_slice %arg2[%dma_wait3A_184, %dma_wait3A_185] : memref<10000x128xf32, #tpu.memory_space<hbm>> -> memref<10000x128xf32, #tpu.memory_space<hbm>>
      tpu.wait_indirect_dma semaphore(%arg23 : memref<!tpu.dma_semaphore, #tpu.memory_space<semaphore_mem>>) src(%dma_wait3A_186 : memref<10000x128xf32, #tpu.memory_space<hbm>>) dst(%arg15 : memref<80x128xf32, #tpu.memory_space<vmem>>)
      "tpu.region"() ({
        %run_scoped3A = tpu.sem_alloc : memref<!tpu.dma_semaphore, #tpu.memory_space<semaphore_mem>>
        %dma_start3A_222 = arith.constant 0 : i32
        %dma_start3A_223 = arith.constant 0 : i32
        %dma_start3A_224 = tpu.memref_slice %arg18[%dma_start3A_222, %dma_start3A_223] : memref<10000x128xf32, #tpu.memory_space<vmem_shared>> -> memref<10000x128xf32, #tpu.memory_space<vmem_shared>>
        tpu.enqueue_indirect_dma source(%arg15 : memref<80x128xf32, #tpu.memory_space<vmem>>) target(%dma_start3A_224 : memref<10000x128xf32, #tpu.memory_space<vmem_shared>>) offsets(%arg13 : memref<80xi32, #tpu.memory_space<vmem>>) semaphore(%run_scoped3A : memref<!tpu.dma_semaphore, #tpu.memory_space<semaphore_mem>>) {add = true}
        %dma_wait3A_225 = arith.constant 0 : i32
        %dma_wait3A_226 = arith.constant 0 : i32
        %dma_wait3A_227 = tpu.memref_slice %arg18[%dma_wait3A_225, %dma_wait3A_226] : memref<10000x128xf32, #tpu.memory_space<vmem_shared>> -> memref<10000x128xf32, #tpu.memory_space<vmem_shared>>
        tpu.wait_indirect_dma semaphore(%run_scoped3A : memref<!tpu.dma_semaphore, #tpu.memory_space<semaphore_mem>>) src(%arg15 : memref<80x128xf32, #tpu.memory_space<vmem>>) dst(%dma_wait3A_227 : memref<10000x128xf32, #tpu.memory_space<vmem_shared>>)
        tpu.yield
      }) : () -> ()
      %add3A_187 = arith.constant 2 : i32
      %add3A_188 = arith.addi %add3A_183, %add3A_187 : i32
      %lt3A_189 = arith.constant 125 : i32
      %lt3A_190 = arith.cmpi slt, %add3A_188, %lt3A_189 : i32
      %convert_element_type3A_191 = arith.extui %lt3A_190 : i1 to i32
      %cond3A_192 = arith.constant 0 : i32
      %cond3A_193 = arith.cmpi ne, %convert_element_type3A_191, %cond3A_192 : i32
      scf.if %cond3A_193 {
        %add3A_222 = arith.constant 2 : i32
        %add3A_223 = arith.addi %add3A_183, %add3A_222 : i32
        %mul3A_224 = arith.constant 80 : i32
        %mul3A_225 = arith.muli %add3A_223, %mul3A_224 : i32
        %add3A_226 = arith.addi %mul3A_2, %mul3A_225 : i32
        %dma_wait3A_227 = tpu.memref_slice %arg3[%add3A_226] : memref<320000xi32, #tpu.memory_space<hbm>> -> memref<80xi32, #tpu.memory_space<hbm>>
        %dma_wait3A_228 = tpu.memref_slice %arg3[%add3A_226] : memref<320000xi32, #tpu.memory_space<hbm>> -> memref<80xi32, #tpu.memory_space<hbm>>
        tpu.wait_dma2 semaphore(%arg19 : memref<!tpu.dma_semaphore, #tpu.memory_space<semaphore_mem>>) src(%dma_wait3A_228 : memref<80xi32, #tpu.memory_space<hbm>>) dst(%arg7 : memref<80xi32, #tpu.memory_space<vmem>>)
        %dma_wait3A_229 = tpu.memref_slice %arg4[%add3A_226] : memref<320000xi32, #tpu.memory_space<hbm>> -> memref<80xi32, #tpu.memory_space<hbm>>
        %dma_wait3A_230 = tpu.memref_slice %arg4[%add3A_226] : memref<320000xi32, #tpu.memory_space<hbm>> -> memref<80xi32, #tpu.memory_space<hbm>>
        tpu.wait_dma2 semaphore(%arg19 : memref<!tpu.dma_semaphore, #tpu.memory_space<semaphore_mem>>) src(%dma_wait3A_230 : memref<80xi32, #tpu.memory_space<hbm>>) dst(%arg11 : memref<80xi32, #tpu.memory_space<vmem>>)
        %dma_start3A_231 = arith.constant 0 : i32
        %dma_start3A_232 = arith.constant 0 : i32
        %dma_start3A_233 = tpu.memref_slice %arg2[%dma_start3A_231, %dma_start3A_232] : memref<10000x128xf32, #tpu.memory_space<hbm>> -> memref<10000x128xf32, #tpu.memory_space<hbm>>
        tpu.enqueue_indirect_dma source(%dma_start3A_233 : memref<10000x128xf32, #tpu.memory_space<hbm>>) target(%arg15 : memref<80x128xf32, #tpu.memory_space<vmem>>) offsets(%arg7 : memref<80xi32, #tpu.memory_space<vmem>>) semaphore(%arg23 : memref<!tpu.dma_semaphore, #tpu.memory_space<semaphore_mem>>)
      } else {
      }
      %add3A_194 = arith.constant 4 : i32
      %add3A_195 = arith.addi %add3A_183, %add3A_194 : i32
      %lt3A_196 = arith.constant 125 : i32
      %lt3A_197 = arith.cmpi slt, %add3A_195, %lt3A_196 : i32
      %convert_element_type3A_198 = arith.extui %lt3A_197 : i1 to i32
      %cond3A_199 = arith.constant 0 : i32
      %cond3A_200 = arith.cmpi ne, %convert_element_type3A_198, %cond3A_199 : i32
      scf.if %cond3A_200 {
        %add3A_222 = arith.constant 4 : i32
        %add3A_223 = arith.addi %add3A_183, %add3A_222 : i32
        %mul3A_224 = arith.constant 80 : i32
        %mul3A_225 = arith.muli %add3A_223, %mul3A_224 : i32
        %add3A_226 = arith.addi %mul3A_2, %mul3A_225 : i32
        %dma_start3A_227 = tpu.memref_slice %arg3[%add3A_226] : memref<320000xi32, #tpu.memory_space<hbm>> -> memref<80xi32, #tpu.memory_space<hbm>>
        %dma_start3A_228 = tpu.memref_slice %arg3[%add3A_226] : memref<320000xi32, #tpu.memory_space<hbm>> -> memref<80xi32, #tpu.memory_space<hbm>>
        tpu.enqueue_dma source(%dma_start3A_228 : memref<80xi32, #tpu.memory_space<hbm>>) target(%arg9 : memref<80xi32, #tpu.memory_space<vmem>>) target_semaphore(%arg21 : memref<!tpu.dma_semaphore, #tpu.memory_space<semaphore_mem>>)
        %dma_start3A_229 = tpu.memref_slice %arg4[%add3A_226] : memref<320000xi32, #tpu.memory_space<hbm>> -> memref<80xi32, #tpu.memory_space<hbm>>
        %dma_start3A_230 = tpu.memref_slice %arg4[%add3A_226] : memref<320000xi32, #tpu.memory_space<hbm>> -> memref<80xi32, #tpu.memory_space<hbm>>
        tpu.enqueue_dma source(%dma_start3A_230 : memref<80xi32, #tpu.memory_space<hbm>>) target(%arg13 : memref<80xi32, #tpu.memory_space<vmem>>) target_semaphore(%arg21 : memref<!tpu.dma_semaphore, #tpu.memory_space<semaphore_mem>>)
      } else {
      }
      %mul3A_201 = arith.constant 4 : i32
      %mul3A_202 = arith.muli %mul3A_201, %scan3A_138 : i32
      %add3A_203 = arith.constant 3 : i32
      %add3A_204 = arith.addi %mul3A_202, %add3A_203 : i32
      %dma_wait3A_205 = arith.constant 0 : i32
      %dma_wait3A_206 = arith.constant 0 : i32
      %dma_wait3A_207 = tpu.memref_slice %arg2[%dma_wait3A_205, %dma_wait3A_206] : memref<10000x128xf32, #tpu.memory_space<hbm>> -> memref<10000x128xf32, #tpu.memory_space<hbm>>
      tpu.wait_indirect_dma semaphore(%arg24 : memref<!tpu.dma_semaphore, #tpu.memory_space<semaphore_mem>>) src(%dma_wait3A_207 : memref<10000x128xf32, #tpu.memory_space<hbm>>) dst(%arg16 : memref<80x128xf32, #tpu.memory_space<vmem>>)
      "tpu.region"() ({
        %run_scoped3A = tpu.sem_alloc : memref<!tpu.dma_semaphore, #tpu.memory_space<semaphore_mem>>
        %dma_start3A_222 = arith.constant 0 : i32
        %dma_start3A_223 = arith.constant 0 : i32
        %dma_start3A_224 = tpu.memref_slice %arg18[%dma_start3A_222, %dma_start3A_223] : memref<10000x128xf32, #tpu.memory_space<vmem_shared>> -> memref<10000x128xf32, #tpu.memory_space<vmem_shared>>
        tpu.enqueue_indirect_dma source(%arg16 : memref<80x128xf32, #tpu.memory_space<vmem>>) target(%dma_start3A_224 : memref<10000x128xf32, #tpu.memory_space<vmem_shared>>) offsets(%arg14 : memref<80xi32, #tpu.memory_space<vmem>>) semaphore(%run_scoped3A : memref<!tpu.dma_semaphore, #tpu.memory_space<semaphore_mem>>) {add = true}
        %dma_wait3A_225 = arith.constant 0 : i32
        %dma_wait3A_226 = arith.constant 0 : i32
        %dma_wait3A_227 = tpu.memref_slice %arg18[%dma_wait3A_225, %dma_wait3A_226] : memref<10000x128xf32, #tpu.memory_space<vmem_shared>> -> memref<10000x128xf32, #tpu.memory_space<vmem_shared>>
        tpu.wait_indirect_dma semaphore(%run_scoped3A : memref<!tpu.dma_semaphore, #tpu.memory_space<semaphore_mem>>) src(%arg16 : memref<80x128xf32, #tpu.memory_space<vmem>>) dst(%dma_wait3A_227 : memref<10000x128xf32, #tpu.memory_space<vmem_shared>>)
        tpu.yield
      }) : () -> ()
      %add3A_208 = arith.constant 2 : i32
      %add3A_209 = arith.addi %add3A_204, %add3A_208 : i32
      %lt3A_210 = arith.constant 125 : i32
      %lt3A_211 = arith.cmpi slt, %add3A_209, %lt3A_210 : i32
      %convert_element_type3A_212 = arith.extui %lt3A_211 : i1 to i32
      %cond3A_213 = arith.constant 0 : i32
      %cond3A_214 = arith.cmpi ne, %convert_element_type3A_212, %cond3A_213 : i32
      scf.if %cond3A_214 {
        %add3A_222 = arith.constant 2 : i32
        %add3A_223 = arith.addi %add3A_204, %add3A_222 : i32
        %mul3A_224 = arith.constant 80 : i32
        %mul3A_225 = arith.muli %add3A_223, %mul3A_224 : i32
        %add3A_226 = arith.addi %mul3A_2, %mul3A_225 : i32
        %dma_wait3A_227 = tpu.memref_slice %arg3[%add3A_226] : memref<320000xi32, #tpu.memory_space<hbm>> -> memref<80xi32, #tpu.memory_space<hbm>>
        %dma_wait3A_228 = tpu.memref_slice %arg3[%add3A_226] : memref<320000xi32, #tpu.memory_space<hbm>> -> memref<80xi32, #tpu.memory_space<hbm>>
        tpu.wait_dma2 semaphore(%arg20 : memref<!tpu.dma_semaphore, #tpu.memory_space<semaphore_mem>>) src(%dma_wait3A_228 : memref<80xi32, #tpu.memory_space<hbm>>) dst(%arg8 : memref<80xi32, #tpu.memory_space<vmem>>)
        %dma_wait3A_229 = tpu.memref_slice %arg4[%add3A_226] : memref<320000xi32, #tpu.memory_space<hbm>> -> memref<80xi32, #tpu.memory_space<hbm>>
        %dma_wait3A_230 = tpu.memref_slice %arg4[%add3A_226] : memref<320000xi32, #tpu.memory_space<hbm>> -> memref<80xi32, #tpu.memory_space<hbm>>
        tpu.wait_dma2 semaphore(%arg20 : memref<!tpu.dma_semaphore, #tpu.memory_space<semaphore_mem>>) src(%dma_wait3A_230 : memref<80xi32, #tpu.memory_space<hbm>>) dst(%arg12 : memref<80xi32, #tpu.memory_space<vmem>>)
        %dma_start3A_231 = arith.constant 0 : i32
        %dma_start3A_232 = arith.constant 0 : i32
        %dma_start3A_233 = tpu.memref_slice %arg2[%dma_start3A_231, %dma_start3A_232] : memref<10000x128xf32, #tpu.memory_space<hbm>> -> memref<10000x128xf32, #tpu.memory_space<hbm>>
        tpu.enqueue_indirect_dma source(%dma_start3A_233 : memref<10000x128xf32, #tpu.memory_space<hbm>>) target(%arg16 : memref<80x128xf32, #tpu.memory_space<vmem>>) offsets(%arg8 : memref<80xi32, #tpu.memory_space<vmem>>) semaphore(%arg24 : memref<!tpu.dma_semaphore, #tpu.memory_space<semaphore_mem>>)
      } else {
      }
      %add3A_215 = arith.constant 4 : i32
      %add3A_216 = arith.addi %add3A_204, %add3A_215 : i32
      %lt3A_217 = arith.constant 125 : i32
      %lt3A_218 = arith.cmpi slt, %add3A_216, %lt3A_217 : i32
      %convert_element_type3A_219 = arith.extui %lt3A_218 : i1 to i32
      %cond3A_220 = arith.constant 0 : i32
      %cond3A_221 = arith.cmpi ne, %convert_element_type3A_219, %cond3A_220 : i32
      scf.if %cond3A_221 {
        %add3A_222 = arith.constant 4 : i32
        %add3A_223 = arith.addi %add3A_204, %add3A_222 : i32
        %mul3A_224 = arith.constant 80 : i32
        %mul3A_225 = arith.muli %add3A_223, %mul3A_224 : i32
        %add3A_226 = arith.addi %mul3A_2, %mul3A_225 : i32
        %dma_start3A_227 = tpu.memref_slice %arg3[%add3A_226] : memref<320000xi32, #tpu.memory_space<hbm>> -> memref<80xi32, #tpu.memory_space<hbm>>
        %dma_start3A_228 = tpu.memref_slice %arg3[%add3A_226] : memref<320000xi32, #tpu.memory_space<hbm>> -> memref<80xi32, #tpu.memory_space<hbm>>
        tpu.enqueue_dma source(%dma_start3A_228 : memref<80xi32, #tpu.memory_space<hbm>>) target(%arg10 : memref<80xi32, #tpu.memory_space<vmem>>) target_semaphore(%arg22 : memref<!tpu.dma_semaphore, #tpu.memory_space<semaphore_mem>>)
        %dma_start3A_229 = tpu.memref_slice %arg4[%add3A_226] : memref<320000xi32, #tpu.memory_space<hbm>> -> memref<80xi32, #tpu.memory_space<hbm>>
        %dma_start3A_230 = tpu.memref_slice %arg4[%add3A_226] : memref<320000xi32, #tpu.memory_space<hbm>> -> memref<80xi32, #tpu.memory_space<hbm>>
        tpu.enqueue_dma source(%dma_start3A_230 : memref<80xi32, #tpu.memory_space<hbm>>) target(%arg14 : memref<80xi32, #tpu.memory_space<vmem>>) target_semaphore(%arg22 : memref<!tpu.dma_semaphore, #tpu.memory_space<semaphore_mem>>)
      } else {
      }
    }
    %scan3A_123 = arith.constant 31 : i32
    %dma_wait3A_124 = arith.constant 0 : i32
    %dma_wait3A_125 = arith.constant 0 : i32
    %dma_wait3A_126 = tpu.memref_slice %arg2[%dma_wait3A_124, %dma_wait3A_125] : memref<10000x128xf32, #tpu.memory_space<hbm>> -> memref<10000x128xf32, #tpu.memory_space<hbm>>
    tpu.wait_indirect_dma semaphore(%arg23 : memref<!tpu.dma_semaphore, #tpu.memory_space<semaphore_mem>>) src(%dma_wait3A_126 : memref<10000x128xf32, #tpu.memory_space<hbm>>) dst(%arg15 : memref<80x128xf32, #tpu.memory_space<vmem>>)
    "tpu.region"() ({
      %run_scoped3A = tpu.sem_alloc : memref<!tpu.dma_semaphore, #tpu.memory_space<semaphore_mem>>
      %dma_start3A_138 = arith.constant 0 : i32
      %dma_start3A_139 = arith.constant 0 : i32
      %dma_start3A_140 = tpu.memref_slice %arg18[%dma_start3A_138, %dma_start3A_139] : memref<10000x128xf32, #tpu.memory_space<vmem_shared>> -> memref<10000x128xf32, #tpu.memory_space<vmem_shared>>
      tpu.enqueue_indirect_dma source(%arg15 : memref<80x128xf32, #tpu.memory_space<vmem>>) target(%dma_start3A_140 : memref<10000x128xf32, #tpu.memory_space<vmem_shared>>) offsets(%arg11 : memref<80xi32, #tpu.memory_space<vmem>>) semaphore(%run_scoped3A : memref<!tpu.dma_semaphore, #tpu.memory_space<semaphore_mem>>) {add = true}
      %dma_wait3A_141 = arith.constant 0 : i32
      %dma_wait3A_142 = arith.constant 0 : i32
      %dma_wait3A_143 = tpu.memref_slice %arg18[%dma_wait3A_141, %dma_wait3A_142] : memref<10000x128xf32, #tpu.memory_space<vmem_shared>> -> memref<10000x128xf32, #tpu.memory_space<vmem_shared>>
      tpu.wait_indirect_dma semaphore(%run_scoped3A : memref<!tpu.dma_semaphore, #tpu.memory_space<semaphore_mem>>) src(%arg15 : memref<80x128xf32, #tpu.memory_space<vmem>>) dst(%dma_wait3A_143 : memref<10000x128xf32, #tpu.memory_space<vmem_shared>>)
      tpu.yield
    }) : () -> ()
    %barrier3A_127 = arith.constant 0 : index
    tpu.barrier barrier_id(%barrier3A_127)
    %mul3A_128 = arith.constant 624 : i32
    %mul3A_129 = arith.muli %arg1, %mul3A_128 : i32
    %mul3A_130 = arith.constant 10000 : i32
    %mul3A_131 = arith.muli %arg0, %mul3A_130 : i32
    %add3A_132 = arith.addi %mul3A_131, %mul3A_129 : i32
    "tpu.region"() ({
      %run_scoped3A = tpu.sem_alloc : memref<!tpu.dma_semaphore, #tpu.memory_space<semaphore_mem>>
      %dma_start3A_138 = arith.constant 0 : i32
      %dma_start3A_139 = tpu.memref_slice %arg6[%add3A_132, %dma_start3A_138] : memref<20000x128xf32, #tpu.memory_space<hbm>> -> memref<624x128xf32, #tpu.memory_space<hbm>>
      %dma_start3A_140 = arith.constant 0 : i32
      %dma_start3A_141 = tpu.memref_slice %arg18[%mul3A_129, %dma_start3A_140] : memref<10000x128xf32, #tpu.memory_space<vmem_shared>> -> memref<624x128xf32, #tpu.memory_space<vmem_shared>>
      tpu.enqueue_dma source(%dma_start3A_141 : memref<624x128xf32, #tpu.memory_space<vmem_shared>>) target(%dma_start3A_139 : memref<624x128xf32, #tpu.memory_space<hbm>>) target_semaphore(%run_scoped3A : memref<!tpu.dma_semaphore, #tpu.memory_space<semaphore_mem>>)
      %dma_wait3A_142 = arith.constant 0 : i32
      %dma_wait3A_143 = tpu.memref_slice %arg6[%add3A_132, %dma_wait3A_142] : memref<20000x128xf32, #tpu.memory_space<hbm>> -> memref<624x128xf32, #tpu.memory_space<hbm>>
      %dma_wait3A_144 = arith.constant 0 : i32
      %dma_wait3A_145 = tpu.memref_slice %arg18[%mul3A_129, %dma_wait3A_144] : memref<10000x128xf32, #tpu.memory_space<vmem_shared>> -> memref<624x128xf32, #tpu.memory_space<vmem_shared>>
      tpu.wait_dma2 semaphore(%run_scoped3A : memref<!tpu.dma_semaphore, #tpu.memory_space<semaphore_mem>>) src(%dma_wait3A_145 : memref<624x128xf32, #tpu.memory_space<vmem_shared>>) dst(%dma_wait3A_143 : memref<624x128xf32, #tpu.memory_space<hbm>>)
      tpu.yield
    }) : () -> ()
    %eq3A_133 = arith.constant 0 : i32
    %eq3A_134 = arith.cmpi eq, %arg1, %eq3A_133 : i32
    %convert_element_type3A_135 = arith.extui %eq3A_134 : i1 to i32
    %cond3A_136 = arith.constant 0 : i32
    %cond3A_137 = arith.cmpi ne, %convert_element_type3A_135, %cond3A_136 : i32
    scf.if %cond3A_137 {
      %mul3A_138 = arith.constant 10000 : i32
      %mul3A_139 = arith.muli %arg0, %mul3A_138 : i32
      %add3A_140 = arith.constant 9984 : i32
      %add3A_141 = arith.addi %mul3A_139, %add3A_140 : i32
      "tpu.region"() ({
        %run_scoped3A = tpu.sem_alloc : memref<!tpu.dma_semaphore, #tpu.memory_space<semaphore_mem>>
        %dma_start3A_142 = arith.constant 0 : i32
        %dma_start3A_143 = tpu.memref_slice %arg6[%add3A_141, %dma_start3A_142] : memref<20000x128xf32, #tpu.memory_space<hbm>> -> memref<16x128xf32, #tpu.memory_space<hbm>>
        %dma_start3A_144 = arith.constant 9984 : i32
        %dma_start3A_145 = arith.constant 0 : i32
        %dma_start3A_146 = tpu.memref_slice %arg18[%dma_start3A_144, %dma_start3A_145] : memref<10000x128xf32, #tpu.memory_space<vmem_shared>> -> memref<16x128xf32, #tpu.memory_space<vmem_shared>>
        tpu.enqueue_dma source(%dma_start3A_146 : memref<16x128xf32, #tpu.memory_space<vmem_shared>>) target(%dma_start3A_143 : memref<16x128xf32, #tpu.memory_space<hbm>>) target_semaphore(%run_scoped3A : memref<!tpu.dma_semaphore, #tpu.memory_space<semaphore_mem>>)
        %dma_wait3A_147 = arith.constant 0 : i32
        %dma_wait3A_148 = tpu.memref_slice %arg6[%add3A_141, %dma_wait3A_147] : memref<20000x128xf32, #tpu.memory_space<hbm>> -> memref<16x128xf32, #tpu.memory_space<hbm>>
        %dma_wait3A_149 = arith.constant 9984 : i32
        %dma_wait3A_150 = arith.constant 0 : i32
        %dma_wait3A_151 = tpu.memref_slice %arg18[%dma_wait3A_149, %dma_wait3A_150] : memref<10000x128xf32, #tpu.memory_space<vmem_shared>> -> memref<16x128xf32, #tpu.memory_space<vmem_shared>>
        tpu.wait_dma2 semaphore(%run_scoped3A : memref<!tpu.dma_semaphore, #tpu.memory_space<semaphore_mem>>) src(%dma_wait3A_151 : memref<16x128xf32, #tpu.memory_space<vmem_shared>>) dst(%dma_wait3A_148 : memref<16x128xf32, #tpu.memory_space<hbm>>)
        tpu.yield
      }) : () -> ()
    } else {
    }
    return
  }
}

module attributes {stable_mosaic.version = 14 : i64} {
  func.func @_tc2_body(%arg0: i32, %arg1: memref<1000x128xf32, #tpu.memory_space<vmem>>, %arg2: memref<1000x128xf32, #tpu.memory_space<vmem>>, %arg3: memref<1000x128xf32, #tpu.memory_space<vmem>>, %arg4: memref<1000x128xf32, #tpu.memory_space<vmem>>, %arg5: memref<128x128xf32, #tpu.memory_space<vmem>>, %arg6: memref<64x128xf32, #tpu.memory_space<vmem>>, %arg7: memref<1x64xf32, #tpu.memory_space<vmem>>, %arg8: memref<1000x64xf32, #tpu.memory_space<vmem>>, %arg9: memref<1000x128xf32, #tpu.memory_space<vmem>>) attributes {dimension_semantics = [#tpu.dimension_semantics<arbitrary>], iteration_bounds = array<i64: 10>, scalar_prefetch = 0 : i64, scratch_operands = 0 : i64, tpu.core_type = #tpu.core_type<tc>, window_params = [{transform_indices = @transform_0, window_bounds = array<i64: 1000, 128>}, {transform_indices = @transform_1, window_bounds = array<i64: 1000, 128>}, {transform_indices = @transform_2, window_bounds = array<i64: 1000, 128>}, {transform_indices = @transform_3, window_bounds = array<i64: 1000, 128>}, {pipeline_mode = #tpu.pipeline_mode<synchronous>, transform_indices = @transform_4, window_bounds = array<i64: 128, 128>}, {pipeline_mode = #tpu.pipeline_mode<synchronous>, transform_indices = @transform_5, window_bounds = array<i64: 64, 128>}, {pipeline_mode = #tpu.pipeline_mode<synchronous>, transform_indices = @transform_6, window_bounds = array<i64: 1, 64>}, {transform_indices = @transform_7, window_bounds = array<i64: 1000, 64>}, {transform_indices = @transform_8, window_bounds = array<i64: 1000, 128>}]} {
    %get3A = arith.constant 0 : index
    %get3A_0 = arith.constant 0 : index
    %get3A_1 = vector.load %arg3[%get3A, %get3A_0] : memref<1000x128xf32, #tpu.memory_space<vmem>>, vector<1000x128xf32>
    %get3A_2 = arith.constant 0 : index
    %get3A_3 = arith.constant 0 : index
    %get3A_4 = vector.load %arg4[%get3A_2, %get3A_3] : memref<1000x128xf32, #tpu.memory_space<vmem>>, vector<1000x128xf32>
    %add3A = arith.addf %get3A_1, %get3A_4 : vector<1000x128xf32>
    %slice3A = vector.extract_strided_slice %add3A {offsets = [0, 0], sizes = [1000, 1], strides = [1, 1]} : vector<1000x128xf32> to vector<1000x1xf32>
    %max3A = arith.constant 1.000000e+00 : f32
    %max3A_5 = vector.broadcast %max3A : f32 to vector<1000x1xf32>
    %max3A_6 = arith.maximumf %slice3A, %max3A_5 : vector<1000x1xf32>
    %get3A_7 = arith.constant 0 : index
    %get3A_8 = arith.constant 0 : index
    %get3A_9 = vector.load %arg1[%get3A_7, %get3A_8] : memref<1000x128xf32, #tpu.memory_space<vmem>>, vector<1000x128xf32>
    %get3A_10 = arith.constant 0 : index
    %get3A_11 = arith.constant 0 : index
    %get3A_12 = vector.load %arg2[%get3A_10, %get3A_11] : memref<1000x128xf32, #tpu.memory_space<vmem>>, vector<1000x128xf32>
    %add3A_13 = arith.addf %get3A_9, %get3A_12 : vector<1000x128xf32>
    %div3A = vector.broadcast %max3A_6 : vector<1000x1xf32> to vector<1000x128xf32>
    %div3A_14 = arith.divf %add3A_13, %div3A : vector<1000x128xf32>
    %get3A_15 = arith.constant 0 : index
    %get3A_16 = arith.constant 0 : index
    %get3A_17 = vector.load %arg5[%get3A_15, %get3A_16] : memref<128x128xf32, #tpu.memory_space<vmem>>, vector<128x128xf32>
    %dot_general3A = arith.constant dense<0.000000e+00> : vector<1000x128xf32>
    %dot_general3A_18 = tpu.matmul %div3A_14, %get3A_17, %dot_general3A {dimension_numbers = #tpu.dot_dimension_numbers<[1], [1], [0], [0], [0, 0, 1, 0], [], []>, transpose_lhs_hint = false} : vector<1000x128xf32>, vector<128x128xf32>, vector<1000x128xf32> -> vector<1000x128xf32>
    %swap3A = arith.constant 0 : index
    %swap3A_19 = arith.constant 0 : index
    %swap3A_20 = vector.load %arg9[%swap3A, %swap3A_19] : memref<1000x128xf32, #tpu.memory_space<vmem>>, vector<1000x128xf32>
    tpu.vector_store %arg9[%swap3A, %swap3A_19], %dot_general3A_18 {strides = array<i32>} : memref<1000x128xf32, #tpu.memory_space<vmem>>, vector<1000x128xf32>,
    %get3A_21 = arith.constant 0 : index
    %get3A_22 = arith.constant 0 : index
    %get3A_23 = vector.load %arg6[%get3A_21, %get3A_22] : memref<64x128xf32, #tpu.memory_space<vmem>>, vector<64x128xf32>
    %dot_general3A_24 = arith.constant dense<0.000000e+00> : vector<1000x64xf32>
    %dot_general3A_25 = tpu.matmul %dot_general3A_18, %get3A_23, %dot_general3A_24 {dimension_numbers = #tpu.dot_dimension_numbers<[1], [1], [0], [0], [0, 0, 1, 0], [], []>, transpose_lhs_hint = false} : vector<1000x128xf32>, vector<64x128xf32>, vector<1000x64xf32> -> vector<1000x64xf32>
    %get3A_26 = arith.constant 0 : index
    %get3A_27 = arith.constant 0 : index
    %get3A_28 = vector.load %arg7[%get3A_26, %get3A_27] : memref<1x64xf32, #tpu.memory_space<vmem>>, vector<1x64xf32>
    %add3A_29 = vector.broadcast %get3A_28 : vector<1x64xf32> to vector<1000x64xf32>
    %add3A_30 = arith.addf %dot_general3A_25, %add3A_29 : vector<1000x64xf32>
    %reduce_max3A = arith.constant dense<0xFF800000> : vector<1000xf32>
    %reduce_max3A_31 = vector.multi_reduction <maximumf>, %add3A_30, %reduce_max3A [1] : vector<1000x64xf32> to vector<1000xf32>
    %broadcast_in_dim3A = vector.shape_cast %reduce_max3A_31 : vector<1000xf32> to vector<1000x1xf32>
    %sub3A = vector.broadcast %broadcast_in_dim3A : vector<1000x1xf32> to vector<1000x64xf32>
    %sub3A_32 = arith.subf %add3A_30, %sub3A : vector<1000x64xf32>
    %exp3A = math.exp %sub3A_32 : vector<1000x64xf32>
    %reduce_sum3A = arith.constant dense<0.000000e+00> : vector<1000xf32>
    %reduce_sum3A_33 = vector.multi_reduction <add>, %exp3A, %reduce_sum3A [1] : vector<1000x64xf32> to vector<1000xf32>
    %broadcast_in_dim3A_34 = vector.shape_cast %reduce_sum3A_33 : vector<1000xf32> to vector<1000x1xf32>
    %log3A = math.log %broadcast_in_dim3A_34 : vector<1000x1xf32>
    %add3A_35 = arith.addf %log3A, %broadcast_in_dim3A : vector<1000x1xf32>
    %sub3A_36 = vector.broadcast %add3A_35 : vector<1000x1xf32> to vector<1000x64xf32>
    %sub3A_37 = arith.subf %add3A_30, %sub3A_36 : vector<1000x64xf32>
    %swap3A_38 = arith.constant 0 : index
    %swap3A_39 = arith.constant 0 : index
    %swap3A_40 = vector.load %arg8[%swap3A_38, %swap3A_39] : memref<1000x64xf32, #tpu.memory_space<vmem>>, vector<1000x64xf32>
    tpu.vector_store %arg8[%swap3A_38, %swap3A_39], %sub3A_37 {strides = array<i32>} : memref<1000x64xf32, #tpu.memory_space<vmem>>, vector<1000x64xf32>,
    return
  }
  func.func @transform_0(%arg0: i32) -> (i32, i32) {
    %c0_i32 = arith.constant 0 : i32
    %c0_i32_0 = arith.constant 0 : i32
    return %arg0, %c0_i32 : i32, i32
  }
  func.func @transform_1(%arg0: i32) -> (i32, i32) {
    %add3A = arith.constant 10 : i32
    %add3A_0 = arith.addi %arg0, %add3A : i32
    %c0_i32 = arith.constant 0 : i32
    %c0_i32_1 = arith.constant 0 : i32
    return %add3A_0, %c0_i32 : i32, i32
  }
  func.func @transform_2(%arg0: i32) -> (i32, i32) {
    %c0_i32 = arith.constant 0 : i32
    %c0_i32_0 = arith.constant 0 : i32
    return %arg0, %c0_i32 : i32, i32
  }
  func.func @transform_3(%arg0: i32) -> (i32, i32) {
    %add3A = arith.constant 10 : i32
    %add3A_0 = arith.addi %arg0, %add3A : i32
    %c0_i32 = arith.constant 0 : i32
    %c0_i32_1 = arith.constant 0 : i32
    return %add3A_0, %c0_i32 : i32, i32
  }
  func.func @transform_4(%arg0: i32) -> (i32, i32) {
    %c0_i32 = arith.constant 0 : i32
    %c0_i32_0 = arith.constant 0 : i32
    %c0_i32_1 = arith.constant 0 : i32
    return %c0_i32, %c0_i32_0 : i32, i32
  }
  func.func @transform_5(%arg0: i32) -> (i32, i32) {
    %c0_i32 = arith.constant 0 : i32
    %c0_i32_0 = arith.constant 0 : i32
    %c0_i32_1 = arith.constant 0 : i32
    return %c0_i32, %c0_i32_0 : i32, i32
  }
  func.func @transform_6(%arg0: i32) -> (i32, i32) {
    %c0_i32 = arith.constant 0 : i32
    %c0_i32_0 = arith.constant 0 : i32
    %c0_i32_1 = arith.constant 0 : i32
    return %c0_i32, %c0_i32_0 : i32, i32
  }
  func.func @transform_7(%arg0: i32) -> (i32, i32) {
    %c0_i32 = arith.constant 0 : i32
    %c0_i32_0 = arith.constant 0 : i32
    return %arg0, %c0_i32 : i32, i32
  }
  func.func @transform_8(%arg0: i32) -> (i32, i32) {
    %c0_i32 = arith.constant 0 : i32
    %c0_i32_0 = arith.constant 0 : i32
    return %arg0, %c0_i32 : i32, i32
  }
}

module attributes {stable_mosaic.version = 14 : i64} {
  func.func @_tc1_body(%arg0: i32, %arg1: memref<1000x128xf32, #tpu.memory_space<vmem>>, %arg2: memref<1000x128xf32, #tpu.memory_space<vmem>>, %arg3: memref<1000x128xf32, #tpu.memory_space<vmem>>, %arg4: memref<1000x128xf32, #tpu.memory_space<vmem>>, %arg5: memref<128x128xf32, #tpu.memory_space<vmem>>, %arg6: memref<1000x128xf32, #tpu.memory_space<vmem>>) attributes {dimension_semantics = [#tpu.dimension_semantics<arbitrary>], iteration_bounds = array<i64: 10>, scalar_prefetch = 0 : i64, scratch_operands = 0 : i64, tpu.core_type = #tpu.core_type<tc>, window_params = [{transform_indices = @transform_0, window_bounds = array<i64: 1000, 128>}, {transform_indices = @transform_1, window_bounds = array<i64: 1000, 128>}, {transform_indices = @transform_2, window_bounds = array<i64: 1000, 128>}, {transform_indices = @transform_3, window_bounds = array<i64: 1000, 128>}, {pipeline_mode = #tpu.pipeline_mode<synchronous>, transform_indices = @transform_4, window_bounds = array<i64: 128, 128>}, {transform_indices = @transform_5, window_bounds = array<i64: 1000, 128>}]} {
    %get3A = arith.constant 0 : index
    %get3A_0 = arith.constant 0 : index
    %get3A_1 = vector.load %arg3[%get3A, %get3A_0] : memref<1000x128xf32, #tpu.memory_space<vmem>>, vector<1000x128xf32>
    %get3A_2 = arith.constant 0 : index
    %get3A_3 = arith.constant 0 : index
    %get3A_4 = vector.load %arg4[%get3A_2, %get3A_3] : memref<1000x128xf32, #tpu.memory_space<vmem>>, vector<1000x128xf32>
    %add3A = arith.addf %get3A_1, %get3A_4 : vector<1000x128xf32>
    %slice3A = vector.extract_strided_slice %add3A {offsets = [0, 0], sizes = [1000, 1], strides = [1, 1]} : vector<1000x128xf32> to vector<1000x1xf32>
    %max3A = arith.constant 1.000000e+00 : f32
    %max3A_5 = vector.broadcast %max3A : f32 to vector<1000x1xf32>
    %max3A_6 = arith.maximumf %slice3A, %max3A_5 : vector<1000x1xf32>
    %get3A_7 = arith.constant 0 : index
    %get3A_8 = arith.constant 0 : index
    %get3A_9 = vector.load %arg1[%get3A_7, %get3A_8] : memref<1000x128xf32, #tpu.memory_space<vmem>>, vector<1000x128xf32>
    %get3A_10 = arith.constant 0 : index
    %get3A_11 = arith.constant 0 : index
    %get3A_12 = vector.load %arg2[%get3A_10, %get3A_11] : memref<1000x128xf32, #tpu.memory_space<vmem>>, vector<1000x128xf32>
    %add3A_13 = arith.addf %get3A_9, %get3A_12 : vector<1000x128xf32>
    %div3A = vector.broadcast %max3A_6 : vector<1000x1xf32> to vector<1000x128xf32>
    %div3A_14 = arith.divf %add3A_13, %div3A : vector<1000x128xf32>
    %get3A_15 = arith.constant 0 : index
    %get3A_16 = arith.constant 0 : index
    %get3A_17 = vector.load %arg5[%get3A_15, %get3A_16] : memref<128x128xf32, #tpu.memory_space<vmem>>, vector<128x128xf32>
    %dot_general3A = arith.constant dense<0.000000e+00> : vector<1000x128xf32>
    %dot_general3A_18 = tpu.matmul %div3A_14, %get3A_17, %dot_general3A {dimension_numbers = #tpu.dot_dimension_numbers<[1], [1], [0], [0], [0, 0, 1, 0], [], []>, transpose_lhs_hint = false} : vector<1000x128xf32>, vector<128x128xf32>, vector<1000x128xf32> -> vector<1000x128xf32>
    %max3A_19 = arith.constant 0.000000e+00 : f32
    %max3A_20 = vector.broadcast %max3A_19 : f32 to vector<1000x128xf32>
    %max3A_21 = arith.maximumf %dot_general3A_18, %max3A_20 : vector<1000x128xf32>
    %swap3A = arith.constant 0 : index
    %swap3A_22 = arith.constant 0 : index
    %swap3A_23 = vector.load %arg6[%swap3A, %swap3A_22] : memref<1000x128xf32, #tpu.memory_space<vmem>>, vector<1000x128xf32>
    tpu.vector_store %arg6[%swap3A, %swap3A_22], %max3A_21 {strides = array<i32>} : memref<1000x128xf32, #tpu.memory_space<vmem>>, vector<1000x128xf32>,
    return
  }
  func.func @transform_0(%arg0: i32) -> (i32, i32) {
    %c0_i32 = arith.constant 0 : i32
    %c0_i32_0 = arith.constant 0 : i32
    return %arg0, %c0_i32 : i32, i32
  }
  func.func @transform_1(%arg0: i32) -> (i32, i32) {
    %add3A = arith.constant 10 : i32
    %add3A_0 = arith.addi %arg0, %add3A : i32
    %c0_i32 = arith.constant 0 : i32
    %c0_i32_1 = arith.constant 0 : i32
    return %add3A_0, %c0_i32 : i32, i32
  }
  func.func @transform_2(%arg0: i32) -> (i32, i32) {
    %c0_i32 = arith.constant 0 : i32
    %c0_i32_0 = arith.constant 0 : i32
    return %arg0, %c0_i32 : i32, i32
  }
  func.func @transform_3(%arg0: i32) -> (i32, i32) {
    %add3A = arith.constant 10 : i32
    %add3A_0 = arith.addi %arg0, %add3A : i32
    %c0_i32 = arith.constant 0 : i32
    %c0_i32_1 = arith.constant 0 : i32
    return %add3A_0, %c0_i32 : i32, i32
  }
  func.func @transform_4(%arg0: i32) -> (i32, i32) {
    %c0_i32 = arith.constant 0 : i32
    %c0_i32_0 = arith.constant 0 : i32
    %c0_i32_1 = arith.constant 0 : i32
    return %c0_i32, %c0_i32_0 : i32, i32
  }
  func.func @transform_5(%arg0: i32) -> (i32, i32) {
    %c0_i32 = arith.constant 0 : i32
    %c0_i32_0 = arith.constant 0 : i32
    return %arg0, %c0_i32 : i32, i32
  }
}

</mosaic_0001>

<sc_bundles>
// kernel: kernel.6.cloned.1.call-start
scs
__scs_entry_jumppad:
0x0: {  	(pc) =	sbr.rel $0x88, $3  }
0x1: {  	(tag) =	ssettag $0x0;
	lr =	simm.s32 $0x1  }
0x2: {  	[smem:$0x3F9B] =	sst lr;
	_ =	strace $0xD0000000  }
0x3: {  	_ = 	snop  }
0x4: {  	_ = 	snop  }
0x5: {  	_ = 	snop  }
0x6: {  	_ = 	snop  }
0x7: {  	_ = 	snop  }
__scs_overlays_trampoline_lowered:
0x8: {  	[smem:$0x3FAA] =	sst s0  }
0x9: {  	[smem:$0x3FAB] =	sst s1  }
0xa: {  	[smem:$0x3FAC] =	sst s2  }
0xb: {  	[smem:$0x3FAD] =	sst s3  }
0xc: {  	[smem:$0x3FAE] =	sst s4  }
0xd: {  	[smem:$0x3FAF] =	sst s5  }
0xe: {  	[smem:$0x3FB0] =	sst s6  }
0xf: {  	[smem:$0x3FB1] =	sst s7  }
0x10: {  	[smem:$0x3FB2] =	sst s8  }
0x11: {  	[smem:$0x3FB3] =	sst s9;
	s0 =	simm.s32 @!p0 $0x0  }
0x12: {  	s1 =	sld [smem:$0x3F99];
	s0 =	simm.s32 @p0 $0x1  }
0x13: {  	[smem:$0x3FB4] =	sst s0;
	s0 =	simm.s32 @!p1 $0x0  }
0x14: {  	s2 =	sld [smem:$0x3F98];
	s0 =	simm.s32 @p1 $0x1  }
0x15: {  	[smem:$0x3FB5] =	sst s0;
	s0 =	simm.s32 @!p2 $0x0  }
0x16: {  	s3 =	sld [smem:$0x3FDB];
	s0 =	simm.s32 @p2 $0x1  }
0x17: {  	s4 =	simm.s32 $0x1BF5;
	[smem:$0x3FB7] =	sst s0  }
0x18: {  	s0 =	sld [smem:$0x3F9A];
	_ =	swait.ge [sflag:s4], $0x0  }
0x19: {  	s7 =	sld [smem:$0x3F9B]  }
0x1a: {  	s8 =	sadd.s32 $0xFFFFE003, lr  }
0x1b: {  	s9 =	sadd.s32 $0xFFFFFEF7, lr;
	s5 =	simm.s32 $0xFFFFFFFF;
	p2 =	slt.u32 s8, $0xFFFFF086  }
0x1c: {  	p1 =	slt.u32 s9, $0xF7A;
	s5 =	simm.s32 @!p2 $0x0  }
0x1d: {  	s5 =	simm.s32 @p1 $0x1;
	p0 =	seq.s32 s7, s2  }
0x1e: {  	s7 =	smul.u32 @!p0 $0xF7A, s2;
	p2 =	seq.s32 @!p0 s5, $0x0  }
0x1f: {  	s9 =	smul.u32 $0xF7A, s1;
	s8 =	simm.s32 @!p0 $0x1BF5;
	p2 =	por !p2, p0  }
0x20: {  	[sflag:s8] =	ssyncset.s32 @!p0 $0xFFFFF086;
	s6 =	sadd.s32 @!p0 s3, s7;
	s7 =	simm.s32 @!p0 $0x108  }
0x21: {  	s3 =	sadd.s32 s3, s9;
	s6 =	sadd.s32 @!p0 $0x88, s6;
	s7 =	simm.s32 @p2 $0x1082  }
0x22: {  	[simem:s7], [sflag:s8] =	dma.local @!p0 [hbm:s6], $0xF7A  }
0x23: {  	s9 =	sor.u32 $0xD0000000, s2;
	s6 =	simm.s32 $0x108;
	_ =	swait.ge @!p0 [sflag:s8], $0x0  }
0x24: {  	s3 =	sadd.s32 $0x88, s3;
	s6 =	simm.s32 @!p1 $0x1082;
	[sflag:s4] =	ssyncset.s32 $0xFFFFF086  }
0x25: {  	[simem:s6], [sflag:s4] =	dma.local [hbm:s3], $0xF7A  }
0x26: {  	[smem:$0x3F9B] =	sst s1;
	(tag) =	ssettag s2;
	_ =	strace s9  }
0x27: {  	s1 =	sld [smem:$0x3FAB]  }
0x28: {  	s2 =	sld [smem:$0x3FAC]  }
0x29: {  	s4 =	sld [smem:$0x3FAE]  }
0x2a: {  	p0 =	seq.s32 s5, $0x0;
	s5 =	sld [smem:$0x3FAF]  }
0x2b: {  	s6 =	sld [smem:$0x3FB0]  }
0x2c: {  	s7 =	sld [smem:$0x3FB1]  }
0x2d: {  	s3 =	simm.s32 $0x108;
	s8 =	sld [smem:$0x3FB2]  }
0x2e: {  	s3 =	simm.s32 @!p0 $0x1082;
	s9 =	sld [smem:$0x3FB3]  }
0x2f: {  	lr =	sadd.s32 s0, s3;
	s0 =	sld [smem:$0x3FAA]  }
0x30: {  	s3 =	sld [smem:$0x3FAD]  }
0x31: {  	[smem:$0x3FB6] =	sst s10  }
0x32: {  	s10 =	sld [smem:$0x3FB4];
	_ =	sdelay $0x3  }
0x33: {  	p0 =	seq.s32 s10, $0x1;
	s10 =	sld [smem:$0x3FB6];
	_ =	sdelay $0x3  }
0x34: {  	[smem:$0x3FB6] =	sst s10  }
0x35: {  	s10 =	sld [smem:$0x3FB5];
	_ =	sdelay $0x3  }
0x36: {  	p1 =	seq.s32 s10, $0x1;
	s10 =	sld [smem:$0x3FB6];
	_ =	sdelay $0x3  }
0x37: {  	[smem:$0x3FB6] =	sst s10  }
0x38: {  	s10 =	sld [smem:$0x3FB7]  }
0x39: {  	_ = 	snop;
	(pc) =	sbr.ind lr, $3  }
0x3a: {  	_ = 	snop  }
0x3b: {  	_ = 	snop  }
0x3c: {  	p2 =	seq.s32 s10, $0x1;
	s10 =	sld [smem:$0x3FB6]  }
0x3d: {  	_ =	shalt  }
0x3e: {  	_ =	shalt  }
0x3f: {  	_ =	shalt  }
0x40: {  	_ =	shalt  }
0x41: {  	_ =	shalt  }
0x42: {  	_ =	shalt  }
0x43: {  	_ =	shalt  }
0x44: {  	_ =	shalt  }
0x45: {  	_ =	shalt  }
0x46: {  	_ =	shalt  }
0x47: {  	_ =	shalt  }
0x48: {  	_ =	shalt  }
0x49: {  	_ =	shalt  }
0x4a: {  	_ =	shalt  }
0x4b: {  	_ =	shalt  }
0x4c: {  	_ =	shalt  }
0x4d: {  	_ =	shalt  }
0x4e: {  	_ =	shalt  }
0x4f: {  	_ =	shalt  }
0x50: {  	_ =	shalt  }
0x51: {  	_ =	shalt  }
0x52: {  	_ =	shalt  }
0x53: {  	_ =	shalt  }
0x54: {  	_ =	shalt  }
0x55: {  	_ =	shalt  }
0x56: {  	_ =	shalt  }
0x57: {  	_ =	shalt  }
0x58: {  	_ =	shalt  }
0x59: {  	_ =	shalt  }
0x5a: {  	_ =	shalt  }
0x5b: {  	_ =	shalt  }
0x5c: {  	_ =	shalt  }
0x5d: {  	_ =	shalt  }
0x5e: {  	_ =	shalt  }
0x5f: {  	_ =	shalt  }
0x60: {  	_ =	shalt  }
0x61: {  	_ =	shalt  }
0x62: {  	_ =	shalt  }
0x63: {  	_ =	shalt  }
0x64: {  	_ =	shalt  }
0x65: {  	_ =	shalt  }
0x66: {  	_ =	shalt  }
0x67: {  	_ =	shalt  }
0x68: {  	_ =	shalt  }
0x69: {  	_ =	shalt  }
0x6a: {  	_ =	shalt  }
0x6b: {  	_ =	shalt  }
0x6c: {  	_ =	shalt  }
0x6d: {  	_ =	shalt  }
0x6e: {  	_ =	shalt  }
0x6f: {  	_ =	shalt  }
0x70: {  	_ =	shalt  }
0x71: {  	_ =	shalt  }
0x72: {  	_ =	shalt  }
0x73: {  	_ =	shalt  }
0x74: {  	_ =	shalt  }
0x75: {  	_ =	shalt  }
0x76: {  	_ =	shalt  }
0x77: {  	_ =	shalt  }
0x78: {  	_ =	shalt  }
0x79: {  	_ =	shalt  }
0x7a: {  	_ =	shalt  }
0x7b: {  	_ =	shalt  }
0x7c: {  	_ =	shalt  }
0x7d: {  	_ =	shalt  }
0x7e: {  	_ =	shalt  }
0x7f: {  	_ =	shalt  }
0x80: {  	_ =	shalt  }
0x81: {  	_ =	shalt  }
0x82: {  	_ =	shalt  }
0x83: {  	_ =	shalt  }
0x84: {  	_ =	shalt  }
0x85: {  	_ =	shalt  }
0x86: {  	_ =	shalt  }
0x87: {  	_ =	shalt  }
.Lfunc_end0:
.L_simem_size_0:
called_computation_lowered:
.L_overlay_start_0:
0x88: {  	s2 =	sld [smem:$0x3FD9]  }
0x89: {  	s3 =	sld [smem:$0x3FFE];
	_ =	sdelay $0x1  }
0x8a: {  	s1 =	srdreg.scid  }
0x8b: {  	s0 =	sand.u32 $0x1, s1  }
0x8c: {  	s14 =	sshll.u32 s0, $0xA;
	s2 =	sadd.s32 s3, s2  }
0x8d: {  	s2 =	sadd.s32 s2, s14  }
0x8e: {  	[smem:$0x3FC2] =	sst s2  }
0x8f: {  	_ = 	snop  }
0x90: {  	s2 =	sld [smem:$0x3FD0];
	_ =	sdelay $0x2  }
0x91: {  	s4 =	simm.s32 $0xA;
	s5 =	simm.s32 $0x10;
	s15 =	sld [smem:$0x3FC9]  }
0x92: {  	[smem:s5], [sflag:s4] =	dma.local [hbm:s2], $0x1  }
0x93: {  	_ =	swait.eq [sflag:s4], $0x1  }
0x94: {  	[sflag:s4] =	ssyncset.done $0x0  }
0x95: {  	[sflag:s4] =	ssyncadd.s32 $0xFFFFFFFF  }
0x96: {  	s16 =	sld [smem:$0x10];
	(tm) =	ssettm $0x1  }
0x97: {  	s17 =	sld [smem:$0x3FFB];
	_ =	sdelay $0x3  }
0x98: {  	_ =	strace s17  }
0x99: {  	s4 =	sld [smem:$0x3FFC];
	_ =	sdelay $0x3  }
0x9a: {  	_ =	strace s4  }
0x9b: {  	s4 =	sld [smem:$0x3FFD];
	_ =	sdelay $0x3  }
0x9c: {  	_ =	strace s4  }
0x9d: {  	_ =	strace $0x8FFFFFFF  }
0x9e: {  	s18 =	sld [smem:$0x3FDB];
	_ =	sdelay $0x1  }
0x9f: {  	s19 =	simm.s32 $_scs_section_size  }
0xa0: {  	s6 =	simm.s32 $_size__tile_overlayer_lowered;
	s7 =	simm.s32 $_tile_overlayer_lowered  }
0xa1: {  	s22 =	simm.s32 $0x1BFF;
	s21 =	sshll.u32 s7, $0x1;
	s4 =	sadd.s32 s19, s18  }
0xa2: {  	s8 =	simm.s32 $0x0;
	s20 =	sshll.u32 s6, $0x1;
	s6 =	sadd.s32 s21, s4  }
0xa3: {  	[timem:s8], [sflag:s22] =	dma.local [hbm:s6], s20  }
0xa4: {  	_ =	swait.ge [sflag:s22], s20  }
0xa5: {  	s5 =	ssub.s32 $0x0, s20;
	[sflag:s22] =	ssyncset.done $0x0  }
0xa6: {  	[sflag:s22] =	ssyncadd.s32 s5;
	_ =	sdelay $0x1  }
0xa7: {  	s23 =	simm.s32 $0x1B8B  }
0xa8: {  	_ =	swait.ge [sflag:s23], $0x1  }
0xa9: {  	[sflag:s23] =	ssyncset.done $0x0  }
0xaa: {  	s25 =	simm.s32 $0x1B8E;
	s24 =	sld [smem:$0x3FFE];
	[sflag:s23] =	ssyncadd.s32 $0xFFFFFFFF  }
0xab: {  	s26 =	simm.s32 $execute0_lowered;
	[smem:$0x3FD2] =	sst s25  }
0xac: {  	s6 =	sshll.u32 s26, $0x1;
	_ =	strace $0x80000046;
	[dreg:$0x1] =	wrdreg $0xFFFFFFFF  }
0xad: {  	s28 =	simm.s32 $_size_execute0_lowered;
	s4 =	sadd.s32 s4, s6;
	[dreg:$0x0] =	wrdreg $0x0  }
0xae: {  	s6 =	sshll.u32 s28, $0x1;
	[dreg:$0x2] =	wrdreg s4  }
0xaf: {  	[dreg:$0x3] =	wrdreg s6  }
0xb0: {  	[dreg:$0x4] =	wrdreg $0xC0  }
0xb1: {  	_ =	task [dreg:s8], $0x5FFFF  }
0xb2: {  	[dreg:$0x1] =	wrdreg $0xFFFFFFFF  }
0xb3: {  	[dreg:$0x0] =	wrdreg $0x60  }
0xb4: {  	[dreg:$0x2] =	wrdreg s15  }
0xb5: {  	[dreg:$0x3] =	wrdreg s24  }
0xb6: {  	[dreg:$0x4] =	wrdreg s16  }
0xb7: {  	[dreg:$0x5] =	wrdreg $0x5C000  }
0xb8: {  	[dreg:$0x6] =	wrdreg $0x9  }
0xb9: {  	_ =	task.clear_ibuf [dreg:s8], $0x7FFFF;
	_ =	strace $0x90000046  }
0xba: {  	s29 =	simm.s32 $0x9;
	_ =	strace $0x80000048  }
0xbb: {  	_ =	swait.ge [sflag:s29], $0x1  }
0xbc: {  	[sflag:s29] =	ssyncadd.s32 $0xFFFFFFFF  }
0xbd: {  	_ =	strace $0x90000048  }
0xbe: {  	_ =	sfence  }
0xbf: {  	s30 =	sld [smem:$0x0];
	_ =	sdelay $0x2  }
0xc0: {  	s31 =	sshll.u32 s1, $0xD;
	s1 =	sshrl.u32 s1, $0x2  }
0xc1: {  	s3 =	sand.u32 $0x4000, s31;
	s1 =	sadd.s32 s1, s30  }
0xc2: {  	s0 =	sor.u32 s3, s0;
	s1 =	sshll.u32 s1, $0x11  }
0xc3: {  	s0 =	sor.u32 s1, s0  }
0xc4: {  	s0 =	sadd.s32 $0x8F2B, s0  }
0xc5: {  	[sflag:s0] =	ssyncadd.remote.s32 $0x1  }
0xc6: {  	_ =	sfence.sel $0xFFFF  }
0xc7: {  	[dreg:$0x0] =	wrdreg $0xFFFFFFFF;
	(pc) =	sbr.abs _section_cstart, $3  }
0xc8: {  	[dreg:$0x1] =	wrdreg $0xFFFFFFFF  }
0xc9: {  	_ =	task.clear_ibuf [dreg:s8], $0x2FFFF;
	_ =	strace $0x9FFFFFFF  }
0xca: {  	(tm) =	ssettm $0x7FFFFFFF  }
0xcb: {  	_ =	shalt  }
tec
execute0_lowered:
.L_overlay_start_1:
0x0: {  	(tag) =	ssettag $0x1  }
0x1: {  	s1 =	rddreg [dreg:$0x0]  }
0x2: {  	s0 =	rddreg [dreg:$0x1]  }
0x3: {  	s2 =	rddreg [dreg:$0x2]  }
0x4: {  	s3 =	rddreg [dreg:$0x3];
	s5 =	srdreg.scid  }
0x5: {  	s4 =	simm.s32 $0x0;
	s16 =	stileid.u32;
	s31 =	simm.s32 $0x200  }
0x6: {  	s28 =	simm.s32 $0x0;
	s5 =	sand.u32 $0x1, s5;
	s21 =	smul.u32 $0x270, s16  }
0x7: {  	[smem:$0x7FF] =	sst s4;
	s17 =	sadd.s32 $0x1400, s0;
	s11 =	smul.u32 $0x4E000, s16  }
0x8: {  	s8 =	sadd.s32 $0x59400, s0;
	s0 =	sadd.s32 $0xB200, s0;
	s26 =	smul.u32 $0x2710, s16  }
0x9: {  	p0 =	sne.s32 s16, $0x0;
	s6 =	sshll.u32 s5, $0x4;
	s13 =	smul.u32 $0x2710, s5  }
0xa: {  	_ =	strace $0x80000047;
	s7 =	ssub.s32 $0x2, s5;
	s15 =	smul.u32 $0x138800, s5  }
0xb: {  	s5 =	smul.u32 $0x27100, s5;
	[dreg:$0x18] =	wrdreg s17;
	s6 =	sor.u32 s16, s6  }
0xc: {  	s9 =	sshrl.u32 s7, $0x1;
	s11 =	sshrl.u32 s11, $0x2;
	s16 =	simm.s32 $0x50  }
0xd: {  	s6 =	smul.u32 $0x2710, s6;
	s7 =	ssub.s32 s7, s9;
	s11 =	sadd.s32 s11, s3  }
0xe: {  	s9 =	sadd.s32 s21, s13;
	s24 =	sshrl.u32 s15, $0x3;
	s5 =	sadd.s32 s26, s5  }
0xf: {  	s9 =	sshll.u32 s9, $0x4;
	s13 =	sadd.s32 $0x27000, s24;
	s15 =	smax.u32 s7, $0x1  }
0x10: {  	s19 =	sadd.s32 $0x1E0, s5;
	s6 =	sshrl.u32 s6, $0x3;
	s29 =	sadd.s32 s8, s9  }
0x11: {  	s8 =	sadd.s32 s8, s13;
	[dreg:$0x11] =	wrdreg s15;
	s25 =	sadd.s32 s2, s6  }
0x12: {  	s10 =	sadd.s32 $0xA, s6;
	s22 =	sadd.s32 $0x14, s6;
	[dreg:$0x9] =	wrdreg s29  }
0x13: {  	s14 =	sadd.s32 $0x1E, s6;
	[dreg:$0xa] =	wrdreg s8;
	s6 =	sadd.s32 s17, s6  }
0x14: {  	s20 =	sadd.s32 $0x190, s5;
	s29 =	sadd.s32 $0x138000, s3;
	[dreg:$0xb] =	wrdreg s6  }
0x15: {  	s7 =	sshrl.u32 s20, $0x3;
	s15 =	simm.s32 $0x1;
	[dreg:$0x16] =	wrdreg s29  }
0x16: {  	s20 =	simm.s32 $0x4;
	s12 =	sadd.s32 s2, s10;
	[dreg:$0x5] =	wrdreg s25  }
0x17: {  	s26 =	sadd.s32 s7, s2;
	s18 =	sadd.s32 s2, s22;
	[dreg:$0x6] =	wrdreg s12  }
0x18: {  	s23 =	sadd.s32 s2, s14;
	s30 =	sadd.s32 s17, s10;
	[dreg:$0x7] =	wrdreg s18  }
0x19: {  	s8 =	sadd.s32 s17, s22;
	s10 =	sadd.s32 s17, s14;
	[dreg:$0x8] =	wrdreg s23  }
0x1a: {  	s14 =	sadd.s32 $0x230, s5;
	s6 =	sshrl.u32 s19, $0x3;
	[dreg:$0xc] =	wrdreg s30  }
0x1b: {  	s5 =	sadd.s32 $0x140, s5;
	s19 =	simm.s32 $0x3;
	[dreg:$0xd] =	wrdreg s8  }
0x1c: {  	[dreg:$0xe] =	wrdreg s10;
	s12 =	sadd.s32 s0, s9;
	s0 =	sadd.s32 s0, s13  }
0x1d: {  	s18 =	sshrl.u32 s14, $0x3;
	[dreg:$0x12] =	wrdreg s5;
	s24 =	sadd.s32 s6, s2  }
0x1e: {  	s22 =	sadd.s32 s6, s17;
	s23 =	sadd.s32 s7, s17;
	s30 =	sadd.s32 $0x4D8, s25  }
0x1f: {  	s5 =	simm.s32 $0x300;
	s13 =	simm.s32 $0x5400;
	[dreg:$0xf] =	wrdreg s12  }
0x20: {  	s14 =	simm.s32 $0x7;
	s8 =	simm.s32 $0x100;
	[dreg:$0x10] =	wrdreg s0  }
.Ltmp0:
0x21: {  	s7 =	simm.s32 $0x180;
	[dreg:$0x14] =	wrdreg s22;
	(pc) =	sbr.rel .LBB2_1-.Ltmp0, $4  }
0x22: {  	s9 =	simm.s32 $0x2C00;
	s10 =	simm.s32 $0x5;
	[dreg:$0x15] =	wrdreg s23  }
0x23: {  	s21 =	sadd.s32 s18, s2;
	s0 =	sadd.s32 s18, s17;
	[dreg:$0x17] =	wrdreg s30  }
0x24: {  	s12 =	simm.s32 $0x380;
	s17 =	simm.s32 $0x400;
	s18 =	simm.s32 $0x2  }
0x25: {  	v0 =	vimm.f32 $0.0e+00;
	v1 =	vimm.f32 $1.000000000e+00;
	s22 =	simm.s32 $0x6;
	[dreg:$0x13] =	wrdreg s0;
	s0 =	simm.s32 $0x280  }
.LBB2_14:
0x26: {  	_ =	swait.ge [sflag:s22], $0x2800  }
0x27: {  	[sflag:s22] =	ssyncset.done $0x0  }
0x28: {  	[sflag:s22] =	ssyncadd.s32 $0xFFFFD800  }
0x29: {  	[spmem:s3] =	stream.indirect.scatter.add.f32 [tilespmem:s9], [sflag:$0x7], $0x80, s12, s16, $0xb8;
	[tilespmem:$0x19480] =	vst v63  }
0x2a: {  	_ =	swait.ge [sflag:s14], $0x2800  }
0x2b: {  	[sflag:s14] =	ssyncset.done $0x0  }
0x2c: {  	[sflag:s14] =	ssyncadd.s32 $0xFFFFD800  }
0x2d: {  	_ =	swait.ge [sflag:s10], $0x2800  }
0x2e: {  	[sflag:s10] =	ssyncset.done $0x0  }
0x2f: {  	[sflag:s10] =	ssyncadd.s32 $0xFFFFD800  }
0x30: {  	[spmem:s3] =	stream.indirect.scatter.add.f32 [tilespmem:s17], [sflag:$0x7], $0x80, s31, s16, $0xb8;
	[tilespmem:$0x19480] =	vst v63  }
0x31: {  	_ =	swait.ge [sflag:s14], $0x2800  }
0x32: {  	[sflag:s14] =	ssyncset.done $0x0  }
0x33: {  	[sflag:s14] =	ssyncadd.s32 $0xFFFFD800  }
0x34: {  	[bflag:$0x0] =	sbarrier.arrive $0xFFFF  }
0x35: {  	s6 =	rddreg [dreg:$0xf]  }
0x36: {  	s23 =	rddreg [dreg:$0x1a]  }
0x37: {  	s25 =	rddreg [dreg:$0x1b]  }
0x38: {  	[hbm:s6], [sflag:s23] =	dma.local [spmem:s25], $0x2700  }
0x39: {  	_ =	swait.ge [sflag:s14], $0x2700  }
0x3a: {  	[sflag:s14] =	ssyncset.done $0x0;
	s6 =	rddreg [dreg:$0x10]  }
0x3b: {  	s25 =	rddreg [dreg:$0x1c];
	[sflag:s14] =	ssyncadd.s32 $0xFFFFD900  }
0x3c: {  	[hbm:s6], [sflag:s23] =	dma.local @!p0 [spmem:s25], $0x100  }
0x3d: {  	s6 =	simm.s32 @!p0 $0x7  }
0x3e: {  	_ =	swait.ge @!p0 [sflag:s6], $0x100  }
0x3f: {  	s28 =	rddreg [dreg:$0x19]  }
0x40: {  	s30 =	rddreg [dreg:$0x11];
	s28 =	sadd.s32 $0x1, s28  }
0x41: {  	p1 =	sne.s32 s28, s30  }
.Ltmp1:
0x42: {  	_ = 	snop;
	(pc) =	sbr.rel @!p1 .LBB2_15-.Ltmp1, $3  }
0x43: {  	_ =	sdelay $0x1  }
0x44: {  	[sflag:s6] =	ssyncset.done @!p0 $0x0  }
0x45: {  	s25 =	rddreg [dreg:$0x5];
	[sflag:s6] =	ssyncadd.s32 @!p0 $0xFFFFFF00  }
.LBB2_1:
0x46: {  	[tilespmem:s31], [sflag:$0x1] =	stream.linear.gather [hbm4b:s25+s4], $0x50, $0x38;
	[tilespmem:$0x19480] =	vst v63  }
0x47: {  	s6 =	rddreg [dreg:$0x6]  }
0x48: {  	[tilespmem:s0], [sflag:$0x2] =	stream.linear.gather [hbm4b:s6+s4], $0x50, $0x38;
	[tilespmem:$0x19480] =	vst v63  }
0x49: {  	s23 =	rddreg [dreg:$0x7]  }
0x4a: {  	[tilespmem:s5], [sflag:$0x3] =	stream.linear.gather [hbm4b:s23+s4], $0x50, $0x38;
	[tilespmem:$0x19480] =	vst v63  }
0x4b: {  	s30 =	rddreg [dreg:$0x8];
	s29 =	simm.s32 $0x200;
	s6 =	simm.s32 $0x0  }
0x4c: {  	[tilespmem:s12], [sflag:$0x4] =	stream.linear.gather [hbm4b:s30+s4], $0x50, $0x38;
	[tilespmem:$0x19480] =	vst v63  }
.LBB2_2:
0x4d: {  	p1 =	sne.s32 s29, $0x1E00;
	[tilespmem:s6+$0x5470] =	vst v0  }
0x4e: {  	[tilespmem:s6+$0x5400] =	vst v0  }
0x4f: {  	[tilespmem:s6+$0x5410] =	vst v0  }
.Ltmp2:
0x50: {  	[tilespmem:s6+$0x5420] =	vst v0;
	(pc) =	sbr.rel @p1 .LBB2_2-.Ltmp2, $4  }
0x51: {  	[tilespmem:s6+$0x5430] =	vst v0  }
0x52: {  	[tilespmem:s6+$0x5440] =	vst v0  }
0x53: {  	[tilespmem:s6+$0x5450] =	vst v0  }
0x54: {  	[tilespmem:s6+$0x5460] =	vst v0;
	s6 =	sshra.s32 s29, $0x2;
	s29 =	sadd.s32 $0x200, s29  }
0x55: {  	[tilespmem:s6+$0x5470] =	vst v0  }
0x56: {  	[tilespmem:s6+$0x5400] =	vst v0  }
0x57: {  	[tilespmem:s6+$0x5410] =	vst v0  }
0x58: {  	[tilespmem:s6+$0x5420] =	vst v0  }
0x59: {  	[tilespmem:s6+$0x5430] =	vst v0  }
0x5a: {  	[tilespmem:s6+$0x5440] =	vst v0  }
0x5b: {  	[tilespmem:s6+$0x5450] =	vst v0  }
0x5c: {  	[tilespmem:s6+$0x5460] =	vst v0;
	s6 =	simm.s32 $0x70;
	s29 =	simm.s32 $0x3C0  }
.LBB2_4:
0x5d: {  	p1 =	sne.s32 s29, $0x9FC0;
	[tilespmem:s6+$0x400] =	vst v1  }
0x5e: {  	[tilespmem:s6+$0x390] =	vst v1  }
0x5f: {  	[tilespmem:s6+$0x3A0] =	vst v1  }
.Ltmp3:
0x60: {  	[tilespmem:s6+$0x3B0] =	vst v1;
	(pc) =	sbr.rel @p1 .LBB2_4-.Ltmp3, $4  }
0x61: {  	[tilespmem:s6+$0x3C0] =	vst v1  }
0x62: {  	[tilespmem:s6+$0x3D0] =	vst v1  }
0x63: {  	[tilespmem:s6+$0x3E0] =	vst v1  }
0x64: {  	[tilespmem:s6+$0x3F0] =	vst v1;
	s6 =	sshra.s32 s29, $0x2;
	s29 =	sadd.s32 $0x200, s29  }
0x65: {  	[tilespmem:s6+$0x400] =	vst v1  }
0x66: {  	[tilespmem:s6+$0x390] =	vst v1  }
0x67: {  	[tilespmem:s6+$0x3A0] =	vst v1  }
0x68: {  	[tilespmem:s6+$0x3B0] =	vst v1  }
0x69: {  	[tilespmem:s6+$0x3C0] =	vst v1  }
0x6a: {  	[tilespmem:s6+$0x3D0] =	vst v1  }
0x6b: {  	[tilespmem:s6+$0x3E0] =	vst v1  }
0x6c: {  	[tilespmem:s6+$0x3F0] =	vst v1;
	s30 =	sadd.s32 $0x0, s11  }
0x6d: {  	[spmem:s30] =	stream.linear.scatter [tilespmem:s13], [sflag:$0x7], $0x800, $0x38;
	[tilespmem:$0x19480] =	vst v63  }
0x6e: {  	s6 =	simm.s32 $0x2000;
	_ =	swait.ge [sflag:s14], $0x800  }
.LBB2_6:
0x6f: {  	s29 =	sshra.s32 s6, $0x2;
	[sflag:s14] =	ssyncset.done $0x0;
	p1 =	sne.s32 s6, $0x4C000  }
.Ltmp4:
0x70: {  	s29 =	sadd.s32 s29, s11;
	[sflag:s14] =	ssyncadd.s32 $0xFFFFF800;
	(pc) =	sbr.rel @p1 .LBB2_6-.Ltmp4, $3  }
0x71: {  	[spmem:s29] =	stream.linear.scatter [tilespmem:s13], [sflag:$0x7], $0x800, $0x38;
	[tilespmem:$0x19480] =	vst v63  }
0x72: {  	s6 =	sadd.s32 $0x2000, s6;
	_ =	sdelay $0x1  }
0x73: {  	_ =	swait.ge [sflag:s14], $0x800  }
0x74: {  	[sflag:s14] =	ssyncset.done $0x0  }
0x75: {  	s6 =	simm.s32 @!p0 $0x5400;
	s23 =	rddreg [dreg:$0x16];
	[sflag:s14] =	ssyncadd.s32 $0xFFFFF800  }
0x76: {  	[spmem:s23] =	stream.linear.scatter @!p0 [tilespmem:s6], [sflag:$0x7], $0x800, $0x38;
	[tilespmem:$0x19480] =	vst v63  }
0x77: {  	[dreg:$0x19] =	wrdreg s28;
	s6 =	simm.s32 @!p0 $0x7  }
0x78: {  	_ =	swait.ge @!p0 [sflag:s6], $0x800  }
0x79: {  	[sflag:s6] =	ssyncset.done @!p0 $0x0  }
0x7a: {  	[sflag:s6] =	ssyncadd.s32 @!p0 $0xFFFFF800  }
0x7b: {  	[bflag:$0x0] =	sbarrier.arrive $0xFFFF  }
0x7c: {  	_ =	swait.ge [sflag:s15], $0x50  }
0x7d: {  	[sflag:s15] =	ssyncset.done $0x0  }
0x7e: {  	[sflag:s15] =	ssyncadd.s32 $0xFFFFFFB0  }
0x7f: {  	[spmem:s3] =	stream.indirect.scatter.add.f32 [tilespmem:s17], [sflag:$0x7], $0x80, s31, s16, $0xb8;
	[tilespmem:$0x19480] =	vst v63  }
0x80: {  	_ =	swait.ge [sflag:s14], $0x2800  }
0x81: {  	s23 =	rddreg [dreg:$0x12]  }
0x82: {  	[sflag:s14] =	ssyncset.done $0x0;
	s28 =	sshrl.u32 s23, $0x3  }
0x83: {  	[sflag:s14] =	ssyncadd.s32 $0xFFFFD800;
	s6 =	sadd.s32 s2, s28  }
0x84: {  	[tilespmem:s31], [sflag:$0x1] =	stream.linear.gather [hbm4b:s6+s4], $0x50, $0x38;
	[tilespmem:$0x19480] =	vst v63  }
0x85: {  	_ =	swait.ge [sflag:s18], $0x50  }
0x86: {  	[sflag:s18] =	ssyncset.done $0x0  }
0x87: {  	[sflag:s18] =	ssyncadd.s32 $0xFFFFFFB0  }
0x88: {  	[spmem:s3] =	stream.indirect.scatter.add.f32 [tilespmem:s17], [sflag:$0x7], $0x80, s0, s16, $0xb8;
	[tilespmem:$0x19480] =	vst v63  }
0x89: {  	_ =	swait.ge [sflag:s14], $0x2800  }
0x8a: {  	[sflag:s14] =	ssyncset.done $0x0  }
0x8b: {  	s28 =	sadd.s32 $0x0, s26;
	[sflag:s14] =	ssyncadd.s32 $0xFFFFD800  }
0x8c: {  	[tilespmem:s0], [sflag:$0x2] =	stream.linear.gather [hbm4b:s28+s4], $0x50, $0x38;
	[tilespmem:$0x19480] =	vst v63  }
0x8d: {  	_ =	swait.ge [sflag:s19], $0x50  }
0x8e: {  	[sflag:s19] =	ssyncset.done $0x0  }
0x8f: {  	[sflag:s19] =	ssyncadd.s32 $0xFFFFFFB0  }
0x90: {  	[spmem:s3] =	stream.indirect.scatter.add.f32 [tilespmem:s17], [sflag:$0x7], $0x80, s5, s16, $0xb8;
	[tilespmem:$0x19480] =	vst v63  }
0x91: {  	_ =	swait.ge [sflag:s14], $0x2800  }
0x92: {  	[sflag:s14] =	ssyncset.done $0x0  }
0x93: {  	s28 =	sadd.s32 $0x0, s24;
	[sflag:s14] =	ssyncadd.s32 $0xFFFFD800  }
0x94: {  	[tilespmem:s5], [sflag:$0x3] =	stream.linear.gather [hbm4b:s28+s4], $0x50, $0x38;
	[tilespmem:$0x19480] =	vst v63  }
0x95: {  	_ =	swait.ge [sflag:s20], $0x50  }
0x96: {  	[sflag:s20] =	ssyncset.done $0x0  }
0x97: {  	[sflag:s20] =	ssyncadd.s32 $0xFFFFFFB0  }
0x98: {  	[spmem:s3] =	stream.indirect.scatter.add.f32 [tilespmem:s17], [sflag:$0x7], $0x80, s12, s16, $0xb8;
	[tilespmem:$0x19480] =	vst v63  }
0x99: {  	_ =	swait.ge [sflag:s14], $0x2800  }
0x9a: {  	s29 =	simm.s32 $0x28;
	[sflag:s14] =	ssyncset.done $0x0  }
0x9b: {  	s30 =	sadd.s32 $0x140, s23;
	s6 =	sadd.s32 $0x0, s21;
	[sflag:s14] =	ssyncadd.s32 $0xFFFFD800  }
.LBB2_8:
0x9c: {  	[tilespmem:s12], [sflag:$0x4] =	stream.linear.gather [hbm4b:s6+s4], $0x50, $0x38;
	[tilespmem:$0x19480] =	vst v63  }
0x9d: {  	s6 =	smov.u32 s29  }
0x9e: {  	p1 =	sne.s32 s29, $0x488;
	s29 =	sadd.s32 $0x28, s29;
	_ =	swait.ge [sflag:s15], $0x50  }
0x9f: {  	[sflag:s15] =	ssyncset.done $0x0  }
0xa0: {  	[sflag:s15] =	ssyncadd.s32 $0xFFFFFFB0  }
0xa1: {  	[spmem:s3] =	stream.indirect.scatter.add.f32 [tilespmem:s17], [sflag:$0x7], $0x80, s31, s16, $0xb8;
	[tilespmem:$0x19480] =	vst v63  }
0xa2: {  	_ =	swait.ge [sflag:s14], $0x2800  }
0xa3: {  	s23 =	sshrl.u32 s30, $0x3;
	[sflag:s14] =	ssyncset.done $0x0  }
0xa4: {  	s23 =	sadd.s32 s2, s23;
	[sflag:s14] =	ssyncadd.s32 $0xFFFFD800  }
0xa5: {  	[tilespmem:s31], [sflag:$0x1] =	stream.linear.gather [hbm4b:s23+s4], $0x50, $0x38;
	[tilespmem:$0x19480] =	vst v63  }
0xa6: {  	_ =	swait.ge [sflag:s18], $0x50  }
0xa7: {  	[sflag:s18] =	ssyncset.done $0x0  }
0xa8: {  	[sflag:s18] =	ssyncadd.s32 $0xFFFFFFB0  }
0xa9: {  	[spmem:s3] =	stream.indirect.scatter.add.f32 [tilespmem:s17], [sflag:$0x7], $0x80, s0, s16, $0xb8;
	[tilespmem:$0x19480] =	vst v63  }
0xaa: {  	_ =	swait.ge [sflag:s14], $0x2800  }
0xab: {  	[sflag:s14] =	ssyncset.done $0x0  }
0xac: {  	s23 =	sadd.s32 s6, s26;
	[sflag:s14] =	ssyncadd.s32 $0xFFFFD800  }
0xad: {  	[tilespmem:s0], [sflag:$0x2] =	stream.linear.gather [hbm4b:s23+s4], $0x50, $0x38;
	[tilespmem:$0x19480] =	vst v63  }
0xae: {  	_ =	swait.ge [sflag:s19], $0x50  }
0xaf: {  	[sflag:s19] =	ssyncset.done $0x0  }
0xb0: {  	[sflag:s19] =	ssyncadd.s32 $0xFFFFFFB0  }
0xb1: {  	[spmem:s3] =	stream.indirect.scatter.add.f32 [tilespmem:s17], [sflag:$0x7], $0x80, s5, s16, $0xb8;
	[tilespmem:$0x19480] =	vst v63  }
0xb2: {  	_ =	swait.ge [sflag:s14], $0x2800  }
0xb3: {  	[sflag:s14] =	ssyncset.done $0x0  }
0xb4: {  	s23 =	sadd.s32 s6, s24;
	[sflag:s14] =	ssyncadd.s32 $0xFFFFD800  }
0xb5: {  	[tilespmem:s5], [sflag:$0x3] =	stream.linear.gather [hbm4b:s23+s4], $0x50, $0x38;
	[tilespmem:$0x19480] =	vst v63  }
0xb6: {  	_ =	swait.ge [sflag:s20], $0x50  }
0xb7: {  	[sflag:s20] =	ssyncset.done $0x0  }
.Ltmp5:
0xb8: {  	[sflag:s20] =	ssyncadd.s32 $0xFFFFFFB0;
	(pc) =	sbr.rel @p1 .LBB2_8-.Ltmp5, $4  }
0xb9: {  	[spmem:s3] =	stream.indirect.scatter.add.f32 [tilespmem:s17], [sflag:$0x7], $0x80, s12, s16, $0xb8;
	[tilespmem:$0x19480] =	vst v63  }
0xba: {  	_ =	swait.ge [sflag:s14], $0x2800  }
0xbb: {  	[sflag:s14] =	ssyncset.done $0x0  }
0xbc: {  	s30 =	sadd.s32 $0x140, s30;
	s6 =	sadd.s32 s6, s21;
	[sflag:s14] =	ssyncadd.s32 $0xFFFFD800  }
0xbd: {  	[tilespmem:s12], [sflag:$0x4] =	stream.linear.gather [hbm4b:s6+s4], $0x50, $0x38;
	[tilespmem:$0x19480] =	vst v63  }
0xbe: {  	_ =	swait.ge [sflag:s15], $0x50  }
0xbf: {  	[sflag:s15] =	ssyncset.done $0x0  }
0xc0: {  	[sflag:s15] =	ssyncadd.s32 $0xFFFFFFB0  }
0xc1: {  	[spmem:s3] =	stream.indirect.scatter.add.f32 [tilespmem:s17], [sflag:$0x7], $0x80, s31, s16, $0xb8;
	[tilespmem:$0x19480] =	vst v63  }
0xc2: {  	_ =	swait.ge [sflag:s14], $0x2800  }
0xc3: {  	[sflag:s14] =	ssyncset.done $0x0  }
0xc4: {  	s23 =	rddreg [dreg:$0x17];
	[sflag:s14] =	ssyncadd.s32 $0xFFFFD800  }
0xc5: {  	[tilespmem:s31], [sflag:$0x1] =	stream.linear.gather [hbm4b:s23+s4], $0x50, $0x38;
	[tilespmem:$0x19480] =	vst v63  }
0xc6: {  	_ =	swait.ge [sflag:s18], $0x50  }
0xc7: {  	[sflag:s18] =	ssyncset.done $0x0  }
0xc8: {  	[sflag:s18] =	ssyncadd.s32 $0xFFFFFFB0  }
0xc9: {  	[spmem:s3] =	stream.indirect.scatter.add.f32 [tilespmem:s17], [sflag:$0x7], $0x80, s0, s16, $0xb8;
	[tilespmem:$0x19480] =	vst v63  }
0xca: {  	_ =	swait.ge [sflag:s14], $0x2800  }
0xcb: {  	[sflag:s14] =	ssyncset.done $0x0  }
0xcc: {  	[sflag:s14] =	ssyncadd.s32 $0xFFFFD800  }
0xcd: {  	_ =	swait.ge [sflag:s19], $0x50  }
0xce: {  	[sflag:s19] =	ssyncset.done $0x0  }
0xcf: {  	[sflag:s19] =	ssyncadd.s32 $0xFFFFFFB0  }
0xd0: {  	[spmem:s3] =	stream.indirect.scatter.add.f32 [tilespmem:s17], [sflag:$0x7], $0x80, s5, s16, $0xb8;
	[tilespmem:$0x19480] =	vst v63  }
0xd1: {  	_ =	swait.ge [sflag:s14], $0x2800  }
0xd2: {  	[sflag:s14] =	ssyncset.done $0x0  }
0xd3: {  	[sflag:s14] =	ssyncadd.s32 $0xFFFFD800  }
0xd4: {  	_ =	swait.ge [sflag:s20], $0x50  }
0xd5: {  	[sflag:s20] =	ssyncset.done $0x0  }
0xd6: {  	[sflag:s20] =	ssyncadd.s32 $0xFFFFFFB0  }
0xd7: {  	[spmem:s3] =	stream.indirect.scatter.add.f32 [tilespmem:s17], [sflag:$0x7], $0x80, s12, s16, $0xb8;
	[tilespmem:$0x19480] =	vst v63  }
0xd8: {  	_ =	swait.ge [sflag:s14], $0x2800  }
0xd9: {  	[sflag:s14] =	ssyncset.done $0x0  }
0xda: {  	[sflag:s14] =	ssyncadd.s32 $0xFFFFD800  }
0xdb: {  	_ =	swait.ge [sflag:s15], $0x50  }
0xdc: {  	[sflag:s15] =	ssyncset.done $0x0  }
0xdd: {  	[sflag:s15] =	ssyncadd.s32 $0xFFFFFFB0  }
0xde: {  	[spmem:s3] =	stream.indirect.scatter.add.f32 [tilespmem:s17], [sflag:$0x7], $0x80, s31, s16, $0xb8;
	[tilespmem:$0x19480] =	vst v63  }
0xdf: {  	_ =	swait.ge [sflag:s14], $0x2800  }
0xe0: {  	[sflag:s14] =	ssyncset.done $0x0  }
0xe1: {  	[sflag:s14] =	ssyncadd.s32 $0xFFFFD800  }
0xe2: {  	s29 =	stileid.u32;
	[bflag:$0x0] =	sbarrier.arrive $0xFFFF  }
0xe3: {  	s28 =	sshrl.u32 s11, $0x3;
	s6 =	sshll.u32 s29, $0x6;
	s30 =	rddreg [dreg:$0x9]  }
0xe4: {  	s23 =	sor.u32 $0x1C07, s6;
	[dreg:$0x1b] =	wrdreg s28  }
0xe5: {  	[hbm:s30], [sflag:s23] =	dma.local [spmem:s28], $0x2700  }
0xe6: {  	_ =	swait.ge [sflag:s14], $0x2700;
	[dreg:$0x1a] =	wrdreg s23  }
0xe7: {  	s6 =	rddreg [dreg:$0x16]  }
0xe8: {  	[sflag:s14] =	ssyncset.done $0x0;
	s28 =	sshrl.u32 @!p0 s6, $0x3;
	s6 =	rddreg [dreg:$0xa]  }
0xe9: {  	[sflag:s14] =	ssyncadd.s32 $0xFFFFD900;
	[dreg:$0x1c] =	wrdreg s28  }
0xea: {  	[hbm:s6], [sflag:s23] =	dma.local @!p0 [spmem:s28], $0x100  }
0xeb: {  	s6 =	simm.s32 @!p0 $0x7  }
0xec: {  	_ =	swait.ge @!p0 [sflag:s6], $0x100  }
0xed: {  	[sflag:s6] =	ssyncset.done @!p0 $0x0  }
0xee: {  	s29 =	rddreg [dreg:$0xb];
	[sflag:s6] =	ssyncadd.s32 @!p0 $0xFFFFFF00;
	s6 =	simm.s32 $0x0  }
0xef: {  	[tilespmem:s6], [sflag:$0x1] =	stream.linear.gather [hbm4b:s29+s6], $0x50, $0x38;
	[tilespmem:$0x19480] =	vst v63  }
0xf0: {  	_ = 	snop  }
0xf1: {  	[tilespmem:s31], [sflag:$0x1] =	stream.linear.gather [hbm4b:s25+s6], $0x50, $0x38;
	[tilespmem:$0x19480] =	vst v63  }
0xf2: {  	s30 =	rddreg [dreg:$0xc];
	s25 =	simm.s32 $0x80  }
0xf3: {  	[tilespmem:s25], [sflag:$0x2] =	stream.linear.gather [hbm4b:s30+s6], $0x50, $0x38;
	[tilespmem:$0x19480] =	vst v63  }
0xf4: {  	s29 =	rddreg [dreg:$0x6]  }
0xf5: {  	[tilespmem:s0], [sflag:$0x2] =	stream.linear.gather [hbm4b:s29+s6], $0x50, $0x38;
	[tilespmem:$0x19480] =	vst v63  }
0xf6: {  	s30 =	rddreg [dreg:$0xd]  }
0xf7: {  	[tilespmem:s8], [sflag:$0x3] =	stream.linear.gather [hbm4b:s30+s6], $0x50, $0x38;
	[tilespmem:$0x19480] =	vst v63  }
0xf8: {  	s29 =	rddreg [dreg:$0x7]  }
0xf9: {  	[tilespmem:s5], [sflag:$0x3] =	stream.linear.gather [hbm4b:s29+s6], $0x50, $0x38;
	[tilespmem:$0x19480] =	vst v63  }
0xfa: {  	s30 =	rddreg [dreg:$0xe]  }
0xfb: {  	[tilespmem:s7], [sflag:$0x4] =	stream.linear.gather [hbm4b:s30+s6], $0x50, $0x38;
	[tilespmem:$0x19480] =	vst v63  }
0xfc: {  	s29 =	rddreg [dreg:$0x8]  }
0xfd: {  	[tilespmem:s12], [sflag:$0x4] =	stream.linear.gather [hbm4b:s29+s6], $0x50, $0x38;
	[tilespmem:$0x19480] =	vst v63  }
0xfe: {  	_ =	swait.ge [sflag:s15], $0x50  }
0xff: {  	[sflag:s15] =	ssyncset.done $0x0  }
0x100: {  	[sflag:s15] =	ssyncadd.s32 $0xFFFFFFB0  }
0x101: {  	_ =	swait.ge [sflag:s15], $0x50  }
0x102: {  	[sflag:s15] =	ssyncset.done $0x0  }
0x103: {  	[sflag:s15] =	ssyncadd.s32 $0xFFFFFFB0  }
0x104: {  	[tilespmem:s17], [sflag:$0x5] =	stream.indirect.gather [hbm4b:s1+s16], $0x80, s6, s16, $0xb8;
	[tilespmem:$0x19480] =	vst v63  }
0x105: {  	_ =	swait.ge [sflag:s18], $0x50  }
0x106: {  	[sflag:s18] =	ssyncset.done $0x0  }
0x107: {  	[sflag:s18] =	ssyncadd.s32 $0xFFFFFFB0  }
0x108: {  	_ =	swait.ge [sflag:s18], $0x50  }
0x109: {  	[sflag:s18] =	ssyncset.done $0x0  }
0x10a: {  	[sflag:s18] =	ssyncadd.s32 $0xFFFFFFB0  }
0x10b: {  	[tilespmem:s9], [sflag:$0x6] =	stream.indirect.gather [hbm4b:s1+s16], $0x80, s25, s16, $0xb8;
	[tilespmem:$0x19480] =	vst v63  }
0x10c: {  	s30 =	sadd.s32 $0x0, s11  }
0x10d: {  	[spmem:s30] =	stream.linear.scatter [tilespmem:s13], [sflag:$0x7], $0x800, $0x38;
	[tilespmem:$0x19480] =	vst v63  }
0x10e: {  	s28 =	simm.s32 $0x80;
	s6 =	simm.s32 $0x2000;
	_ =	swait.ge [sflag:s14], $0x800  }
.LBB2_10:
0x10f: {  	s23 =	sshra.s32 s6, $0x2;
	[sflag:s14] =	ssyncset.done $0x0;
	p1 =	sne.s32 s6, $0x4C000  }
.Ltmp6:
0x110: {  	s23 =	sadd.s32 s23, s11;
	[sflag:s14] =	ssyncadd.s32 $0xFFFFF800;
	(pc) =	sbr.rel @p1 .LBB2_10-.Ltmp6, $3  }
0x111: {  	[spmem:s23] =	stream.linear.scatter [tilespmem:s13], [sflag:$0x7], $0x800, $0x38;
	[tilespmem:$0x19480] =	vst v63  }
0x112: {  	s6 =	sadd.s32 $0x2000, s6;
	_ =	sdelay $0x1  }
0x113: {  	_ =	swait.ge [sflag:s14], $0x800  }
0x114: {  	[sflag:s14] =	ssyncset.done $0x0  }
0x115: {  	s6 =	simm.s32 @!p0 $0x5400;
	s23 =	rddreg [dreg:$0x16];
	[sflag:s14] =	ssyncadd.s32 $0xFFFFF800  }
0x116: {  	[spmem:s23] =	stream.linear.scatter @!p0 [tilespmem:s6], [sflag:$0x7], $0x800, $0x38;
	[tilespmem:$0x19480] =	vst v63  }
0x117: {  	s6 =	simm.s32 @!p0 $0x7  }
0x118: {  	_ =	swait.ge @!p0 [sflag:s6], $0x800  }
0x119: {  	[sflag:s6] =	ssyncset.done @!p0 $0x0  }
0x11a: {  	[sflag:s6] =	ssyncadd.s32 @!p0 $0xFFFFF800  }
0x11b: {  	[bflag:$0x0] =	sbarrier.arrive $0xFFFF  }
0x11c: {  	s29 =	simm.s32 $0x0;
	s30 =	rddreg [dreg:$0x12]  }
.LBB2_12:
0x11d: {  	_ =	swait.ge [sflag:s10], $0x2800  }
0x11e: {  	[sflag:s10] =	ssyncset.done $0x0  }
0x11f: {  	[sflag:s10] =	ssyncadd.s32 $0xFFFFD800  }
0x120: {  	[spmem:s3] =	stream.indirect.scatter.add.f32 [tilespmem:s17], [sflag:$0x7], $0x80, s31, s16, $0xb8;
	[tilespmem:$0x19480] =	vst v63  }
0x121: {  	_ =	swait.ge [sflag:s14], $0x2800  }
0x122: {  	[sflag:s14] =	ssyncset.done $0x0  }
0x123: {  	[sflag:s14] =	ssyncadd.s32 $0xFFFFD800  }
0x124: {  	_ =	swait.ge [sflag:s19], $0x50  }
0x125: {  	[sflag:s19] =	ssyncset.done $0x0  }
0x126: {  	[sflag:s19] =	ssyncadd.s32 $0xFFFFFFB0  }
0x127: {  	_ =	swait.ge [sflag:s19], $0x50  }
0x128: {  	[sflag:s19] =	ssyncset.done $0x0  }
0x129: {  	s6 =	sshrl.u32 s30, $0x3;
	s23 =	rddreg [dreg:$0x18];
	[sflag:s19] =	ssyncadd.s32 $0xFFFFFFB0  }
0x12a: {  	[tilespmem:s17], [sflag:$0x5] =	stream.indirect.gather [hbm4b:s1+s16], $0x80, s8, s16, $0xb8;
	[tilespmem:$0x19480] =	vst v63  }
0x12b: {  	s23 =	sadd.s32 s23, s6  }
0x12c: {  	[tilespmem:s4], [sflag:$0x1] =	stream.linear.gather [hbm4b:s23+s4], $0x50, $0x38;
	[tilespmem:$0x19480] =	vst v63  }
0x12d: {  	s6 =	sadd.s32 s2, s6  }
0x12e: {  	[tilespmem:s31], [sflag:$0x1] =	stream.linear.gather [hbm4b:s6+s4], $0x50, $0x38;
	[tilespmem:$0x19480] =	vst v63  }
0x12f: {  	_ =	swait.ge [sflag:s22], $0x2800  }
0x130: {  	[sflag:s22] =	ssyncset.done $0x0  }
0x131: {  	[sflag:s22] =	ssyncadd.s32 $0xFFFFD800  }
0x132: {  	[spmem:s3] =	stream.indirect.scatter.add.f32 [tilespmem:s9], [sflag:$0x7], $0x80, s0, s16, $0xb8;
	[tilespmem:$0x19480] =	vst v63  }
0x133: {  	_ =	swait.ge [sflag:s14], $0x2800  }
0x134: {  	[sflag:s14] =	ssyncset.done $0x0  }
0x135: {  	[sflag:s14] =	ssyncadd.s32 $0xFFFFD800  }
0x136: {  	_ =	swait.ge [sflag:s20], $0x50  }
0x137: {  	[sflag:s20] =	ssyncset.done $0x0  }
0x138: {  	[sflag:s20] =	ssyncadd.s32 $0xFFFFFFB0  }
0x139: {  	_ =	swait.ge [sflag:s20], $0x50  }
0x13a: {  	[sflag:s20] =	ssyncset.done $0x0  }
0x13b: {  	p1 =	seq.s32 s29, $0x4B0;
	s6 =	rddreg [dreg:$0x15];
	[sflag:s20] =	ssyncadd.s32 $0xFFFFFFB0  }
0x13c: {  	[tilespmem:s9], [sflag:$0x6] =	stream.indirect.gather [hbm4b:s1+s16], $0x80, s7, s16, $0xb8;
	[tilespmem:$0x19480] =	vst v63  }
0x13d: {  	s25 =	simm.s32 @!p1 $0x80;
	s23 =	simm.s32 @!p1 $0x0;
	s6 =	sadd.s32 @!p1 s29, s6  }
0x13e: {  	[tilespmem:s25], [sflag:$0x2] =	stream.linear.gather @!p1 [hbm4b:s6+s23], $0x50, $0x38;
	[tilespmem:$0x19480] =	vst v63  }
0x13f: {  	s6 =	sadd.s32 @!p1 s29, s26;
	s25 =	simm.s32 @!p1 $0x280  }
0x140: {  	[tilespmem:s25], [sflag:$0x2] =	stream.linear.gather @!p1 [hbm4b:s6+s23], $0x50, $0x38;
	[tilespmem:$0x19480] =	vst v63  }
0x141: {  	_ =	swait.ge [sflag:s10], $0x2800  }
0x142: {  	[sflag:s10] =	ssyncset.done $0x0  }
0x143: {  	[sflag:s10] =	ssyncadd.s32 $0xFFFFD800  }
0x144: {  	[spmem:s3] =	stream.indirect.scatter.add.f32 [tilespmem:s17], [sflag:$0x7], $0x80, s5, s16, $0xb8;
	[tilespmem:$0x19480] =	vst v63  }
0x145: {  	_ =	swait.ge [sflag:s14], $0x2800  }
0x146: {  	[sflag:s14] =	ssyncset.done $0x0  }
0x147: {  	[sflag:s14] =	ssyncadd.s32 $0xFFFFD800  }
0x148: {  	_ =	swait.ge [sflag:s15], $0x50  }
0x149: {  	[sflag:s15] =	ssyncset.done $0x0  }
.Ltmp7:
0x14a: {  	[sflag:s15] =	ssyncadd.s32 $0xFFFFFFB0;
	(pc) =	sbr.rel @p1 .LBB2_14-.Ltmp7, $4  }
0x14b: {  	_ =	swait.ge [sflag:s15], $0x50  }
0x14c: {  	[sflag:s15] =	ssyncset.done $0x0  }
0x14d: {  	[sflag:s15] =	ssyncadd.s32 $0xFFFFFFB0  }
0x14e: {  	[tilespmem:s17], [sflag:$0x5] =	stream.indirect.gather [hbm4b:s1+s16], $0x80, s4, s16, $0xb8;
	[tilespmem:$0x19480] =	vst v63  }
0x14f: {  	s6 =	rddreg [dreg:$0x14]  }
0x150: {  	s6 =	sadd.s32 s29, s6  }
0x151: {  	[tilespmem:s8], [sflag:$0x3] =	stream.linear.gather [hbm4b:s6+s4], $0x50, $0x38;
	[tilespmem:$0x19480] =	vst v63  }
0x152: {  	s25 =	sadd.s32 s29, s24  }
0x153: {  	[tilespmem:s5], [sflag:$0x3] =	stream.linear.gather [hbm4b:s25+s4], $0x50, $0x38;
	[tilespmem:$0x19480] =	vst v63  }
0x154: {  	_ =	swait.ge [sflag:s22], $0x2800  }
0x155: {  	[sflag:s22] =	ssyncset.done $0x0  }
0x156: {  	[sflag:s22] =	ssyncadd.s32 $0xFFFFD800  }
0x157: {  	[spmem:s3] =	stream.indirect.scatter.add.f32 [tilespmem:s9], [sflag:$0x7], $0x80, s12, s16, $0xb8;
	[tilespmem:$0x19480] =	vst v63  }
0x158: {  	_ =	swait.ge [sflag:s14], $0x2800  }
0x159: {  	[sflag:s14] =	ssyncset.done $0x0  }
0x15a: {  	[sflag:s14] =	ssyncadd.s32 $0xFFFFD800  }
0x15b: {  	_ =	swait.ge [sflag:s18], $0x50  }
0x15c: {  	[sflag:s18] =	ssyncset.done $0x0  }
0x15d: {  	[sflag:s18] =	ssyncadd.s32 $0xFFFFFFB0  }
0x15e: {  	_ =	swait.ge [sflag:s18], $0x50  }
0x15f: {  	[sflag:s18] =	ssyncset.done $0x0  }
0x160: {  	[sflag:s18] =	ssyncadd.s32 $0xFFFFFFB0  }
0x161: {  	[tilespmem:s9], [sflag:$0x6] =	stream.indirect.gather [hbm4b:s1+s16], $0x80, s28, s16, $0xb8;
	[tilespmem:$0x19480] =	vst v63  }
.Ltmp8:
0x162: {  	s23 =	rddreg [dreg:$0x13];
	(pc) =	sbr.rel .LBB2_12-.Ltmp8, $4  }
0x163: {  	s6 =	sadd.s32 s29, s23  }
0x164: {  	[tilespmem:s7], [sflag:$0x4] =	stream.linear.gather [hbm4b:s6+s4], $0x50, $0x38;
	[tilespmem:$0x19480] =	vst v63  }
0x165: {  	s30 =	sadd.s32 $0x140, s30;
	s25 =	sadd.s32 s29, s21;
	s29 =	sadd.s32 $0x28, s29  }
0x166: {  	[tilespmem:s12], [sflag:$0x4] =	stream.linear.gather [hbm4b:s25+s4], $0x50, $0x38;
	[tilespmem:$0x19480] =	vst v63  }
.LBB2_15:
0x167: {  	_ =	sfence.sel $0x180000  }
0x168: {  	[bflag:$0x0] =	sbarrier.arrive $0xFFFF  }
0x169: {  	_ =	strace $0x90000047  }
0x16a: {  	[bflag:$0x2] =	sbarrier.arrive $0xFFFF  }
0x16b: {  	s0 =	rddreg [dreg:$0x4]  }
0x16c: {  	s0 =	sadd.s32 @!p0 $0x100000, s0  }
0x16d: {  	[sflag:s0] =	ssyncadd.tile.s32 @!p0 $0x1;
	_ =	shalt  }
.Lfunc_end2:
_tile_overlayer_lowered:
.L_overlay_start_2:
0x16e: {  	(tag) =	ssettag $0x2  }
0x16f: {  	s0 =	rddreg [dreg:$0x0];
	s2 =	stileid.u32  }
0x170: {  	s1 =	rddreg [dreg:$0x1];
	p0 =	sne.s32 s2, $0x0  }
0x171: {  	s3 =	rddreg [dreg:$0x2];
	[bflag:$0x3] =	sbarrier.arrive $0xFFFF;
	s2 =	simm.s32 @!p0 $0x1C07  }
0x172: {  	[timem:s3], [sflag:s2] =	dma.local @!p0 [hbm:s0], s1  }
0x173: {  	s0 =	simm.s32 @!p0 $0x7  }
0x174: {  	_ =	swait.ge @!p0 [sflag:s0], s1  }
0x175: {  	s1 =	ssub.s32 @!p0 $0x0, s1;
	[sflag:s0] =	ssyncset.done @!p0 $0x0  }
0x176: {  	[sflag:s0] =	ssyncadd.s32 @!p0 s1  }
0x177: {  	[bflag:$0x3] =	sbarrier.arrive $0xFFFF  }
0x178: {  	_ =	shalt  }

// kernel: kernel.9.cloned.1.call-start
scs
__scs_entry_jumppad:
0x0: {  	(pc) =	sbr.rel $0x88, $3  }
0x1: {  	(tag) =	ssettag $0x0;
	lr =	simm.s32 $0x1  }
0x2: {  	[smem:$0x3F9B] =	sst lr;
	_ =	strace $0xD0000000  }
0x3: {  	_ = 	snop  }
0x4: {  	_ = 	snop  }
0x5: {  	_ = 	snop  }
0x6: {  	_ = 	snop  }
0x7: {  	_ = 	snop  }
__scs_overlays_trampoline_lowered:
0x8: {  	[smem:$0x3FAA] =	sst s0  }
0x9: {  	[smem:$0x3FAB] =	sst s1  }
0xa: {  	[smem:$0x3FAC] =	sst s2  }
0xb: {  	[smem:$0x3FAD] =	sst s3  }
0xc: {  	[smem:$0x3FAE] =	sst s4  }
0xd: {  	[smem:$0x3FAF] =	sst s5  }
0xe: {  	[smem:$0x3FB0] =	sst s6  }
0xf: {  	[smem:$0x3FB1] =	sst s7  }
0x10: {  	[smem:$0x3FB2] =	sst s8  }
0x11: {  	[smem:$0x3FB3] =	sst s9;
	s0 =	simm.s32 @!p0 $0x0  }
0x12: {  	s1 =	sld [smem:$0x3F99];
	s0 =	simm.s32 @p0 $0x1  }
0x13: {  	[smem:$0x3FB4] =	sst s0;
	s0 =	simm.s32 @!p1 $0x0  }
0x14: {  	s2 =	sld [smem:$0x3F98];
	s0 =	simm.s32 @p1 $0x1  }
0x15: {  	[smem:$0x3FB5] =	sst s0;
	s0 =	simm.s32 @!p2 $0x0  }
0x16: {  	s3 =	sld [smem:$0x3FDB];
	s0 =	simm.s32 @p2 $0x1  }
0x17: {  	s4 =	simm.s32 $0x1BF5;
	[smem:$0x3FB7] =	sst s0  }
0x18: {  	s0 =	sld [smem:$0x3F9A];
	_ =	swait.ge [sflag:s4], $0x0  }
0x19: {  	s7 =	sld [smem:$0x3F9B]  }
0x1a: {  	s8 =	sadd.s32 $0xFFFFE003, lr  }
0x1b: {  	s9 =	sadd.s32 $0xFFFFFEF7, lr;
	s5 =	simm.s32 $0xFFFFFFFF;
	p2 =	slt.u32 s8, $0xFFFFF086  }
0x1c: {  	p1 =	slt.u32 s9, $0xF7A;
	s5 =	simm.s32 @!p2 $0x0  }
0x1d: {  	s5 =	simm.s32 @p1 $0x1;
	p0 =	seq.s32 s7, s2  }
0x1e: {  	s7 =	smul.u32 @!p0 $0xF7A, s2;
	p2 =	seq.s32 @!p0 s5, $0x0  }
0x1f: {  	s9 =	smul.u32 $0xF7A, s1;
	s8 =	simm.s32 @!p0 $0x1BF5;
	p2 =	por !p2, p0  }
0x20: {  	[sflag:s8] =	ssyncset.s32 @!p0 $0xFFFFF086;
	s6 =	sadd.s32 @!p0 s3, s7;
	s7 =	simm.s32 @!p0 $0x108  }
0x21: {  	s3 =	sadd.s32 s3, s9;
	s6 =	sadd.s32 @!p0 $0x88, s6;
	s7 =	simm.s32 @p2 $0x1082  }
0x22: {  	[simem:s7], [sflag:s8] =	dma.local @!p0 [hbm:s6], $0xF7A  }
0x23: {  	s9 =	sor.u32 $0xD0000000, s2;
	s6 =	simm.s32 $0x108;
	_ =	swait.ge @!p0 [sflag:s8], $0x0  }
0x24: {  	s3 =	sadd.s32 $0x88, s3;
	s6 =	simm.s32 @!p1 $0x1082;
	[sflag:s4] =	ssyncset.s32 $0xFFFFF086  }
0x25: {  	[simem:s6], [sflag:s4] =	dma.local [hbm:s3], $0xF7A  }
0x26: {  	[smem:$0x3F9B] =	sst s1;
	(tag) =	ssettag s2;
	_ =	strace s9  }
0x27: {  	s1 =	sld [smem:$0x3FAB]  }
0x28: {  	s2 =	sld [smem:$0x3FAC]  }
0x29: {  	s4 =	sld [smem:$0x3FAE]  }
0x2a: {  	p0 =	seq.s32 s5, $0x0;
	s5 =	sld [smem:$0x3FAF]  }
0x2b: {  	s6 =	sld [smem:$0x3FB0]  }
0x2c: {  	s7 =	sld [smem:$0x3FB1]  }
0x2d: {  	s3 =	simm.s32 $0x108;
	s8 =	sld [smem:$0x3FB2]  }
0x2e: {  	s3 =	simm.s32 @!p0 $0x1082;
	s9 =	sld [smem:$0x3FB3]  }
0x2f: {  	lr =	sadd.s32 s0, s3;
	s0 =	sld [smem:$0x3FAA]  }
0x30: {  	s3 =	sld [smem:$0x3FAD]  }
0x31: {  	[smem:$0x3FB6] =	sst s10  }
0x32: {  	s10 =	sld [smem:$0x3FB4];
	_ =	sdelay $0x3  }
0x33: {  	p0 =	seq.s32 s10, $0x1;
	s10 =	sld [smem:$0x3FB6];
	_ =	sdelay $0x3  }
0x34: {  	[smem:$0x3FB6] =	sst s10  }
0x35: {  	s10 =	sld [smem:$0x3FB5];
	_ =	sdelay $0x3  }
0x36: {  	p1 =	seq.s32 s10, $0x1;
	s10 =	sld [smem:$0x3FB6];
	_ =	sdelay $0x3  }
0x37: {  	[smem:$0x3FB6] =	sst s10  }
0x38: {  	s10 =	sld [smem:$0x3FB7]  }
0x39: {  	_ = 	snop;
	(pc) =	sbr.ind lr, $3  }
0x3a: {  	_ = 	snop  }
0x3b: {  	_ = 	snop  }
0x3c: {  	p2 =	seq.s32 s10, $0x1;
	s10 =	sld [smem:$0x3FB6]  }
0x3d: {  	_ =	shalt  }
0x3e: {  	_ =	shalt  }
0x3f: {  	_ =	shalt  }
0x40: {  	_ =	shalt  }
0x41: {  	_ =	shalt  }
0x42: {  	_ =	shalt  }
0x43: {  	_ =	shalt  }
0x44: {  	_ =	shalt  }
0x45: {  	_ =	shalt  }
0x46: {  	_ =	shalt  }
0x47: {  	_ =	shalt  }
0x48: {  	_ =	shalt  }
0x49: {  	_ =	shalt  }
0x4a: {  	_ =	shalt  }
0x4b: {  	_ =	shalt  }
0x4c: {  	_ =	shalt  }
0x4d: {  	_ =	shalt  }
0x4e: {  	_ =	shalt  }
0x4f: {  	_ =	shalt  }
0x50: {  	_ =	shalt  }
0x51: {  	_ =	shalt  }
0x52: {  	_ =	shalt  }
0x53: {  	_ =	shalt  }
0x54: {  	_ =	shalt  }
0x55: {  	_ =	shalt  }
0x56: {  	_ =	shalt  }
0x57: {  	_ =	shalt  }
0x58: {  	_ =	shalt  }
0x59: {  	_ =	shalt  }
0x5a: {  	_ =	shalt  }
0x5b: {  	_ =	shalt  }
0x5c: {  	_ =	shalt  }
0x5d: {  	_ =	shalt  }
0x5e: {  	_ =	shalt  }
0x5f: {  	_ =	shalt  }
0x60: {  	_ =	shalt  }
0x61: {  	_ =	shalt  }
0x62: {  	_ =	shalt  }
0x63: {  	_ =	shalt  }
0x64: {  	_ =	shalt  }
0x65: {  	_ =	shalt  }
0x66: {  	_ =	shalt  }
0x67: {  	_ =	shalt  }
0x68: {  	_ =	shalt  }
0x69: {  	_ =	shalt  }
0x6a: {  	_ =	shalt  }
0x6b: {  	_ =	shalt  }
0x6c: {  	_ =	shalt  }
0x6d: {  	_ =	shalt  }
0x6e: {  	_ =	shalt  }
0x6f: {  	_ =	shalt  }
0x70: {  	_ =	shalt  }
0x71: {  	_ =	shalt  }
0x72: {  	_ =	shalt  }
0x73: {  	_ =	shalt  }
0x74: {  	_ =	shalt  }
0x75: {  	_ =	shalt  }
0x76: {  	_ =	shalt  }
0x77: {  	_ =	shalt  }
0x78: {  	_ =	shalt  }
0x79: {  	_ =	shalt  }
0x7a: {  	_ =	shalt  }
0x7b: {  	_ =	shalt  }
0x7c: {  	_ =	shalt  }
0x7d: {  	_ =	shalt  }
0x7e: {  	_ =	shalt  }
0x7f: {  	_ =	shalt  }
0x80: {  	_ =	shalt  }
0x81: {  	_ =	shalt  }
0x82: {  	_ =	shalt  }
0x83: {  	_ =	shalt  }
0x84: {  	_ =	shalt  }
0x85: {  	_ =	shalt  }
0x86: {  	_ =	shalt  }
0x87: {  	_ =	shalt  }
.Lfunc_end0:
.L_simem_size_0:
called_computation.1_lowered:
.L_overlay_start_0:
0x88: {  	s2 =	sld [smem:$0x3FD9]  }
0x89: {  	s3 =	sld [smem:$0x3FFE];
	_ =	sdelay $0x1  }
0x8a: {  	s1 =	srdreg.scid  }
0x8b: {  	s0 =	sand.u32 $0x1, s1  }
0x8c: {  	s14 =	sshll.u32 s0, $0xA;
	s2 =	sadd.s32 s3, s2  }
0x8d: {  	s2 =	sadd.s32 s2, s14  }
0x8e: {  	[smem:$0x3FC2] =	sst s2  }
0x8f: {  	_ = 	snop  }
0x90: {  	s2 =	sld [smem:$0x3FD0];
	_ =	sdelay $0x2  }
0x91: {  	s15 =	simm.s32 $0xA;
	s4 =	simm.s32 $0x10  }
0x92: {  	[smem:s4], [sflag:s15] =	dma.local [hbm:s2], $0x1  }
0x93: {  	_ =	swait.eq [sflag:s15], $0x1  }
0x94: {  	[sflag:s15] =	ssyncset.done $0x0  }
0x95: {  	s16 =	sld [smem:$0x10];
	[sflag:s15] =	ssyncadd.s32 $0xFFFFFFFF  }
0x96: {  	s17 =	sld [smem:$0x11];
	(tm) =	ssettm $0x1  }
0x97: {  	s18 =	sld [smem:$0x3FFB];
	_ =	sdelay $0x3  }
0x98: {  	_ =	strace s18  }
0x99: {  	s4 =	sld [smem:$0x3FFC];
	_ =	sdelay $0x3  }
0x9a: {  	_ =	strace s4  }
0x9b: {  	s4 =	sld [smem:$0x3FFD];
	_ =	sdelay $0x3  }
0x9c: {  	_ =	strace s4  }
0x9d: {  	_ =	strace $0x8FFFFFFF  }
0x9e: {  	s19 =	sld [smem:$0x3FDB];
	_ =	sdelay $0x1  }
0x9f: {  	s5 =	simm.s32 $_scs_section_size  }
0xa0: {  	s6 =	simm.s32 $_size__tile_overlayer_lowered;
	s7 =	simm.s32 $_tile_overlayer_lowered  }
0xa1: {  	s22 =	simm.s32 $0x1BFF;
	s21 =	sshll.u32 s7, $0x1;
	s4 =	sadd.s32 s5, s19  }
0xa2: {  	s8 =	simm.s32 $0x0;
	s20 =	sshll.u32 s6, $0x1;
	s6 =	sadd.s32 s21, s4  }
0xa3: {  	[timem:s8], [sflag:s22] =	dma.local [hbm:s6], s20  }
0xa4: {  	_ =	swait.ge [sflag:s22], s20  }
0xa5: {  	s5 =	ssub.s32 $0x0, s20;
	[sflag:s22] =	ssyncset.done $0x0  }
0xa6: {  	[sflag:s22] =	ssyncadd.s32 s5;
	_ =	sdelay $0x1  }
0xa7: {  	s23 =	simm.s32 $0x1B8B  }
0xa8: {  	_ =	swait.ge [sflag:s23], $0x1  }
0xa9: {  	[sflag:s23] =	ssyncset.done $0x0  }
0xaa: {  	s25 =	simm.s32 $0x1B8E;
	s24 =	sld [smem:$0x3FFE];
	[sflag:s23] =	ssyncadd.s32 $0xFFFFFFFF  }
0xab: {  	s26 =	simm.s32 $execute0_lowered;
	[smem:$0x3FD2] =	sst s25  }
0xac: {  	s6 =	sshll.u32 s26, $0x1;
	_ =	strace $0x80000049;
	[dreg:$0x1] =	wrdreg $0xFFFFFFFF  }
0xad: {  	s28 =	simm.s32 $_size_execute0_lowered;
	s4 =	sadd.s32 s4, s6;
	[dreg:$0x0] =	wrdreg $0x0  }
0xae: {  	s6 =	sshll.u32 s28, $0x1;
	[dreg:$0x2] =	wrdreg s4  }
0xaf: {  	[dreg:$0x3] =	wrdreg s6  }
0xb0: {  	[dreg:$0x4] =	wrdreg $0xC0  }
0xb1: {  	_ =	task [dreg:s8], $0x5FFFF  }
0xb2: {  	[dreg:$0x1] =	wrdreg $0xFFFFFFFF  }
0xb3: {  	[dreg:$0x0] =	wrdreg $0x60  }
0xb4: {  	[dreg:$0x2] =	wrdreg s17  }
0xb5: {  	[dreg:$0x3] =	wrdreg s24  }
0xb6: {  	[dreg:$0x4] =	wrdreg s16  }
0xb7: {  	[dreg:$0x5] =	wrdreg $0x5C000  }
0xb8: {  	[dreg:$0x6] =	wrdreg $0x9  }
0xb9: {  	_ =	task.clear_ibuf [dreg:s8], $0x7FFFF;
	_ =	strace $0x90000049  }
0xba: {  	s29 =	simm.s32 $0x9;
	_ =	strace $0x8000004B  }
0xbb: {  	_ =	swait.ge [sflag:s29], $0x1  }
0xbc: {  	[sflag:s29] =	ssyncadd.s32 $0xFFFFFFFF  }
0xbd: {  	_ =	strace $0x9000004B  }
0xbe: {  	_ =	sfence  }
0xbf: {  	s30 =	sld [smem:$0x0];
	_ =	sdelay $0x2  }
0xc0: {  	s31 =	sshll.u32 s1, $0xD;
	s1 =	sshrl.u32 s1, $0x2  }
0xc1: {  	s3 =	sand.u32 $0x4000, s31;
	s1 =	sadd.s32 s1, s30  }
0xc2: {  	s0 =	sor.u32 s3, s0;
	s1 =	sshll.u32 s1, $0x11  }
0xc3: {  	s0 =	sor.u32 s1, s0  }
0xc4: {  	s0 =	sadd.s32 $0x8F2B, s0  }
0xc5: {  	[sflag:s0] =	ssyncadd.remote.s32 $0x1  }
0xc6: {  	_ =	sfence.sel $0xFFFF  }
0xc7: {  	[dreg:$0x0] =	wrdreg $0xFFFFFFFF;
	(pc) =	sbr.abs _section_cstart, $3  }
0xc8: {  	[dreg:$0x1] =	wrdreg $0xFFFFFFFF  }
0xc9: {  	_ =	task.clear_ibuf [dreg:s8], $0x2FFFF;
	_ =	strace $0x9FFFFFFF  }
0xca: {  	(tm) =	ssettm $0x7FFFFFFF  }
0xcb: {  	_ =	shalt  }
tec
execute0_lowered:
.L_overlay_start_1:
0x0: {  	(tag) =	ssettag $0x1  }
0x1: {  	s0 =	rddreg [dreg:$0x0]  }
0x2: {  	s1 =	rddreg [dreg:$0x1]  }
0x3: {  	s6 =	rddreg [dreg:$0x2]  }
0x4: {  	s2 =	srdreg.scid;
	s3 =	rddreg [dreg:$0x3]  }
0x5: {  	s11 =	stileid.u32;
	s5 =	simm.s32 $0x0;
	s28 =	simm.s32 $0x200  }
0x6: {  	s31 =	simm.s32 $0x100;
	s2 =	sand.u32 $0x1, s2;
	s30 =	smul.u32 $0x4E000, s11  }
0x7: {  	[smem:$0x7FF] =	sst s5;
	s12 =	sadd.s32 $0x1400, s1;
	s16 =	smul.u32 $0x2710, s11  }
0x8: {  	s1 =	sadd.s32 $0xB200, s1;
	s17 =	smul.u32 $0x2700, s11;
	p0 =	sne.s32 s11, $0x0  }
0x9: {  	s29 =	sadd.s32 $0x138000, s3;
	s4 =	sshll.u32 s2, $0x4;
	s10 =	smul.u32 $0x27100, s2  }
0xa: {  	_ =	strace $0x8000004A;
	s7 =	ssub.s32 $0x2, s2;
	s2 =	smul.u32 $0x138800, s2  }
0xb: {  	[dreg:$0x12] =	wrdreg s29;
	s4 =	sor.u32 s11, s4;
	s8 =	sshrl.u32 s7, $0x1  }
0xc: {  	s4 =	smul.u32 $0x2710, s4;
	s7 =	ssub.s32 s7, s8;
	s2 =	sshrl.u32 s2, $0x3  }
0xd: {  	s11 =	simm.s32 $0x2;
	s2 =	sadd.s32 s1, s2;
	s21 =	smax.u32 s7, $0x1  }
0xe: {  	s4 =	sshrl.u32 s4, $0x3;
	s19 =	sadd.s32 $0x27000, s2;
	[dreg:$0xf] =	wrdreg s21  }
0xf: {  	s7 =	simm.s32 $0x380;
	s24 =	sadd.s32 s12, s4;
	[dreg:$0xe] =	wrdreg s19  }
0x10: {  	s25 =	sadd.s32 $0xA, s4;
	s9 =	sadd.s32 s6, s4;
	[dreg:$0x5] =	wrdreg s24  }
0x11: {  	s14 =	sadd.s32 $0x14, s4;
	[dreg:$0x6] =	wrdreg s9;
	s26 =	sadd.s32 s12, s25  }
0x12: {  	s4 =	sadd.s32 $0x1E, s4;
	s8 =	sadd.s32 s6, s25;
	[dreg:$0x7] =	wrdreg s26  }
0x13: {  	s19 =	smov.u32 s12;
	s13 =	sadd.s32 s12, s14;
	[dreg:$0x8] =	wrdreg s8  }
0x14: {  	s15 =	sadd.s32 s12, s4;
	s4 =	sadd.s32 s6, s4;
	[dreg:$0x9] =	wrdreg s13  }
0x15: {  	s9 =	sshrl.u32 s30, $0x2;
	s8 =	sadd.s32 s6, s14;
	[dreg:$0xb] =	wrdreg s15  }
0x16: {  	[dreg:$0xc] =	wrdreg s4;
	s15 =	sadd.s32 s9, s3;
	s4 =	sadd.s32 s17, s10  }
0x17: {  	s9 =	simm.s32 $0x50;
	s13 =	simm.s32 $0x5400;
	s14 =	simm.s32 $0x7  }
0x18: {  	s17 =	simm.s32 $0x3;
	[dreg:$0xa] =	wrdreg s8;
	s8 =	sadd.s32 s16, s10  }
0x19: {  	s1 =	sadd.s32 s1, s4;
	s4 =	simm.s32 $0x180;
	s10 =	simm.s32 $0x400  }
0x1a: {  	s16 =	simm.s32 $0x5;
	s18 =	sadd.s32 $0x230, s8;
	[dreg:$0xd] =	wrdreg s1  }
0x1b: {  	s23 =	sadd.s32 $0x1E0, s8;
	s25 =	sadd.s32 $0x190, s8;
	s30 =	sadd.s32 $0x140, s8  }
0x1c: {  	s1 =	simm.s32 $0x300;
	s8 =	simm.s32 $0x1;
	s20 =	sshrl.u32 s18, $0x3  }
.Ltmp0:
0x1d: {  	s24 =	sshrl.u32 s23, $0x3;
	s26 =	sshrl.u32 s25, $0x3;
	(pc) =	sbr.rel .LBB2_1-.Ltmp0, $4  }
0x1e: {  	[dreg:$0x11] =	wrdreg s30;
	s18 =	simm.s32 $0x6;
	s25 =	simm.s32 $0x4  }
0x1f: {  	s22 =	sadd.s32 s20, s6;
	s20 =	sadd.s32 s20, s12;
	s21 =	sadd.s32 s24, s6  }
0x20: {  	s23 =	sadd.s32 s26, s6;
	[dreg:$0x10] =	wrdreg s22;
	s22 =	sadd.s32 s24, s12  }
0x21: {  	v0 =	vimm.f32 $0.0e+00;
	s24 =	sadd.s32 s26, s12;
	s12 =	simm.s32 $0x2C00;
	s26 =	simm.s32 $0x0  }
.LBB2_8:
0x22: {  	_ =	swait.ge [sflag:s18], $0x2800  }
0x23: {  	[sflag:s18] =	ssyncset.done $0x0  }
0x24: {  	[sflag:s18] =	ssyncadd.s32 $0xFFFFD800  }
0x25: {  	[spmem:s3] =	stream.indirect.scatter.add.f32 [tilespmem:s12], [sflag:$0x7], $0x80, s7, s9, $0xb8;
	[tilespmem:$0x19480] =	vst v63  }
0x26: {  	_ =	swait.ge [sflag:s14], $0x2800  }
0x27: {  	[sflag:s14] =	ssyncset.done $0x0  }
0x28: {  	[sflag:s14] =	ssyncadd.s32 $0xFFFFD800  }
0x29: {  	_ =	swait.ge [sflag:s16], $0x2800  }
0x2a: {  	[sflag:s16] =	ssyncset.done $0x0  }
0x2b: {  	[sflag:s16] =	ssyncadd.s32 $0xFFFFD800  }
0x2c: {  	[spmem:s3] =	stream.indirect.scatter.add.f32 [tilespmem:s10], [sflag:$0x7], $0x80, s28, s9, $0xb8;
	[tilespmem:$0x19480] =	vst v63  }
0x2d: {  	_ =	swait.ge [sflag:s14], $0x2800  }
0x2e: {  	[sflag:s14] =	ssyncset.done $0x0  }
0x2f: {  	s2 =	stileid.u32;
	[sflag:s14] =	ssyncadd.s32 $0xFFFFD800  }
0x30: {  	s2 =	sshll.u32 s2, $0x6;
	[bflag:$0x0] =	sbarrier.arrive $0xFFFF  }
0x31: {  	s6 =	sshrl.u32 s15, $0x3;
	s2 =	sor.u32 $0x1C07, s2;
	s26 =	rddreg [dreg:$0xd]  }
0x32: {  	[hbm:s26], [sflag:s2] =	dma.local [spmem:s6], $0x2700  }
0x33: {  	_ =	swait.ge [sflag:s14], $0x2700  }
0x34: {  	[sflag:s14] =	ssyncset.done $0x0;
	s29 =	rddreg [dreg:$0x12]  }
0x35: {  	s26 =	rddreg [dreg:$0xe];
	[sflag:s14] =	ssyncadd.s32 $0xFFFFD900;
	s6 =	sshrl.u32 @!p0 s29, $0x3  }
0x36: {  	[hbm:s26], [sflag:s2] =	dma.local @!p0 [spmem:s6], $0x100  }
0x37: {  	s2 =	simm.s32 @!p0 $0x7  }
0x38: {  	_ =	swait.ge @!p0 [sflag:s2], $0x100  }
0x39: {  	s6 =	rddreg [dreg:$0x13]  }
0x3a: {  	s30 =	rddreg [dreg:$0xf];
	s26 =	sadd.s32 $0x1, s6  }
0x3b: {  	p1 =	sne.s32 s26, s30  }
.Ltmp1:
0x3c: {  	_ = 	snop;
	(pc) =	sbr.rel @!p1 .LBB2_9-.Ltmp1, $3  }
0x3d: {  	_ =	sdelay $0x1  }
0x3e: {  	[sflag:s2] =	ssyncset.done @!p0 $0x0  }
0x3f: {  	[sflag:s2] =	ssyncadd.s32 @!p0 $0xFFFFFF00  }
.LBB2_1:
0x40: {  	[dreg:$0x13] =	wrdreg s26  }
0x41: {  	s2 =	rddreg [dreg:$0x5]  }
0x42: {  	[tilespmem:s5], [sflag:$0x1] =	stream.linear.gather [hbm4b:s2+s5], $0x50, $0x38;
	[tilespmem:$0x19480] =	vst v63  }
0x43: {  	s26 =	rddreg [dreg:$0x6]  }
0x44: {  	[tilespmem:s28], [sflag:$0x1] =	stream.linear.gather [hbm4b:s26+s5], $0x50, $0x38;
	[tilespmem:$0x19480] =	vst v63  }
0x45: {  	s30 =	rddreg [dreg:$0x7];
	s6 =	simm.s32 $0x80  }
0x46: {  	[tilespmem:s6], [sflag:$0x2] =	stream.linear.gather [hbm4b:s30+s5], $0x50, $0x38;
	[tilespmem:$0x19480] =	vst v63  }
0x47: {  	s26 =	rddreg [dreg:$0x8];
	s30 =	simm.s32 $0x280  }
0x48: {  	[tilespmem:s30], [sflag:$0x2] =	stream.linear.gather [hbm4b:s26+s5], $0x50, $0x38;
	[tilespmem:$0x19480] =	vst v63  }
0x49: {  	s26 =	rddreg [dreg:$0x9]  }
0x4a: {  	[tilespmem:s31], [sflag:$0x3] =	stream.linear.gather [hbm4b:s26+s5], $0x50, $0x38;
	[tilespmem:$0x19480] =	vst v63  }
0x4b: {  	s30 =	rddreg [dreg:$0xa]  }
0x4c: {  	[tilespmem:s1], [sflag:$0x3] =	stream.linear.gather [hbm4b:s30+s5], $0x50, $0x38;
	[tilespmem:$0x19480] =	vst v63  }
0x4d: {  	s26 =	rddreg [dreg:$0xb]  }
0x4e: {  	[tilespmem:s4], [sflag:$0x4] =	stream.linear.gather [hbm4b:s26+s5], $0x50, $0x38;
	[tilespmem:$0x19480] =	vst v63  }
0x4f: {  	s30 =	rddreg [dreg:$0xc]  }
0x50: {  	[tilespmem:s7], [sflag:$0x4] =	stream.linear.gather [hbm4b:s30+s5], $0x50, $0x38;
	[tilespmem:$0x19480] =	vst v63  }
0x51: {  	_ =	swait.ge [sflag:s8], $0x50  }
0x52: {  	[sflag:s8] =	ssyncset.done $0x0  }
0x53: {  	[sflag:s8] =	ssyncadd.s32 $0xFFFFFFB0  }
0x54: {  	_ =	swait.ge [sflag:s8], $0x50  }
0x55: {  	[sflag:s8] =	ssyncset.done $0x0  }
0x56: {  	[sflag:s8] =	ssyncadd.s32 $0xFFFFFFB0  }
0x57: {  	[tilespmem:s10], [sflag:$0x5] =	stream.indirect.gather [hbm4b:s0+s9], $0x80, s5, s9, $0xb8;
	[tilespmem:$0x19480] =	vst v63  }
0x58: {  	_ =	swait.ge [sflag:s11], $0x50  }
0x59: {  	[sflag:s11] =	ssyncset.done $0x0  }
0x5a: {  	[sflag:s11] =	ssyncadd.s32 $0xFFFFFFB0  }
0x5b: {  	_ =	swait.ge [sflag:s11], $0x50  }
0x5c: {  	[sflag:s11] =	ssyncset.done $0x0  }
0x5d: {  	s2 =	simm.s32 $0x0;
	s26 =	simm.s32 $0x200;
	[sflag:s11] =	ssyncadd.s32 $0xFFFFFFB0  }
0x5e: {  	[tilespmem:s12], [sflag:$0x6] =	stream.indirect.gather [hbm4b:s0+s9], $0x80, s6, s9, $0xb8;
	[tilespmem:$0x19480] =	vst v63  }
.LBB2_2:
0x5f: {  	p1 =	sne.s32 s26, $0x1E00;
	[tilespmem:s2+$0x5470] =	vst v0  }
0x60: {  	[tilespmem:s2+$0x5400] =	vst v0  }
0x61: {  	[tilespmem:s2+$0x5410] =	vst v0  }
.Ltmp2:
0x62: {  	[tilespmem:s2+$0x5420] =	vst v0;
	(pc) =	sbr.rel @p1 .LBB2_2-.Ltmp2, $4  }
0x63: {  	[tilespmem:s2+$0x5430] =	vst v0  }
0x64: {  	[tilespmem:s2+$0x5440] =	vst v0  }
0x65: {  	[tilespmem:s2+$0x5450] =	vst v0  }
0x66: {  	[tilespmem:s2+$0x5460] =	vst v0;
	s2 =	sshra.s32 s26, $0x2;
	s26 =	sadd.s32 $0x200, s26  }
0x67: {  	[tilespmem:s2+$0x5470] =	vst v0  }
0x68: {  	[tilespmem:s2+$0x5400] =	vst v0  }
0x69: {  	[tilespmem:s2+$0x5410] =	vst v0  }
0x6a: {  	[tilespmem:s2+$0x5420] =	vst v0  }
0x6b: {  	[tilespmem:s2+$0x5430] =	vst v0  }
0x6c: {  	[tilespmem:s2+$0x5440] =	vst v0  }
0x6d: {  	[tilespmem:s2+$0x5450] =	vst v0  }
0x6e: {  	[tilespmem:s2+$0x5460] =	vst v0;
	s30 =	sadd.s32 $0x0, s15  }
0x6f: {  	[spmem:s30] =	stream.linear.scatter [tilespmem:s13], [sflag:$0x7], $0x800, $0x38;
	[tilespmem:$0x19480] =	vst v63  }
0x70: {  	s2 =	simm.s32 $0x2000;
	_ =	swait.ge [sflag:s14], $0x800  }
.LBB2_4:
0x71: {  	s26 =	sshra.s32 s2, $0x2;
	[sflag:s14] =	ssyncset.done $0x0;
	p1 =	sne.s32 s2, $0x4C000  }
.Ltmp3:
0x72: {  	s26 =	sadd.s32 s26, s15;
	[sflag:s14] =	ssyncadd.s32 $0xFFFFF800;
	(pc) =	sbr.rel @p1 .LBB2_4-.Ltmp3, $3  }
0x73: {  	[spmem:s26] =	stream.linear.scatter [tilespmem:s13], [sflag:$0x7], $0x800, $0x38;
	[tilespmem:$0x19480] =	vst v63  }
0x74: {  	s2 =	sadd.s32 $0x2000, s2;
	_ =	sdelay $0x1  }
0x75: {  	_ =	swait.ge [sflag:s14], $0x800  }
0x76: {  	[sflag:s14] =	ssyncset.done $0x0  }
0x77: {  	s2 =	simm.s32 @!p0 $0x5400;
	[sflag:s14] =	ssyncadd.s32 $0xFFFFF800  }
0x78: {  	[spmem:s29] =	stream.linear.scatter @!p0 [tilespmem:s2], [sflag:$0x7], $0x800, $0x38;
	[tilespmem:$0x19480] =	vst v63  }
0x79: {  	s2 =	simm.s32 @!p0 $0x7  }
0x7a: {  	_ =	swait.ge @!p0 [sflag:s2], $0x800  }
0x7b: {  	[sflag:s2] =	ssyncset.done @!p0 $0x0  }
0x7c: {  	[sflag:s2] =	ssyncadd.s32 @!p0 $0xFFFFF800  }
0x7d: {  	[bflag:$0x0] =	sbarrier.arrive $0xFFFF  }
0x7e: {  	s26 =	simm.s32 $0x0;
	s2 =	rddreg [dreg:$0x11]  }
.LBB2_6:
0x7f: {  	_ =	swait.ge [sflag:s16], $0x2800  }
0x80: {  	[sflag:s16] =	ssyncset.done $0x0  }
0x81: {  	[sflag:s16] =	ssyncadd.s32 $0xFFFFD800  }
0x82: {  	[spmem:s3] =	stream.indirect.scatter.add.f32 [tilespmem:s10], [sflag:$0x7], $0x80, s28, s9, $0xb8;
	[tilespmem:$0x19480] =	vst v63  }
0x83: {  	_ =	swait.ge [sflag:s14], $0x2800  }
0x84: {  	[sflag:s14] =	ssyncset.done $0x0  }
0x85: {  	[sflag:s14] =	ssyncadd.s32 $0xFFFFD800  }
0x86: {  	_ =	swait.ge [sflag:s17], $0x50  }
0x87: {  	[sflag:s17] =	ssyncset.done $0x0  }
0x88: {  	[sflag:s17] =	ssyncadd.s32 $0xFFFFFFB0  }
0x89: {  	_ =	swait.ge [sflag:s17], $0x50  }
0x8a: {  	[sflag:s17] =	ssyncset.done $0x0  }
0x8b: {  	s29 =	sshrl.u32 s2, $0x3;
	[sflag:s17] =	ssyncadd.s32 $0xFFFFFFB0  }
0x8c: {  	[tilespmem:s10], [sflag:$0x5] =	stream.indirect.gather [hbm4b:s0+s9], $0x80, s31, s9, $0xb8;
	[tilespmem:$0x19480] =	vst v63  }
0x8d: {  	s30 =	sadd.s32 s19, s29;
	s6 =	rddreg [dreg:$0x2]  }
0x8e: {  	[tilespmem:s5], [sflag:$0x1] =	stream.linear.gather [hbm4b:s30+s5], $0x50, $0x38;
	[tilespmem:$0x19480] =	vst v63  }
0x8f: {  	s29 =	sadd.s32 s6, s29  }
0x90: {  	[tilespmem:s28], [sflag:$0x1] =	stream.linear.gather [hbm4b:s29+s5], $0x50, $0x38;
	[tilespmem:$0x19480] =	vst v63  }
0x91: {  	_ =	swait.ge [sflag:s18], $0x2800  }
0x92: {  	[sflag:s18] =	ssyncset.done $0x0  }
0x93: {  	s30 =	simm.s32 $0x280;
	[sflag:s18] =	ssyncadd.s32 $0xFFFFD800  }
0x94: {  	[spmem:s3] =	stream.indirect.scatter.add.f32 [tilespmem:s12], [sflag:$0x7], $0x80, s30, s9, $0xb8;
	[tilespmem:$0x19480] =	vst v63  }
0x95: {  	_ =	swait.ge [sflag:s14], $0x2800  }
0x96: {  	[sflag:s14] =	ssyncset.done $0x0  }
0x97: {  	[sflag:s14] =	ssyncadd.s32 $0xFFFFD800  }
0x98: {  	_ =	swait.ge [sflag:s25], $0x50  }
0x99: {  	[sflag:s25] =	ssyncset.done $0x0  }
0x9a: {  	[sflag:s25] =	ssyncadd.s32 $0xFFFFFFB0  }
0x9b: {  	_ =	swait.ge [sflag:s25], $0x50  }
0x9c: {  	[sflag:s25] =	ssyncset.done $0x0  }
0x9d: {  	p1 =	seq.s32 s26, $0x4B0;
	[sflag:s25] =	ssyncadd.s32 $0xFFFFFFB0  }
0x9e: {  	[tilespmem:s12], [sflag:$0x6] =	stream.indirect.gather [hbm4b:s0+s9], $0x80, s4, s9, $0xb8;
	[tilespmem:$0x19480] =	vst v63  }
0x9f: {  	s6 =	simm.s32 @!p1 $0x80;
	s29 =	sadd.s32 @!p1 s26, s24;
	s30 =	simm.s32 @!p1 $0x0  }
0xa0: {  	[tilespmem:s6], [sflag:$0x2] =	stream.linear.gather @!p1 [hbm4b:s29+s30], $0x50, $0x38;
	[tilespmem:$0x19480] =	vst v63  }
0xa1: {  	s6 =	sadd.s32 @!p1 s26, s23;
	s29 =	simm.s32 @!p1 $0x280  }
0xa2: {  	[tilespmem:s29], [sflag:$0x2] =	stream.linear.gather @!p1 [hbm4b:s6+s30], $0x50, $0x38;
	[tilespmem:$0x19480] =	vst v63  }
0xa3: {  	_ =	swait.ge [sflag:s16], $0x2800  }
0xa4: {  	[sflag:s16] =	ssyncset.done $0x0  }
0xa5: {  	[sflag:s16] =	ssyncadd.s32 $0xFFFFD800  }
0xa6: {  	[spmem:s3] =	stream.indirect.scatter.add.f32 [tilespmem:s10], [sflag:$0x7], $0x80, s1, s9, $0xb8;
	[tilespmem:$0x19480] =	vst v63  }
0xa7: {  	_ =	swait.ge [sflag:s14], $0x2800  }
0xa8: {  	[sflag:s14] =	ssyncset.done $0x0  }
0xa9: {  	[sflag:s14] =	ssyncadd.s32 $0xFFFFD800  }
0xaa: {  	_ =	swait.ge [sflag:s8], $0x50  }
0xab: {  	[sflag:s8] =	ssyncset.done $0x0  }
.Ltmp4:
0xac: {  	[sflag:s8] =	ssyncadd.s32 $0xFFFFFFB0;
	(pc) =	sbr.rel @p1 .LBB2_8-.Ltmp4, $4  }
0xad: {  	_ =	swait.ge [sflag:s8], $0x50  }
0xae: {  	[sflag:s8] =	ssyncset.done $0x0  }
0xaf: {  	[sflag:s8] =	ssyncadd.s32 $0xFFFFFFB0  }
0xb0: {  	[tilespmem:s10], [sflag:$0x5] =	stream.indirect.gather [hbm4b:s0+s9], $0x80, s5, s9, $0xb8;
	[tilespmem:$0x19480] =	vst v63  }
0xb1: {  	s6 =	sadd.s32 s26, s22  }
0xb2: {  	[tilespmem:s31], [sflag:$0x3] =	stream.linear.gather [hbm4b:s6+s5], $0x50, $0x38;
	[tilespmem:$0x19480] =	vst v63  }
0xb3: {  	s29 =	sadd.s32 s26, s21  }
0xb4: {  	[tilespmem:s1], [sflag:$0x3] =	stream.linear.gather [hbm4b:s29+s5], $0x50, $0x38;
	[tilespmem:$0x19480] =	vst v63  }
0xb5: {  	_ =	swait.ge [sflag:s18], $0x2800  }
0xb6: {  	[sflag:s18] =	ssyncset.done $0x0  }
0xb7: {  	[sflag:s18] =	ssyncadd.s32 $0xFFFFD800  }
0xb8: {  	[spmem:s3] =	stream.indirect.scatter.add.f32 [tilespmem:s12], [sflag:$0x7], $0x80, s7, s9, $0xb8;
	[tilespmem:$0x19480] =	vst v63  }
0xb9: {  	_ =	swait.ge [sflag:s14], $0x2800  }
0xba: {  	[sflag:s14] =	ssyncset.done $0x0  }
0xbb: {  	[sflag:s14] =	ssyncadd.s32 $0xFFFFD800  }
0xbc: {  	_ =	swait.ge [sflag:s11], $0x50  }
0xbd: {  	[sflag:s11] =	ssyncset.done $0x0  }
0xbe: {  	[sflag:s11] =	ssyncadd.s32 $0xFFFFFFB0  }
0xbf: {  	_ =	swait.ge [sflag:s11], $0x50  }
0xc0: {  	[sflag:s11] =	ssyncset.done $0x0  }
0xc1: {  	s30 =	simm.s32 $0x80;
	[sflag:s11] =	ssyncadd.s32 $0xFFFFFFB0  }
0xc2: {  	[tilespmem:s12], [sflag:$0x6] =	stream.indirect.gather [hbm4b:s0+s9], $0x80, s30, s9, $0xb8;
	[tilespmem:$0x19480] =	vst v63  }
.Ltmp5:
0xc3: {  	_ = 	snop;
	(pc) =	sbr.rel .LBB2_6-.Ltmp5, $4  }
0xc4: {  	s29 =	sadd.s32 s26, s20;
	s30 =	rddreg [dreg:$0x10]  }
0xc5: {  	[tilespmem:s4], [sflag:$0x4] =	stream.linear.gather [hbm4b:s29+s5], $0x50, $0x38;
	[tilespmem:$0x19480] =	vst v63  }
0xc6: {  	s2 =	sadd.s32 $0x140, s2;
	s6 =	sadd.s32 s26, s30;
	s26 =	sadd.s32 $0x28, s26  }
0xc7: {  	[tilespmem:s7], [sflag:$0x4] =	stream.linear.gather [hbm4b:s6+s5], $0x50, $0x38;
	[tilespmem:$0x19480] =	vst v63  }
.LBB2_9:
0xc8: {  	_ =	sfence.sel $0x180000  }
0xc9: {  	[bflag:$0x0] =	sbarrier.arrive $0xFFFF  }
0xca: {  	_ =	strace $0x9000004A  }
0xcb: {  	[bflag:$0x2] =	sbarrier.arrive $0xFFFF  }
0xcc: {  	s0 =	rddreg [dreg:$0x4]  }
0xcd: {  	s0 =	sadd.s32 @!p0 $0x100000, s0  }
0xce: {  	[sflag:s0] =	ssyncadd.tile.s32 @!p0 $0x1;
	_ =	shalt  }
.Lfunc_end2:
_tile_overlayer_lowered:
.L_overlay_start_2:
0xcf: {  	(tag) =	ssettag $0x2  }
0xd0: {  	s0 =	rddreg [dreg:$0x0];
	s2 =	stileid.u32  }
0xd1: {  	s1 =	rddreg [dreg:$0x1];
	p0 =	sne.s32 s2, $0x0  }
0xd2: {  	s3 =	rddreg [dreg:$0x2];
	[bflag:$0x3] =	sbarrier.arrive $0xFFFF;
	s2 =	simm.s32 @!p0 $0x1C07  }
0xd3: {  	[timem:s3], [sflag:s2] =	dma.local @!p0 [hbm:s0], s1  }
0xd4: {  	s0 =	simm.s32 @!p0 $0x7  }
0xd5: {  	_ =	swait.ge @!p0 [sflag:s0], s1  }
0xd6: {  	s1 =	ssub.s32 @!p0 $0x0, s1;
	[sflag:s0] =	ssyncset.done @!p0 $0x0  }
0xd7: {  	[sflag:s0] =	ssyncadd.s32 @!p0 s1  }
0xd8: {  	[bflag:$0x3] =	sbarrier.arrive $0xFFFF  }
0xd9: {  	_ =	shalt  }

</sc_bundles>
